<compile_context>
chip_gen: v7x
topology: tpu7x:2x2x1
jax: 0.10.2.dev20260603
libtpu: 0.0.44.dev20260713+nightly
codegen_flags: <defaults>
</compile_context>

<pallas_src>
import functools

import jax
import jax.numpy as jnp
from jax import lax
from jax.experimental import pallas as pl
from jax.experimental.pallas import tpu as pltpu
from jax.experimental.pallas import tpu_sc as plsc

D = 256
HALF = 128
N = 10000
E = 160000

NC = 2
NS = 16
CH = 128
NCH = 79
EP = NS * NCH * CH
EPT = NCH * CH
NP = 10240
RPT = NP // NS
BM = 1000


def _nf_body(x_ref, wn_ref, bn_ref, out_ref):
    nf = lax.dot_general(x_ref[...], wn_ref[...], (((1,), (1,)), ((), ())),
                         preferred_element_type=jnp.float32)
    nf = nf + bn_ref[...]
    out_ref[0] = nf[:, :HALF]
    out_ref[1] = nf[:, HALF:]


def _nf_call(x_flat, Wn, bn2):
    return pl.pallas_call(
        _nf_body,
        grid=(N // BM,),
        in_specs=[
            pl.BlockSpec((BM, D), lambda i: (i, 0)),
            pl.BlockSpec((D, D), lambda i: (0, 0)),
            pl.BlockSpec((1, D), lambda i: (0, 0)),
        ],
        out_specs=pl.BlockSpec((NC, BM, HALF), lambda i: (0, i, 0)),
        out_shape=jax.ShapeDtypeStruct((NC, N, HALF), jnp.float32),
    )(x_flat, Wn, bn2)


@functools.cache
def _make_sc_aggr():
    mesh = plsc.VectorSubcoreMesh(core_axis_name="c", subcore_axis_name="s")

    @functools.partial(
        pl.kernel,
        out_type=jax.ShapeDtypeStruct((NC, NP, HALF), jnp.float32),
        mesh=mesh,
        scratch_types=[
            pltpu.VMEM_SHARED((NP, HALF), jnp.float32),
            pltpu.VMEM((NCH, CH), jnp.int32),
            pltpu.VMEM((NCH, CH), jnp.int32),
            pltpu.VMEM((NCH, CH), jnp.float32),
            pltpu.VMEM((CH, HALF), jnp.float32),
            pltpu.SemaphoreType.DMA,
        ],
    )
    def sc_aggr(nf2, col3, row3, w3, out, aggr_sh, colv, rowv, wv, msg, sem):
        c = lax.axis_index("c")
        s = lax.axis_index("s")

        pltpu.sync_copy(col3.at[s], colv)
        pltpu.sync_copy(row3.at[s], rowv)
        pltpu.sync_copy(w3.at[s], wv)

        zeros16 = jnp.zeros((16,), jnp.float32)

        def zero_row(i, carry):
            for j in range(HALF // 16):
                msg[i, pl.ds(j * 16, 16)] = zeros16
            return carry

        lax.fori_loop(0, CH, zero_row, 0)
        for t in range(RPT // CH):
            pltpu.async_copy(msg, aggr_sh.at[pl.ds(s * RPT + t * CH, CH)],
                             sem)
        for t in range(RPT // CH):
            pltpu.make_async_copy(
                msg, aggr_sh.at[pl.ds(s * RPT + t * CH, CH)], sem).wait()
        plsc.subcore_barrier()

        def chunk(k, carry):
            pltpu.async_copy(nf2.at[c].at[colv.at[k]], msg, sem).wait()

            def edge16(t, inner):
                wvec = wv[k, pl.ds(t * 16, 16)]
                for l in range(16):
                    wval = wvec[l]
                    e = t * 16 + l
                    for j in range(HALF // 16):
                        sl = pl.ds(j * 16, 16)
                        msg[e, sl] = msg[e, sl] * wval
                return inner

            lax.fori_loop(0, CH // 16, edge16, 0)
            pltpu.sync_copy(msg, aggr_sh.at[rowv.at[k]], add=True)
            return carry

        lax.fori_loop(0, NCH, chunk, 0)
        plsc.subcore_barrier()

        pltpu.sync_copy(aggr_sh.at[pl.ds(s * RPT, RPT)],
                        out.at[c].at[pl.ds(s * RPT, RPT)])

    return sc_aggr


def _sc_aggr(nf2, col3, row3, w3):
    return _make_sc_aggr()(nf2, col3, row3, w3)


def _mlp_body(x_ref, a2_ref, ws_ref, wg1_ref, wg2_ref, bs_ref, bg1_ref,
              bg2_ref, out_ref):
    x_blk = x_ref[...]
    sf = lax.dot_general(x_blk, ws_ref[...], (((1,), (1,)), ((), ())),
                         preferred_element_type=jnp.float32) + bs_ref[...]
    aggr = jnp.concatenate([a2_ref[0], a2_ref[1]], axis=-1)
    h = jnp.concatenate([sf, aggr], axis=-1)
    g = lax.dot_general(h, wg1_ref[...], (((1,), (1,)), ((), ())),
                        preferred_element_type=jnp.float32) + bg1_ref[...]
    g = 0.5 * g * (1.0 + lax.erf(g * (2.0 ** -0.5)))
    out = lax.dot_general(g, wg2_ref[...], (((1,), (1,)), ((), ())),
                          preferred_element_type=jnp.float32) + bg2_ref[...]
    out_ref[...] = x_blk + out


def _mlp_call(x_flat, aggr2, Ws, Wg1, Wg2, bs2, bg12, bg22):
    return pl.pallas_call(
        _mlp_body,
        grid=(N // BM,),
        in_specs=[
            pl.BlockSpec((BM, D), lambda i: (i, 0)),
            pl.BlockSpec((NC, BM, HALF), lambda i: (0, i, 0)),
            pl.BlockSpec((D, D), lambda i: (0, 0)),
            pl.BlockSpec((D, 2 * D), lambda i: (0, 0)),
            pl.BlockSpec((D, D), lambda i: (0, 0)),
            pl.BlockSpec((1, D), lambda i: (0, 0)),
            pl.BlockSpec((1, D), lambda i: (0, 0)),
            pl.BlockSpec((1, D), lambda i: (0, 0)),
        ],
        out_specs=pl.BlockSpec((BM, D), lambda i: (i, 0)),
        out_shape=jax.ShapeDtypeStruct((N, D), jnp.float32),
    )(x_flat, aggr2, Ws, Wg1, Wg2, bs2, bg12, bg22)


def kernel(x, edge_index, edge_values, Ws, bs, Wn, bn, Wg1, bg1, Wg2, bg2):
    x_flat = x[0]
    pad = EP - E
    ei = edge_index.astype(jnp.int32)
    row = jnp.pad(ei[0], (0, pad)).reshape(NS, NCH, CH)
    col = jnp.pad(ei[1], (0, pad)).reshape(NS, NCH, CH)
    w3 = jnp.pad(edge_values.astype(jnp.float32), (0, pad)).reshape(
        NS, NCH, CH)

    nf2 = _nf_call(x_flat, Wn, bn.reshape(1, D))
    aggr2 = _sc_aggr(nf2, col, row, w3)
    out = _mlp_call(x_flat, aggr2, Ws, Wg1, Wg2, bs.reshape(1, D),
                    bg1.reshape(1, D), bg2.reshape(1, D))
    return out[None]

# --- scband reference (transcript-rebuilt; emitter-appended) ---
"""Pipeline reference for scband-sparse-physics-gcn-249108103786 (READ-ONLY COPY).

The authoritative reference and input builder live on the scoring server;
editing this copy changes nothing except your own understanding.
"""

import jax, jax.numpy as jnp
import numpy as np

D_MODEL = 256
N_NODES = 10000
N_EDGES = 160000

def setup_inputs(seed: int = 0) -> dict:
    key = jax.random.key(seed)
    ks = jax.random.split(key, 12)
    x = jax.random.normal(ks[0], (1, N_NODES, D_MODEL), dtype=jnp.float32)
    edge_index = jax.random.randint(ks[1], (2, N_EDGES), 0, N_NODES, dtype=jnp.int64)
    edge_values = jax.random.uniform(ks[2], (N_EDGES,), dtype=jnp.float32)
    s = 1.0 / np.sqrt(D_MODEL)
    s2 = 1.0 / np.sqrt(2 * D_MODEL)
    Ws = jax.random.uniform(ks[3], (D_MODEL, D_MODEL), minval=-s, maxval=s, dtype=jnp.float32)
    bs = jax.random.uniform(ks[4], (D_MODEL,), minval=-s, maxval=s, dtype=jnp.float32)
    Wn = jax.random.uniform(ks[5], (D_MODEL, D_MODEL), minval=-s, maxval=s, dtype=jnp.float32)
    bn = jax.random.uniform(ks[6], (D_MODEL,), minval=-s, maxval=s, dtype=jnp.float32)
    Wg1 = jax.random.uniform(ks[7], (D_MODEL, 2 * D_MODEL), minval=-s2, maxval=s2, dtype=jnp.float32)
    bg1 = jax.random.uniform(ks[8], (D_MODEL,), minval=-s2, maxval=s2, dtype=jnp.float32)
    Wg2 = jax.random.uniform(ks[9], (D_MODEL, D_MODEL), minval=-s, maxval=s, dtype=jnp.float32)
    bg2 = jax.random.uniform(ks[10], (D_MODEL,), minval=-s, maxval=s, dtype=jnp.float32)
    return {"x": x, "edge_index": edge_index, "edge_values": edge_values,
            "Ws": Ws, "bs": bs, "Wn": Wn, "bn": bn,
            "Wg1": Wg1, "bg1": bg1, "Wg2": Wg2, "bg2": bg2}

def reference(x, edge_index, edge_values, Ws, bs, Wn, bn, Wg1, bg1, Wg2, bg2):
    B, N, C = x.shape
    x_flat = x[0] if B == 1 else x.reshape(B * N, C)
    row, col = edge_index[0], edge_index[1]
    w = edge_values.astype(x.dtype)
    neighbor_features = x_flat @ Wn.T + bn
    messages = neighbor_features[col] * w[:, None]
    aggr = jnp.zeros_like(x_flat).at[row].add(messages)
    self_features = x_flat @ Ws.T + bs
    h = jnp.concatenate([self_features, aggr], axis=-1)
    g = h @ Wg1.T + bg1
    g = jax.nn.gelu(g, approximate=False)
    g = g @ Wg2.T + bg2
    out = x_flat + g
    return out[None] if B == 1 else out.reshape(B, N, C)

if __name__ == "__main__":
    import jax
    _d = setup_inputs()
    print(jax.jit(kernel)(*tuple(_d.values())))

</pallas_src>

<mosaic_0001>
#map = affine_map<(d0, d1) -> (0, 0, 0)>
module attributes {stable_mosaic.version = 14 : i64} {
  func.func @sc_aggr(%arg0: i32, %arg1: i32, %arg2: memref<2x10000x128xf32, #tpu.memory_space<hbm>>, %arg3: memref<16x79x128xi32, #tpu.memory_space<hbm>>, %arg4: memref<16x79x128xi32, #tpu.memory_space<hbm>>, %arg5: memref<16x79x128xf32, #tpu.memory_space<hbm>>, %arg6: memref<2x10240x128xf32, #tpu.memory_space<hbm>>, %arg7: memref<10240x128xf32, #tpu.memory_space<vmem_shared>>, %arg8: memref<79x128xi32, #tpu.memory_space<vmem>>, %arg9: memref<79x128xi32, #tpu.memory_space<vmem>>, %arg10: memref<79x128xf32, #tpu.memory_space<vmem>>, %arg11: memref<128x128xf32, #tpu.memory_space<vmem>>, %arg12: memref<!tpu.dma_semaphore, #tpu.memory_space<semaphore_mem>>) attributes {dimension_semantics = [#tpu.dimension_semantics<core_parallel>, #tpu.dimension_semantics<subcore_parallel>], iteration_bounds = array<i64: 2, 16>, scalar_prefetch = 0 : i64, scratch_operands = 6 : i64, tpu.core_type = #tpu.core_type<sc_vector_subcore>, window_params = [{transform_indices = #map}, {transform_indices = #map}, {transform_indices = #map}, {transform_indices = #map}, {transform_indices = #map}]} {
    "tpu.region"() ({
      %run_scoped3A = tpu.sem_alloc : memref<!tpu.dma_semaphore, #tpu.memory_space<semaphore_mem>>
      %dma_start3A_93 = arith.constant 0 : i32
      %dma_start3A_94 = arith.constant 0 : i32
      %dma_start3A_95 = tpu.memref_slice %arg3[%arg1, %dma_start3A_93, %dma_start3A_94] : memref<16x79x128xi32, #tpu.memory_space<hbm>> -> memref<1x79x128xi32, #tpu.memory_space<hbm>>
      %dma_start3A_96 = tpu.memref_squeeze %dma_start3A_95 : memref<1x79x128xi32, #tpu.memory_space<hbm>> -> memref<79x128xi32, #tpu.memory_space<hbm>>
      %dma_start3A_97 = arith.constant 0 : i32
      %dma_start3A_98 = arith.constant 0 : i32
      %dma_start3A_99 = tpu.memref_slice %arg3[%arg1, %dma_start3A_97, %dma_start3A_98] : memref<16x79x128xi32, #tpu.memory_space<hbm>> -> memref<1x79x128xi32, #tpu.memory_space<hbm>>
      %dma_start3A_100 = tpu.memref_squeeze %dma_start3A_99 : memref<1x79x128xi32, #tpu.memory_space<hbm>> -> memref<79x128xi32, #tpu.memory_space<hbm>>
      tpu.enqueue_dma source(%dma_start3A_100 : memref<79x128xi32, #tpu.memory_space<hbm>>) target(%arg8 : memref<79x128xi32, #tpu.memory_space<vmem>>) target_semaphore(%run_scoped3A : memref<!tpu.dma_semaphore, #tpu.memory_space<semaphore_mem>>)
      %dma_wait3A_101 = arith.constant 0 : i32
      %dma_wait3A_102 = arith.constant 0 : i32
      %dma_wait3A_103 = tpu.memref_slice %arg3[%arg1, %dma_wait3A_101, %dma_wait3A_102] : memref<16x79x128xi32, #tpu.memory_space<hbm>> -> memref<1x79x128xi32, #tpu.memory_space<hbm>>
      %dma_wait3A_104 = tpu.memref_squeeze %dma_wait3A_103 : memref<1x79x128xi32, #tpu.memory_space<hbm>> -> memref<79x128xi32, #tpu.memory_space<hbm>>
      %dma_wait3A_105 = arith.constant 0 : i32
      %dma_wait3A_106 = arith.constant 0 : i32
      %dma_wait3A_107 = tpu.memref_slice %arg3[%arg1, %dma_wait3A_105, %dma_wait3A_106] : memref<16x79x128xi32, #tpu.memory_space<hbm>> -> memref<1x79x128xi32, #tpu.memory_space<hbm>>
      %dma_wait3A_108 = tpu.memref_squeeze %dma_wait3A_107 : memref<1x79x128xi32, #tpu.memory_space<hbm>> -> memref<79x128xi32, #tpu.memory_space<hbm>>
      tpu.wait_dma2 semaphore(%run_scoped3A : memref<!tpu.dma_semaphore, #tpu.memory_space<semaphore_mem>>) src(%dma_wait3A_108 : memref<79x128xi32, #tpu.memory_space<hbm>>) dst(%arg8 : memref<79x128xi32, #tpu.memory_space<vmem>>)
      tpu.yield
    }) : () -> ()
    "tpu.region"() ({
      %run_scoped3A = tpu.sem_alloc : memref<!tpu.dma_semaphore, #tpu.memory_space<semaphore_mem>>
      %dma_start3A_93 = arith.constant 0 : i32
      %dma_start3A_94 = arith.constant 0 : i32
      %dma_start3A_95 = tpu.memref_slice %arg4[%arg1, %dma_start3A_93, %dma_start3A_94] : memref<16x79x128xi32, #tpu.memory_space<hbm>> -> memref<1x79x128xi32, #tpu.memory_space<hbm>>
      %dma_start3A_96 = tpu.memref_squeeze %dma_start3A_95 : memref<1x79x128xi32, #tpu.memory_space<hbm>> -> memref<79x128xi32, #tpu.memory_space<hbm>>
      %dma_start3A_97 = arith.constant 0 : i32
      %dma_start3A_98 = arith.constant 0 : i32
      %dma_start3A_99 = tpu.memref_slice %arg4[%arg1, %dma_start3A_97, %dma_start3A_98] : memref<16x79x128xi32, #tpu.memory_space<hbm>> -> memref<1x79x128xi32, #tpu.memory_space<hbm>>
      %dma_start3A_100 = tpu.memref_squeeze %dma_start3A_99 : memref<1x79x128xi32, #tpu.memory_space<hbm>> -> memref<79x128xi32, #tpu.memory_space<hbm>>
      tpu.enqueue_dma source(%dma_start3A_100 : memref<79x128xi32, #tpu.memory_space<hbm>>) target(%arg9 : memref<79x128xi32, #tpu.memory_space<vmem>>) target_semaphore(%run_scoped3A : memref<!tpu.dma_semaphore, #tpu.memory_space<semaphore_mem>>)
      %dma_wait3A_101 = arith.constant 0 : i32
      %dma_wait3A_102 = arith.constant 0 : i32
      %dma_wait3A_103 = tpu.memref_slice %arg4[%arg1, %dma_wait3A_101, %dma_wait3A_102] : memref<16x79x128xi32, #tpu.memory_space<hbm>> -> memref<1x79x128xi32, #tpu.memory_space<hbm>>
      %dma_wait3A_104 = tpu.memref_squeeze %dma_wait3A_103 : memref<1x79x128xi32, #tpu.memory_space<hbm>> -> memref<79x128xi32, #tpu.memory_space<hbm>>
      %dma_wait3A_105 = arith.constant 0 : i32
      %dma_wait3A_106 = arith.constant 0 : i32
      %dma_wait3A_107 = tpu.memref_slice %arg4[%arg1, %dma_wait3A_105, %dma_wait3A_106] : memref<16x79x128xi32, #tpu.memory_space<hbm>> -> memref<1x79x128xi32, #tpu.memory_space<hbm>>
      %dma_wait3A_108 = tpu.memref_squeeze %dma_wait3A_107 : memref<1x79x128xi32, #tpu.memory_space<hbm>> -> memref<79x128xi32, #tpu.memory_space<hbm>>
      tpu.wait_dma2 semaphore(%run_scoped3A : memref<!tpu.dma_semaphore, #tpu.memory_space<semaphore_mem>>) src(%dma_wait3A_108 : memref<79x128xi32, #tpu.memory_space<hbm>>) dst(%arg9 : memref<79x128xi32, #tpu.memory_space<vmem>>)
      tpu.yield
    }) : () -> ()
    "tpu.region"() ({
      %run_scoped3A = tpu.sem_alloc : memref<!tpu.dma_semaphore, #tpu.memory_space<semaphore_mem>>
      %dma_start3A_93 = arith.constant 0 : i32
      %dma_start3A_94 = arith.constant 0 : i32
      %dma_start3A_95 = tpu.memref_slice %arg5[%arg1, %dma_start3A_93, %dma_start3A_94] : memref<16x79x128xf32, #tpu.memory_space<hbm>> -> memref<1x79x128xf32, #tpu.memory_space<hbm>>
      %dma_start3A_96 = tpu.memref_squeeze %dma_start3A_95 : memref<1x79x128xf32, #tpu.memory_space<hbm>> -> memref<79x128xf32, #tpu.memory_space<hbm>>
      %dma_start3A_97 = arith.constant 0 : i32
      %dma_start3A_98 = arith.constant 0 : i32
      %dma_start3A_99 = tpu.memref_slice %arg5[%arg1, %dma_start3A_97, %dma_start3A_98] : memref<16x79x128xf32, #tpu.memory_space<hbm>> -> memref<1x79x128xf32, #tpu.memory_space<hbm>>
      %dma_start3A_100 = tpu.memref_squeeze %dma_start3A_99 : memref<1x79x128xf32, #tpu.memory_space<hbm>> -> memref<79x128xf32, #tpu.memory_space<hbm>>
      tpu.enqueue_dma source(%dma_start3A_100 : memref<79x128xf32, #tpu.memory_space<hbm>>) target(%arg10 : memref<79x128xf32, #tpu.memory_space<vmem>>) target_semaphore(%run_scoped3A : memref<!tpu.dma_semaphore, #tpu.memory_space<semaphore_mem>>)
      %dma_wait3A_101 = arith.constant 0 : i32
      %dma_wait3A_102 = arith.constant 0 : i32
      %dma_wait3A_103 = tpu.memref_slice %arg5[%arg1, %dma_wait3A_101, %dma_wait3A_102] : memref<16x79x128xf32, #tpu.memory_space<hbm>> -> memref<1x79x128xf32, #tpu.memory_space<hbm>>
      %dma_wait3A_104 = tpu.memref_squeeze %dma_wait3A_103 : memref<1x79x128xf32, #tpu.memory_space<hbm>> -> memref<79x128xf32, #tpu.memory_space<hbm>>
      %dma_wait3A_105 = arith.constant 0 : i32
      %dma_wait3A_106 = arith.constant 0 : i32
      %dma_wait3A_107 = tpu.memref_slice %arg5[%arg1, %dma_wait3A_105, %dma_wait3A_106] : memref<16x79x128xf32, #tpu.memory_space<hbm>> -> memref<1x79x128xf32, #tpu.memory_space<hbm>>
      %dma_wait3A_108 = tpu.memref_squeeze %dma_wait3A_107 : memref<1x79x128xf32, #tpu.memory_space<hbm>> -> memref<79x128xf32, #tpu.memory_space<hbm>>
      tpu.wait_dma2 semaphore(%run_scoped3A : memref<!tpu.dma_semaphore, #tpu.memory_space<semaphore_mem>>) src(%dma_wait3A_108 : memref<79x128xf32, #tpu.memory_space<hbm>>) dst(%arg10 : memref<79x128xf32, #tpu.memory_space<vmem>>)
      tpu.yield
    }) : () -> ()
    %broadcast_in_dim3A = arith.constant 0.000000e+00 : f32
    %broadcast_in_dim3A_0 = vector.broadcast %broadcast_in_dim3A : f32 to vector<16xf32>
    %scan3A = arith.constant 0 : i32
    %scan3A_1 = arith.constant 0 : i32
    %scan3A_2 = arith.constant 128 : i32
    %scan3A_3 = arith.addi %scan3A_1, %scan3A_2 : i32
    %scan3A_4 = arith.constant 1 : i32
    scf.for %scan3A_93 = %scan3A_1 to %scan3A_3 step %scan3A_4  : i32 {
      %swap3A = arith.index_cast %scan3A_93 : i32 to index
      %swap3A_94 = arith.constant 0 : index
      %swap3A_95 = tpu.vector_load %arg11[%swap3A, %swap3A_94] {strides = array<i32>} : memref<128x128xf32, #tpu.memory_space<vmem>>, vector<1x16xf32>,
      %swap3A_96 = vector.shape_cast %swap3A_95 : vector<1x16xf32> to vector<16xf32>
      %swap3A_97 = vector.shape_cast %broadcast_in_dim3A_0 : vector<16xf32> to vector<1x16xf32>
      tpu.vector_store %arg11[%swap3A, %swap3A_94], %swap3A_97 {strides = array<i32>} : memref<128x128xf32, #tpu.memory_space<vmem>>, vector<1x16xf32>,
      %swap3A_98 = arith.index_cast %scan3A_93 : i32 to index
      %swap3A_99 = arith.constant 16 : index
      %swap3A_100 = tpu.vector_load %arg11[%swap3A_98, %swap3A_99] {strides = array<i32>} : memref<128x128xf32, #tpu.memory_space<vmem>>, vector<1x16xf32>,
      %swap3A_101 = vector.shape_cast %swap3A_100 : vector<1x16xf32> to vector<16xf32>
      %swap3A_102 = vector.shape_cast %broadcast_in_dim3A_0 : vector<16xf32> to vector<1x16xf32>
      tpu.vector_store %arg11[%swap3A_98, %swap3A_99], %swap3A_102 {strides = array<i32>} : memref<128x128xf32, #tpu.memory_space<vmem>>, vector<1x16xf32>,
      %swap3A_103 = arith.index_cast %scan3A_93 : i32 to index
      %swap3A_104 = arith.constant 32 : index
      %swap3A_105 = tpu.vector_load %arg11[%swap3A_103, %swap3A_104] {strides = array<i32>} : memref<128x128xf32, #tpu.memory_space<vmem>>, vector<1x16xf32>,
      %swap3A_106 = vector.shape_cast %swap3A_105 : vector<1x16xf32> to vector<16xf32>
      %swap3A_107 = vector.shape_cast %broadcast_in_dim3A_0 : vector<16xf32> to vector<1x16xf32>
      tpu.vector_store %arg11[%swap3A_103, %swap3A_104], %swap3A_107 {strides = array<i32>} : memref<128x128xf32, #tpu.memory_space<vmem>>, vector<1x16xf32>,
      %swap3A_108 = arith.index_cast %scan3A_93 : i32 to index
      %swap3A_109 = arith.constant 48 : index
      %swap3A_110 = tpu.vector_load %arg11[%swap3A_108, %swap3A_109] {strides = array<i32>} : memref<128x128xf32, #tpu.memory_space<vmem>>, vector<1x16xf32>,
      %swap3A_111 = vector.shape_cast %swap3A_110 : vector<1x16xf32> to vector<16xf32>
      %swap3A_112 = vector.shape_cast %broadcast_in_dim3A_0 : vector<16xf32> to vector<1x16xf32>
      tpu.vector_store %arg11[%swap3A_108, %swap3A_109], %swap3A_112 {strides = array<i32>} : memref<128x128xf32, #tpu.memory_space<vmem>>, vector<1x16xf32>,
      %swap3A_113 = arith.index_cast %scan3A_93 : i32 to index
      %swap3A_114 = arith.constant 64 : index
      %swap3A_115 = tpu.vector_load %arg11[%swap3A_113, %swap3A_114] {strides = array<i32>} : memref<128x128xf32, #tpu.memory_space<vmem>>, vector<1x16xf32>,
      %swap3A_116 = vector.shape_cast %swap3A_115 : vector<1x16xf32> to vector<16xf32>
      %swap3A_117 = vector.shape_cast %broadcast_in_dim3A_0 : vector<16xf32> to vector<1x16xf32>
      tpu.vector_store %arg11[%swap3A_113, %swap3A_114], %swap3A_117 {strides = array<i32>} : memref<128x128xf32, #tpu.memory_space<vmem>>, vector<1x16xf32>,
      %swap3A_118 = arith.index_cast %scan3A_93 : i32 to index
      %swap3A_119 = arith.constant 80 : index
      %swap3A_120 = tpu.vector_load %arg11[%swap3A_118, %swap3A_119] {strides = array<i32>} : memref<128x128xf32, #tpu.memory_space<vmem>>, vector<1x16xf32>,
      %swap3A_121 = vector.shape_cast %swap3A_120 : vector<1x16xf32> to vector<16xf32>
      %swap3A_122 = vector.shape_cast %broadcast_in_dim3A_0 : vector<16xf32> to vector<1x16xf32>
      tpu.vector_store %arg11[%swap3A_118, %swap3A_119], %swap3A_122 {strides = array<i32>} : memref<128x128xf32, #tpu.memory_space<vmem>>, vector<1x16xf32>,
      %swap3A_123 = arith.index_cast %scan3A_93 : i32 to index
      %swap3A_124 = arith.constant 96 : index
      %swap3A_125 = tpu.vector_load %arg11[%swap3A_123, %swap3A_124] {strides = array<i32>} : memref<128x128xf32, #tpu.memory_space<vmem>>, vector<1x16xf32>,
      %swap3A_126 = vector.shape_cast %swap3A_125 : vector<1x16xf32> to vector<16xf32>
      %swap3A_127 = vector.shape_cast %broadcast_in_dim3A_0 : vector<16xf32> to vector<1x16xf32>
      tpu.vector_store %arg11[%swap3A_123, %swap3A_124], %swap3A_127 {strides = array<i32>} : memref<128x128xf32, #tpu.memory_space<vmem>>, vector<1x16xf32>,
      %swap3A_128 = arith.index_cast %scan3A_93 : i32 to index
      %swap3A_129 = arith.constant 112 : index
      %swap3A_130 = tpu.vector_load %arg11[%swap3A_128, %swap3A_129] {strides = array<i32>} : memref<128x128xf32, #tpu.memory_space<vmem>>, vector<1x16xf32>,
      %swap3A_131 = vector.shape_cast %swap3A_130 : vector<1x16xf32> to vector<16xf32>
      %swap3A_132 = vector.shape_cast %broadcast_in_dim3A_0 : vector<16xf32> to vector<1x16xf32>
      tpu.vector_store %arg11[%swap3A_128, %swap3A_129], %swap3A_132 {strides = array<i32>} : memref<128x128xf32, #tpu.memory_space<vmem>>, vector<1x16xf32>,
    }
    %scan3A_5 = arith.constant 128 : i32
    %mul3A = arith.constant 640 : i32
    %mul3A_6 = arith.muli %arg1, %mul3A : i32
    %add3A = arith.constant 0 : i32
    %add3A_7 = arith.addi %mul3A_6, %add3A : i32
    %dma_start3A = arith.constant 0 : i32
    %dma_start3A_8 = tpu.memref_slice %arg7[%add3A_7, %dma_start3A] : memref<10240x128xf32, #tpu.memory_space<vmem_shared>> -> memref<128x128xf32, #tpu.memory_space<vmem_shared>>
    %dma_start3A_9 = arith.constant 0 : i32
    %dma_start3A_10 = tpu.memref_slice %arg7[%add3A_7, %dma_start3A_9] : memref<10240x128xf32, #tpu.memory_space<vmem_shared>> -> memref<128x128xf32, #tpu.memory_space<vmem_shared>>
    tpu.enqueue_dma source(%arg11 : memref<128x128xf32, #tpu.memory_space<vmem>>) target(%dma_start3A_10 : memref<128x128xf32, #tpu.memory_space<vmem_shared>>) target_semaphore(%arg12 : memref<!tpu.dma_semaphore, #tpu.memory_space<semaphore_mem>>)
    %mul3A_11 = arith.constant 640 : i32
    %mul3A_12 = arith.muli %arg1, %mul3A_11 : i32
    %add3A_13 = arith.constant 128 : i32
    %add3A_14 = arith.addi %mul3A_12, %add3A_13 : i32
    %dma_start3A_15 = arith.constant 0 : i32
    %dma_start3A_16 = tpu.memref_slice %arg7[%add3A_14, %dma_start3A_15] : memref<10240x128xf32, #tpu.memory_space<vmem_shared>> -> memref<128x128xf32, #tpu.memory_space<vmem_shared>>
    %dma_start3A_17 = arith.constant 0 : i32
    %dma_start3A_18 = tpu.memref_slice %arg7[%add3A_14, %dma_start3A_17] : memref<10240x128xf32, #tpu.memory_space<vmem_shared>> -> memref<128x128xf32, #tpu.memory_space<vmem_shared>>
    tpu.enqueue_dma source(%arg11 : memref<128x128xf32, #tpu.memory_space<vmem>>) target(%dma_start3A_18 : memref<128x128xf32, #tpu.memory_space<vmem_shared>>) target_semaphore(%arg12 : memref<!tpu.dma_semaphore, #tpu.memory_space<semaphore_mem>>)
    %mul3A_19 = arith.constant 640 : i32
    %mul3A_20 = arith.muli %arg1, %mul3A_19 : i32
    %add3A_21 = arith.constant 256 : i32
    %add3A_22 = arith.addi %mul3A_20, %add3A_21 : i32
    %dma_start3A_23 = arith.constant 0 : i32
    %dma_start3A_24 = tpu.memref_slice %arg7[%add3A_22, %dma_start3A_23] : memref<10240x128xf32, #tpu.memory_space<vmem_shared>> -> memref<128x128xf32, #tpu.memory_space<vmem_shared>>
    %dma_start3A_25 = arith.constant 0 : i32
    %dma_start3A_26 = tpu.memref_slice %arg7[%add3A_22, %dma_start3A_25] : memref<10240x128xf32, #tpu.memory_space<vmem_shared>> -> memref<128x128xf32, #tpu.memory_space<vmem_shared>>
    tpu.enqueue_dma source(%arg11 : memref<128x128xf32, #tpu.memory_space<vmem>>) target(%dma_start3A_26 : memref<128x128xf32, #tpu.memory_space<vmem_shared>>) target_semaphore(%arg12 : memref<!tpu.dma_semaphore, #tpu.memory_space<semaphore_mem>>)
    %mul3A_27 = arith.constant 640 : i32
    %mul3A_28 = arith.muli %arg1, %mul3A_27 : i32
    %add3A_29 = arith.constant 384 : i32
    %add3A_30 = arith.addi %mul3A_28, %add3A_29 : i32
    %dma_start3A_31 = arith.constant 0 : i32
    %dma_start3A_32 = tpu.memref_slice %arg7[%add3A_30, %dma_start3A_31] : memref<10240x128xf32, #tpu.memory_space<vmem_shared>> -> memref<128x128xf32, #tpu.memory_space<vmem_shared>>
    %dma_start3A_33 = arith.constant 0 : i32
    %dma_start3A_34 = tpu.memref_slice %arg7[%add3A_30, %dma_start3A_33] : memref<10240x128xf32, #tpu.memory_space<vmem_shared>> -> memref<128x128xf32, #tpu.memory_space<vmem_shared>>
    tpu.enqueue_dma source(%arg11 : memref<128x128xf32, #tpu.memory_space<vmem>>) target(%dma_start3A_34 : memref<128x128xf32, #tpu.memory_space<vmem_shared>>) target_semaphore(%arg12 : memref<!tpu.dma_semaphore, #tpu.memory_space<semaphore_mem>>)
    %mul3A_35 = arith.constant 640 : i32
    %mul3A_36 = arith.muli %arg1, %mul3A_35 : i32
    %add3A_37 = arith.constant 512 : i32
    %add3A_38 = arith.addi %mul3A_36, %add3A_37 : i32
    %dma_start3A_39 = arith.constant 0 : i32
    %dma_start3A_40 = tpu.memref_slice %arg7[%add3A_38, %dma_start3A_39] : memref<10240x128xf32, #tpu.memory_space<vmem_shared>> -> memref<128x128xf32, #tpu.memory_space<vmem_shared>>
    %dma_start3A_41 = arith.constant 0 : i32
    %dma_start3A_42 = tpu.memref_slice %arg7[%add3A_38, %dma_start3A_41] : memref<10240x128xf32, #tpu.memory_space<vmem_shared>> -> memref<128x128xf32, #tpu.memory_space<vmem_shared>>
    tpu.enqueue_dma source(%arg11 : memref<128x128xf32, #tpu.memory_space<vmem>>) target(%dma_start3A_42 : memref<128x128xf32, #tpu.memory_space<vmem_shared>>) target_semaphore(%arg12 : memref<!tpu.dma_semaphore, #tpu.memory_space<semaphore_mem>>)
    %mul3A_43 = arith.constant 640 : i32
    %mul3A_44 = arith.muli %arg1, %mul3A_43 : i32
    %add3A_45 = arith.constant 0 : i32
    %add3A_46 = arith.addi %mul3A_44, %add3A_45 : i32
    %dma_wait3A = arith.constant 0 : i32
    %dma_wait3A_47 = tpu.memref_slice %arg7[%add3A_46, %dma_wait3A] : memref<10240x128xf32, #tpu.memory_space<vmem_shared>> -> memref<128x128xf32, #tpu.memory_space<vmem_shared>>
    %dma_wait3A_48 = arith.constant 0 : i32
    %dma_wait3A_49 = tpu.memref_slice %arg7[%add3A_46, %dma_wait3A_48] : memref<10240x128xf32, #tpu.memory_space<vmem_shared>> -> memref<128x128xf32, #tpu.memory_space<vmem_shared>>
    tpu.wait_dma2 semaphore(%arg12 : memref<!tpu.dma_semaphore, #tpu.memory_space<semaphore_mem>>) src(%arg11 : memref<128x128xf32, #tpu.memory_space<vmem>>) dst(%dma_wait3A_49 : memref<128x128xf32, #tpu.memory_space<vmem_shared>>)
    %mul3A_50 = arith.constant 640 : i32
    %mul3A_51 = arith.muli %arg1, %mul3A_50 : i32
    %add3A_52 = arith.constant 128 : i32
    %add3A_53 = arith.addi %mul3A_51, %add3A_52 : i32
    %dma_wait3A_54 = arith.constant 0 : i32
    %dma_wait3A_55 = tpu.memref_slice %arg7[%add3A_53, %dma_wait3A_54] : memref<10240x128xf32, #tpu.memory_space<vmem_shared>> -> memref<128x128xf32, #tpu.memory_space<vmem_shared>>
    %dma_wait3A_56 = arith.constant 0 : i32
    %dma_wait3A_57 = tpu.memref_slice %arg7[%add3A_53, %dma_wait3A_56] : memref<10240x128xf32, #tpu.memory_space<vmem_shared>> -> memref<128x128xf32, #tpu.memory_space<vmem_shared>>
    tpu.wait_dma2 semaphore(%arg12 : memref<!tpu.dma_semaphore, #tpu.memory_space<semaphore_mem>>) src(%arg11 : memref<128x128xf32, #tpu.memory_space<vmem>>) dst(%dma_wait3A_57 : memref<128x128xf32, #tpu.memory_space<vmem_shared>>)
    %mul3A_58 = arith.constant 640 : i32
    %mul3A_59 = arith.muli %arg1, %mul3A_58 : i32
    %add3A_60 = arith.constant 256 : i32
    %add3A_61 = arith.addi %mul3A_59, %add3A_60 : i32
    %dma_wait3A_62 = arith.constant 0 : i32
    %dma_wait3A_63 = tpu.memref_slice %arg7[%add3A_61, %dma_wait3A_62] : memref<10240x128xf32, #tpu.memory_space<vmem_shared>> -> memref<128x128xf32, #tpu.memory_space<vmem_shared>>
    %dma_wait3A_64 = arith.constant 0 : i32
    %dma_wait3A_65 = tpu.memref_slice %arg7[%add3A_61, %dma_wait3A_64] : memref<10240x128xf32, #tpu.memory_space<vmem_shared>> -> memref<128x128xf32, #tpu.memory_space<vmem_shared>>
    tpu.wait_dma2 semaphore(%arg12 : memref<!tpu.dma_semaphore, #tpu.memory_space<semaphore_mem>>) src(%arg11 : memref<128x128xf32, #tpu.memory_space<vmem>>) dst(%dma_wait3A_65 : memref<128x128xf32, #tpu.memory_space<vmem_shared>>)
    %mul3A_66 = arith.constant 640 : i32
    %mul3A_67 = arith.muli %arg1, %mul3A_66 : i32
    %add3A_68 = arith.constant 384 : i32
    %add3A_69 = arith.addi %mul3A_67, %add3A_68 : i32
    %dma_wait3A_70 = arith.constant 0 : i32
    %dma_wait3A_71 = tpu.memref_slice %arg7[%add3A_69, %dma_wait3A_70] : memref<10240x128xf32, #tpu.memory_space<vmem_shared>> -> memref<128x128xf32, #tpu.memory_space<vmem_shared>>
    %dma_wait3A_72 = arith.constant 0 : i32
    %dma_wait3A_73 = tpu.memref_slice %arg7[%add3A_69, %dma_wait3A_72] : memref<10240x128xf32, #tpu.memory_space<vmem_shared>> -> memref<128x128xf32, #tpu.memory_space<vmem_shared>>
    tpu.wait_dma2 semaphore(%arg12 : memref<!tpu.dma_semaphore, #tpu.memory_space<semaphore_mem>>) src(%arg11 : memref<128x128xf32, #tpu.memory_space<vmem>>) dst(%dma_wait3A_73 : memref<128x128xf32, #tpu.memory_space<vmem_shared>>)
    %mul3A_74 = arith.constant 640 : i32
    %mul3A_75 = arith.muli %arg1, %mul3A_74 : i32
    %add3A_76 = arith.constant 512 : i32
    %add3A_77 = arith.addi %mul3A_75, %add3A_76 : i32
    %dma_wait3A_78 = arith.constant 0 : i32
    %dma_wait3A_79 = tpu.memref_slice %arg7[%add3A_77, %dma_wait3A_78] : memref<10240x128xf32, #tpu.memory_space<vmem_shared>> -> memref<128x128xf32, #tpu.memory_space<vmem_shared>>
    %dma_wait3A_80 = arith.constant 0 : i32
    %dma_wait3A_81 = tpu.memref_slice %arg7[%add3A_77, %dma_wait3A_80] : memref<10240x128xf32, #tpu.memory_space<vmem_shared>> -> memref<128x128xf32, #tpu.memory_space<vmem_shared>>
    tpu.wait_dma2 semaphore(%arg12 : memref<!tpu.dma_semaphore, #tpu.memory_space<semaphore_mem>>) src(%arg11 : memref<128x128xf32, #tpu.memory_space<vmem>>) dst(%dma_wait3A_81 : memref<128x128xf32, #tpu.memory_space<vmem_shared>>)
    %barrier3A = arith.constant 0 : index
    tpu.barrier barrier_id(%barrier3A)
    %scan3A_82 = arith.constant 0 : i32
    %scan3A_83 = arith.constant 0 : i32
    %scan3A_84 = arith.constant 79 : i32
    %scan3A_85 = arith.addi %scan3A_83, %scan3A_84 : i32
    %scan3A_86 = arith.constant 1 : i32
    scf.for %scan3A_93 = %scan3A_83 to %scan3A_85 step %scan3A_86  : i32 {
      %dma_start3A_94 = arith.constant 0 : i32
      %dma_start3A_95 = tpu.memref_slice %arg8[%scan3A_93, %dma_start3A_94] : memref<79x128xi32, #tpu.memory_space<vmem>> -> memref<1x128xi32, #tpu.memory_space<vmem>>
      %dma_start3A_96 = tpu.memref_squeeze %dma_start3A_95 : memref<1x128xi32, #tpu.memory_space<vmem>> -> memref<128xi32, #tpu.memory_space<vmem>>
      %dma_start3A_97 = arith.constant 0 : i32
      %dma_start3A_98 = arith.constant 0 : i32
      %dma_start3A_99 = tpu.memref_slice %arg2[%arg0, %dma_start3A_97, %dma_start3A_98] : memref<2x10000x128xf32, #tpu.memory_space<hbm>> -> memref<1x10000x128xf32, #tpu.memory_space<hbm>>
      %dma_start3A_100 = tpu.memref_squeeze %dma_start3A_99 : memref<1x10000x128xf32, #tpu.memory_space<hbm>> -> memref<10000x128xf32, #tpu.memory_space<hbm>>
      %dma_start3A_101 = arith.constant 0 : i32
      %dma_start3A_102 = arith.constant 0 : i32
      %dma_start3A_103 = tpu.memref_slice %dma_start3A_100[%dma_start3A_101, %dma_start3A_102] : memref<10000x128xf32, #tpu.memory_space<hbm>> -> memref<10000x128xf32, #tpu.memory_space<hbm>>
      tpu.enqueue_indirect_dma source(%dma_start3A_103 : memref<10000x128xf32, #tpu.memory_space<hbm>>) target(%arg11 : memref<128x128xf32, #tpu.memory_space<vmem>>) offsets(%dma_start3A_96 : memref<128xi32, #tpu.memory_space<vmem>>) semaphore(%arg12 : memref<!tpu.dma_semaphore, #tpu.memory_space<semaphore_mem>>)
      %dma_wait3A_104 = arith.constant 0 : i32
      %dma_wait3A_105 = tpu.memref_slice %arg8[%scan3A_93, %dma_wait3A_104] : memref<79x128xi32, #tpu.memory_space<vmem>> -> memref<1x128xi32, #tpu.memory_space<vmem>>
      %dma_wait3A_106 = tpu.memref_squeeze %dma_wait3A_105 : memref<1x128xi32, #tpu.memory_space<vmem>> -> memref<128xi32, #tpu.memory_space<vmem>>
      %dma_wait3A_107 = arith.constant 0 : i32
      %dma_wait3A_108 = arith.constant 0 : i32
      %dma_wait3A_109 = tpu.memref_slice %arg2[%arg0, %dma_wait3A_107, %dma_wait3A_108] : memref<2x10000x128xf32, #tpu.memory_space<hbm>> -> memref<1x10000x128xf32, #tpu.memory_space<hbm>>
      %dma_wait3A_110 = tpu.memref_squeeze %dma_wait3A_109 : memref<1x10000x128xf32, #tpu.memory_space<hbm>> -> memref<10000x128xf32, #tpu.memory_space<hbm>>
      %dma_wait3A_111 = arith.constant 0 : i32
      %dma_wait3A_112 = arith.constant 0 : i32
      %dma_wait3A_113 = tpu.memref_slice %dma_wait3A_110[%dma_wait3A_111, %dma_wait3A_112] : memref<10000x128xf32, #tpu.memory_space<hbm>> -> memref<10000x128xf32, #tpu.memory_space<hbm>>
      tpu.wait_indirect_dma semaphore(%arg12 : memref<!tpu.dma_semaphore, #tpu.memory_space<semaphore_mem>>) src(%dma_wait3A_113 : memref<10000x128xf32, #tpu.memory_space<hbm>>) dst(%arg11 : memref<128x128xf32, #tpu.memory_space<vmem>>)
      %scan3A_114 = arith.constant 0 : i32
      %scan3A_115 = arith.constant 0 : i32
      %scan3A_116 = arith.constant 8 : i32
      %scan3A_117 = arith.addi %scan3A_115, %scan3A_116 : i32
      %scan3A_118 = arith.constant 1 : i32
      scf.for %scan3A_120 = %scan3A_115 to %scan3A_117 step %scan3A_118  : i32 {
        %mul3A_121 = arith.constant 16 : i32
        %mul3A_122 = arith.muli %scan3A_120, %mul3A_121 : i32
        %get3A = arith.index_cast %scan3A_93 : i32 to index
        %get3A_123 = arith.index_cast %mul3A_122 : i32 to index
        %get3A_124 = tpu.vector_load %arg10[%get3A, %get3A_123] {strides = array<i32>} : memref<79x128xf32, #tpu.memory_space<vmem>>, vector<1x16xf32>,
        %get3A_125 = vector.shape_cast %get3A_124 : vector<1x16xf32> to vector<16xf32>
        %slice3A = vector.extract_strided_slice %get3A_125 {offsets = [0], sizes = [1], strides = [1]} : vector<16xf32> to vector<1xf32>
        %squeeze3A = vector.extract %slice3A[0] : f32 from vector<1xf32>
        %mul3A_126 = arith.constant 16 : i32
        %mul3A_127 = arith.muli %scan3A_120, %mul3A_126 : i32
        %add3A_128 = arith.constant 0 : i32
        %add3A_129 = arith.addi %mul3A_127, %add3A_128 : i32
        %get3A_130 = arith.index_cast %add3A_129 : i32 to index
        %get3A_131 = arith.constant 0 : index
        %get3A_132 = tpu.vector_load %arg11[%get3A_130, %get3A_131] {strides = array<i32>} : memref<128x128xf32, #tpu.memory_space<vmem>>, vector<1x16xf32>,
        %get3A_133 = vector.shape_cast %get3A_132 : vector<1x16xf32> to vector<16xf32>
        %mul3A_134 = vector.broadcast %squeeze3A : f32 to vector<16xf32>
        %mul3A_135 = arith.mulf %get3A_133, %mul3A_134 : vector<16xf32>
        %swap3A = arith.index_cast %add3A_129 : i32 to index
        %swap3A_136 = arith.constant 0 : index
        %swap3A_137 = tpu.vector_load %arg11[%swap3A, %swap3A_136] {strides = array<i32>} : memref<128x128xf32, #tpu.memory_space<vmem>>, vector<1x16xf32>,
        %swap3A_138 = vector.shape_cast %swap3A_137 : vector<1x16xf32> to vector<16xf32>
        %swap3A_139 = vector.shape_cast %mul3A_135 : vector<16xf32> to vector<1x16xf32>
        tpu.vector_store %arg11[%swap3A, %swap3A_136], %swap3A_139 {strides = array<i32>} : memref<128x128xf32, #tpu.memory_space<vmem>>, vector<1x16xf32>,
        %get3A_140 = arith.index_cast %add3A_129 : i32 to index
        %get3A_141 = arith.constant 16 : index
        %get3A_142 = tpu.vector_load %arg11[%get3A_140, %get3A_141] {strides = array<i32>} : memref<128x128xf32, #tpu.memory_space<vmem>>, vector<1x16xf32>,
        %get3A_143 = vector.shape_cast %get3A_142 : vector<1x16xf32> to vector<16xf32>
        %mul3A_144 = vector.broadcast %squeeze3A : f32 to vector<16xf32>
        %mul3A_145 = arith.mulf %get3A_143, %mul3A_144 : vector<16xf32>
        %swap3A_146 = arith.index_cast %add3A_129 : i32 to index
        %swap3A_147 = arith.constant 16 : index
        %swap3A_148 = tpu.vector_load %arg11[%swap3A_146, %swap3A_147] {strides = array<i32>} : memref<128x128xf32, #tpu.memory_space<vmem>>, vector<1x16xf32>,
        %swap3A_149 = vector.shape_cast %swap3A_148 : vector<1x16xf32> to vector<16xf32>
        %swap3A_150 = vector.shape_cast %mul3A_145 : vector<16xf32> to vector<1x16xf32>
        tpu.vector_store %arg11[%swap3A_146, %swap3A_147], %swap3A_150 {strides = array<i32>} : memref<128x128xf32, #tpu.memory_space<vmem>>, vector<1x16xf32>,
        %get3A_151 = arith.index_cast %add3A_129 : i32 to index
        %get3A_152 = arith.constant 32 : index
        %get3A_153 = tpu.vector_load %arg11[%get3A_151, %get3A_152] {strides = array<i32>} : memref<128x128xf32, #tpu.memory_space<vmem>>, vector<1x16xf32>,
        %get3A_154 = vector.shape_cast %get3A_153 : vector<1x16xf32> to vector<16xf32>
        %mul3A_155 = vector.broadcast %squeeze3A : f32 to vector<16xf32>
        %mul3A_156 = arith.mulf %get3A_154, %mul3A_155 : vector<16xf32>
        %swap3A_157 = arith.index_cast %add3A_129 : i32 to index
        %swap3A_158 = arith.constant 32 : index
        %swap3A_159 = tpu.vector_load %arg11[%swap3A_157, %swap3A_158] {strides = array<i32>} : memref<128x128xf32, #tpu.memory_space<vmem>>, vector<1x16xf32>,
        %swap3A_160 = vector.shape_cast %swap3A_159 : vector<1x16xf32> to vector<16xf32>
        %swap3A_161 = vector.shape_cast %mul3A_156 : vector<16xf32> to vector<1x16xf32>
        tpu.vector_store %arg11[%swap3A_157, %swap3A_158], %swap3A_161 {strides = array<i32>} : memref<128x128xf32, #tpu.memory_space<vmem>>, vector<1x16xf32>,
        %get3A_162 = arith.index_cast %add3A_129 : i32 to index
        %get3A_163 = arith.constant 48 : index
        %get3A_164 = tpu.vector_load %arg11[%get3A_162, %get3A_163] {strides = array<i32>} : memref<128x128xf32, #tpu.memory_space<vmem>>, vector<1x16xf32>,
        %get3A_165 = vector.shape_cast %get3A_164 : vector<1x16xf32> to vector<16xf32>
        %mul3A_166 = vector.broadcast %squeeze3A : f32 to vector<16xf32>
        %mul3A_167 = arith.mulf %get3A_165, %mul3A_166 : vector<16xf32>
        %swap3A_168 = arith.index_cast %add3A_129 : i32 to index
        %swap3A_169 = arith.constant 48 : index
        %swap3A_170 = tpu.vector_load %arg11[%swap3A_168, %swap3A_169] {strides = array<i32>} : memref<128x128xf32, #tpu.memory_space<vmem>>, vector<1x16xf32>,
        %swap3A_171 = vector.shape_cast %swap3A_170 : vector<1x16xf32> to vector<16xf32>
        %swap3A_172 = vector.shape_cast %mul3A_167 : vector<16xf32> to vector<1x16xf32>
        tpu.vector_store %arg11[%swap3A_168, %swap3A_169], %swap3A_172 {strides = array<i32>} : memref<128x128xf32, #tpu.memory_space<vmem>>, vector<1x16xf32>,
        %get3A_173 = arith.index_cast %add3A_129 : i32 to index
        %get3A_174 = arith.constant 64 : index
        %get3A_175 = tpu.vector_load %arg11[%get3A_173, %get3A_174] {strides = array<i32>} : memref<128x128xf32, #tpu.memory_space<vmem>>, vector<1x16xf32>,
        %get3A_176 = vector.shape_cast %get3A_175 : vector<1x16xf32> to vector<16xf32>
        %mul3A_177 = vector.broadcast %squeeze3A : f32 to vector<16xf32>
        %mul3A_178 = arith.mulf %get3A_176, %mul3A_177 : vector<16xf32>
        %swap3A_179 = arith.index_cast %add3A_129 : i32 to index
        %swap3A_180 = arith.constant 64 : index
        %swap3A_181 = tpu.vector_load %arg11[%swap3A_179, %swap3A_180] {strides = array<i32>} : memref<128x128xf32, #tpu.memory_space<vmem>>, vector<1x16xf32>,
        %swap3A_182 = vector.shape_cast %swap3A_181 : vector<1x16xf32> to vector<16xf32>
        %swap3A_183 = vector.shape_cast %mul3A_178 : vector<16xf32> to vector<1x16xf32>
        tpu.vector_store %arg11[%swap3A_179, %swap3A_180], %swap3A_183 {strides = array<i32>} : memref<128x128xf32, #tpu.memory_space<vmem>>, vector<1x16xf32>,
        %get3A_184 = arith.index_cast %add3A_129 : i32 to index
        %get3A_185 = arith.constant 80 : index
        %get3A_186 = tpu.vector_load %arg11[%get3A_184, %get3A_185] {strides = array<i32>} : memref<128x128xf32, #tpu.memory_space<vmem>>, vector<1x16xf32>,
        %get3A_187 = vector.shape_cast %get3A_186 : vector<1x16xf32> to vector<16xf32>
        %mul3A_188 = vector.broadcast %squeeze3A : f32 to vector<16xf32>
        %mul3A_189 = arith.mulf %get3A_187, %mul3A_188 : vector<16xf32>
        %swap3A_190 = arith.index_cast %add3A_129 : i32 to index
        %swap3A_191 = arith.constant 80 : index
        %swap3A_192 = tpu.vector_load %arg11[%swap3A_190, %swap3A_191] {strides = array<i32>} : memref<128x128xf32, #tpu.memory_space<vmem>>, vector<1x16xf32>,
        %swap3A_193 = vector.shape_cast %swap3A_192 : vector<1x16xf32> to vector<16xf32>
        %swap3A_194 = vector.shape_cast %mul3A_189 : vector<16xf32> to vector<1x16xf32>
        tpu.vector_store %arg11[%swap3A_190, %swap3A_191], %swap3A_194 {strides = array<i32>} : memref<128x128xf32, #tpu.memory_space<vmem>>, vector<1x16xf32>,
        %get3A_195 = arith.index_cast %add3A_129 : i32 to index
        %get3A_196 = arith.constant 96 : index
        %get3A_197 = tpu.vector_load %arg11[%get3A_195, %get3A_196] {strides = array<i32>} : memref<128x128xf32, #tpu.memory_space<vmem>>, vector<1x16xf32>,
        %get3A_198 = vector.shape_cast %get3A_197 : vector<1x16xf32> to vector<16xf32>
        %mul3A_199 = vector.broadcast %squeeze3A : f32 to vector<16xf32>
        %mul3A_200 = arith.mulf %get3A_198, %mul3A_199 : vector<16xf32>
        %swap3A_201 = arith.index_cast %add3A_129 : i32 to index
        %swap3A_202 = arith.constant 96 : index
        %swap3A_203 = tpu.vector_load %arg11[%swap3A_201, %swap3A_202] {strides = array<i32>} : memref<128x128xf32, #tpu.memory_space<vmem>>, vector<1x16xf32>,
        %swap3A_204 = vector.shape_cast %swap3A_203 : vector<1x16xf32> to vector<16xf32>
        %swap3A_205 = vector.shape_cast %mul3A_200 : vector<16xf32> to vector<1x16xf32>
        tpu.vector_store %arg11[%swap3A_201, %swap3A_202], %swap3A_205 {strides = array<i32>} : memref<128x128xf32, #tpu.memory_space<vmem>>, vector<1x16xf32>,
        %get3A_206 = arith.index_cast %add3A_129 : i32 to index
        %get3A_207 = arith.constant 112 : index
        %get3A_208 = tpu.vector_load %arg11[%get3A_206, %get3A_207] {strides = array<i32>} : memref<128x128xf32, #tpu.memory_space<vmem>>, vector<1x16xf32>,
        %get3A_209 = vector.shape_cast %get3A_208 : vector<1x16xf32> to vector<16xf32>
        %mul3A_210 = vector.broadcast %squeeze3A : f32 to vector<16xf32>
        %mul3A_211 = arith.mulf %get3A_209, %mul3A_210 : vector<16xf32>
        %swap3A_212 = arith.index_cast %add3A_129 : i32 to index
        %swap3A_213 = arith.constant 112 : index
        %swap3A_214 = tpu.vector_load %arg11[%swap3A_212, %swap3A_213] {strides = array<i32>} : memref<128x128xf32, #tpu.memory_space<vmem>>, vector<1x16xf32>,
        %swap3A_215 = vector.shape_cast %swap3A_214 : vector<1x16xf32> to vector<16xf32>
        %swap3A_216 = vector.shape_cast %mul3A_211 : vector<16xf32> to vector<1x16xf32>
        tpu.vector_store %arg11[%swap3A_212, %swap3A_213], %swap3A_216 {strides = array<i32>} : memref<128x128xf32, #tpu.memory_space<vmem>>, vector<1x16xf32>,
        %slice3A_217 = vector.extract_strided_slice %get3A_125 {offsets = [1], sizes = [1], strides = [1]} : vector<16xf32> to vector<1xf32>
        %squeeze3A_218 = vector.extract %slice3A_217[0] : f32 from vector<1xf32>
        %mul3A_219 = arith.constant 16 : i32
        %mul3A_220 = arith.muli %scan3A_120, %mul3A_219 : i32
        %add3A_221 = arith.constant 1 : i32
        %add3A_222 = arith.addi %mul3A_220, %add3A_221 : i32
        %get3A_223 = arith.index_cast %add3A_222 : i32 to index
        %get3A_224 = arith.constant 0 : index
        %get3A_225 = tpu.vector_load %arg11[%get3A_223, %get3A_224] {strides = array<i32>} : memref<128x128xf32, #tpu.memory_space<vmem>>, vector<1x16xf32>,
        %get3A_226 = vector.shape_cast %get3A_225 : vector<1x16xf32> to vector<16xf32>
        %mul3A_227 = vector.broadcast %squeeze3A_218 : f32 to vector<16xf32>
        %mul3A_228 = arith.mulf %get3A_226, %mul3A_227 : vector<16xf32>
        %swap3A_229 = arith.index_cast %add3A_222 : i32 to index
        %swap3A_230 = arith.constant 0 : index
        %swap3A_231 = tpu.vector_load %arg11[%swap3A_229, %swap3A_230] {strides = array<i32>} : memref<128x128xf32, #tpu.memory_space<vmem>>, vector<1x16xf32>,
        %swap3A_232 = vector.shape_cast %swap3A_231 : vector<1x16xf32> to vector<16xf32>
        %swap3A_233 = vector.shape_cast %mul3A_228 : vector<16xf32> to vector<1x16xf32>
        tpu.vector_store %arg11[%swap3A_229, %swap3A_230], %swap3A_233 {strides = array<i32>} : memref<128x128xf32, #tpu.memory_space<vmem>>, vector<1x16xf32>,
        %get3A_234 = arith.index_cast %add3A_222 : i32 to index
        %get3A_235 = arith.constant 16 : index
        %get3A_236 = tpu.vector_load %arg11[%get3A_234, %get3A_235] {strides = array<i32>} : memref<128x128xf32, #tpu.memory_space<vmem>>, vector<1x16xf32>,
        %get3A_237 = vector.shape_cast %get3A_236 : vector<1x16xf32> to vector<16xf32>
        %mul3A_238 = vector.broadcast %squeeze3A_218 : f32 to vector<16xf32>
        %mul3A_239 = arith.mulf %get3A_237, %mul3A_238 : vector<16xf32>
        %swap3A_240 = arith.index_cast %add3A_222 : i32 to index
        %swap3A_241 = arith.constant 16 : index
        %swap3A_242 = tpu.vector_load %arg11[%swap3A_240, %swap3A_241] {strides = array<i32>} : memref<128x128xf32, #tpu.memory_space<vmem>>, vector<1x16xf32>,
        %swap3A_243 = vector.shape_cast %swap3A_242 : vector<1x16xf32> to vector<16xf32>
        %swap3A_244 = vector.shape_cast %mul3A_239 : vector<16xf32> to vector<1x16xf32>
        tpu.vector_store %arg11[%swap3A_240, %swap3A_241], %swap3A_244 {strides = array<i32>} : memref<128x128xf32, #tpu.memory_space<vmem>>, vector<1x16xf32>,
        %get3A_245 = arith.index_cast %add3A_222 : i32 to index
        %get3A_246 = arith.constant 32 : index
        %get3A_247 = tpu.vector_load %arg11[%get3A_245, %get3A_246] {strides = array<i32>} : memref<128x128xf32, #tpu.memory_space<vmem>>, vector<1x16xf32>,
        %get3A_248 = vector.shape_cast %get3A_247 : vector<1x16xf32> to vector<16xf32>
        %mul3A_249 = vector.broadcast %squeeze3A_218 : f32 to vector<16xf32>
        %mul3A_250 = arith.mulf %get3A_248, %mul3A_249 : vector<16xf32>
        %swap3A_251 = arith.index_cast %add3A_222 : i32 to index
        %swap3A_252 = arith.constant 32 : index
        %swap3A_253 = tpu.vector_load %arg11[%swap3A_251, %swap3A_252] {strides = array<i32>} : memref<128x128xf32, #tpu.memory_space<vmem>>, vector<1x16xf32>,
        %swap3A_254 = vector.shape_cast %swap3A_253 : vector<1x16xf32> to vector<16xf32>
        %swap3A_255 = vector.shape_cast %mul3A_250 : vector<16xf32> to vector<1x16xf32>
        tpu.vector_store %arg11[%swap3A_251, %swap3A_252], %swap3A_255 {strides = array<i32>} : memref<128x128xf32, #tpu.memory_space<vmem>>, vector<1x16xf32>,
        %get3A_256 = arith.index_cast %add3A_222 : i32 to index
        %get3A_257 = arith.constant 48 : index
        %get3A_258 = tpu.vector_load %arg11[%get3A_256, %get3A_257] {strides = array<i32>} : memref<128x128xf32, #tpu.memory_space<vmem>>, vector<1x16xf32>,
        %get3A_259 = vector.shape_cast %get3A_258 : vector<1x16xf32> to vector<16xf32>
        %mul3A_260 = vector.broadcast %squeeze3A_218 : f32 to vector<16xf32>
        %mul3A_261 = arith.mulf %get3A_259, %mul3A_260 : vector<16xf32>
        %swap3A_262 = arith.index_cast %add3A_222 : i32 to index
        %swap3A_263 = arith.constant 48 : index
        %swap3A_264 = tpu.vector_load %arg11[%swap3A_262, %swap3A_263] {strides = array<i32>} : memref<128x128xf32, #tpu.memory_space<vmem>>, vector<1x16xf32>,
        %swap3A_265 = vector.shape_cast %swap3A_264 : vector<1x16xf32> to vector<16xf32>
        %swap3A_266 = vector.shape_cast %mul3A_261 : vector<16xf32> to vector<1x16xf32>
        tpu.vector_store %arg11[%swap3A_262, %swap3A_263], %swap3A_266 {strides = array<i32>} : memref<128x128xf32, #tpu.memory_space<vmem>>, vector<1x16xf32>,
        %get3A_267 = arith.index_cast %add3A_222 : i32 to index
        %get3A_268 = arith.constant 64 : index
        %get3A_269 = tpu.vector_load %arg11[%get3A_267, %get3A_268] {strides = array<i32>} : memref<128x128xf32, #tpu.memory_space<vmem>>, vector<1x16xf32>,
        %get3A_270 = vector.shape_cast %get3A_269 : vector<1x16xf32> to vector<16xf32>
        %mul3A_271 = vector.broadcast %squeeze3A_218 : f32 to vector<16xf32>
        %mul3A_272 = arith.mulf %get3A_270, %mul3A_271 : vector<16xf32>
        %swap3A_273 = arith.index_cast %add3A_222 : i32 to index
        %swap3A_274 = arith.constant 64 : index
        %swap3A_275 = tpu.vector_load %arg11[%swap3A_273, %swap3A_274] {strides = array<i32>} : memref<128x128xf32, #tpu.memory_space<vmem>>, vector<1x16xf32>,
        %swap3A_276 = vector.shape_cast %swap3A_275 : vector<1x16xf32> to vector<16xf32>
        %swap3A_277 = vector.shape_cast %mul3A_272 : vector<16xf32> to vector<1x16xf32>
        tpu.vector_store %arg11[%swap3A_273, %swap3A_274], %swap3A_277 {strides = array<i32>} : memref<128x128xf32, #tpu.memory_space<vmem>>, vector<1x16xf32>,
        %get3A_278 = arith.index_cast %add3A_222 : i32 to index
        %get3A_279 = arith.constant 80 : index
        %get3A_280 = tpu.vector_load %arg11[%get3A_278, %get3A_279] {strides = array<i32>} : memref<128x128xf32, #tpu.memory_space<vmem>>, vector<1x16xf32>,
        %get3A_281 = vector.shape_cast %get3A_280 : vector<1x16xf32> to vector<16xf32>
        %mul3A_282 = vector.broadcast %squeeze3A_218 : f32 to vector<16xf32>
        %mul3A_283 = arith.mulf %get3A_281, %mul3A_282 : vector<16xf32>
        %swap3A_284 = arith.index_cast %add3A_222 : i32 to index
        %swap3A_285 = arith.constant 80 : index
        %swap3A_286 = tpu.vector_load %arg11[%swap3A_284, %swap3A_285] {strides = array<i32>} : memref<128x128xf32, #tpu.memory_space<vmem>>, vector<1x16xf32>,
        %swap3A_287 = vector.shape_cast %swap3A_286 : vector<1x16xf32> to vector<16xf32>
        %swap3A_288 = vector.shape_cast %mul3A_283 : vector<16xf32> to vector<1x16xf32>
        tpu.vector_store %arg11[%swap3A_284, %swap3A_285], %swap3A_288 {strides = array<i32>} : memref<128x128xf32, #tpu.memory_space<vmem>>, vector<1x16xf32>,
        %get3A_289 = arith.index_cast %add3A_222 : i32 to index
        %get3A_290 = arith.constant 96 : index
        %get3A_291 = tpu.vector_load %arg11[%get3A_289, %get3A_290] {strides = array<i32>} : memref<128x128xf32, #tpu.memory_space<vmem>>, vector<1x16xf32>,
        %get3A_292 = vector.shape_cast %get3A_291 : vector<1x16xf32> to vector<16xf32>
        %mul3A_293 = vector.broadcast %squeeze3A_218 : f32 to vector<16xf32>
        %mul3A_294 = arith.mulf %get3A_292, %mul3A_293 : vector<16xf32>
        %swap3A_295 = arith.index_cast %add3A_222 : i32 to index
        %swap3A_296 = arith.constant 96 : index
        %swap3A_297 = tpu.vector_load %arg11[%swap3A_295, %swap3A_296] {strides = array<i32>} : memref<128x128xf32, #tpu.memory_space<vmem>>, vector<1x16xf32>,
        %swap3A_298 = vector.shape_cast %swap3A_297 : vector<1x16xf32> to vector<16xf32>
        %swap3A_299 = vector.shape_cast %mul3A_294 : vector<16xf32> to vector<1x16xf32>
        tpu.vector_store %arg11[%swap3A_295, %swap3A_296], %swap3A_299 {strides = array<i32>} : memref<128x128xf32, #tpu.memory_space<vmem>>, vector<1x16xf32>,
        %get3A_300 = arith.index_cast %add3A_222 : i32 to index
        %get3A_301 = arith.constant 112 : index
        %get3A_302 = tpu.vector_load %arg11[%get3A_300, %get3A_301] {strides = array<i32>} : memref<128x128xf32, #tpu.memory_space<vmem>>, vector<1x16xf32>,
        %get3A_303 = vector.shape_cast %get3A_302 : vector<1x16xf32> to vector<16xf32>
        %mul3A_304 = vector.broadcast %squeeze3A_218 : f32 to vector<16xf32>
        %mul3A_305 = arith.mulf %get3A_303, %mul3A_304 : vector<16xf32>
        %swap3A_306 = arith.index_cast %add3A_222 : i32 to index
        %swap3A_307 = arith.constant 112 : index
        %swap3A_308 = tpu.vector_load %arg11[%swap3A_306, %swap3A_307] {strides = array<i32>} : memref<128x128xf32, #tpu.memory_space<vmem>>, vector<1x16xf32>,
        %swap3A_309 = vector.shape_cast %swap3A_308 : vector<1x16xf32> to vector<16xf32>
        %swap3A_310 = vector.shape_cast %mul3A_305 : vector<16xf32> to vector<1x16xf32>
        tpu.vector_store %arg11[%swap3A_306, %swap3A_307], %swap3A_310 {strides = array<i32>} : memref<128x128xf32, #tpu.memory_space<vmem>>, vector<1x16xf32>,
        %slice3A_311 = vector.extract_strided_slice %get3A_125 {offsets = [2], sizes = [1], strides = [1]} : vector<16xf32> to vector<1xf32>
        %squeeze3A_312 = vector.extract %slice3A_311[0] : f32 from vector<1xf32>
        %mul3A_313 = arith.constant 16 : i32
        %mul3A_314 = arith.muli %scan3A_120, %mul3A_313 : i32
        %add3A_315 = arith.constant 2 : i32
        %add3A_316 = arith.addi %mul3A_314, %add3A_315 : i32
        %get3A_317 = arith.index_cast %add3A_316 : i32 to index
        %get3A_318 = arith.constant 0 : index
        %get3A_319 = tpu.vector_load %arg11[%get3A_317, %get3A_318] {strides = array<i32>} : memref<128x128xf32, #tpu.memory_space<vmem>>, vector<1x16xf32>,
        %get3A_320 = vector.shape_cast %get3A_319 : vector<1x16xf32> to vector<16xf32>
        %mul3A_321 = vector.broadcast %squeeze3A_312 : f32 to vector<16xf32>
        %mul3A_322 = arith.mulf %get3A_320, %mul3A_321 : vector<16xf32>
        %swap3A_323 = arith.index_cast %add3A_316 : i32 to index
        %swap3A_324 = arith.constant 0 : index
        %swap3A_325 = tpu.vector_load %arg11[%swap3A_323, %swap3A_324] {strides = array<i32>} : memref<128x128xf32, #tpu.memory_space<vmem>>, vector<1x16xf32>,
        %swap3A_326 = vector.shape_cast %swap3A_325 : vector<1x16xf32> to vector<16xf32>
        %swap3A_327 = vector.shape_cast %mul3A_322 : vector<16xf32> to vector<1x16xf32>
        tpu.vector_store %arg11[%swap3A_323, %swap3A_324], %swap3A_327 {strides = array<i32>} : memref<128x128xf32, #tpu.memory_space<vmem>>, vector<1x16xf32>,
        %get3A_328 = arith.index_cast %add3A_316 : i32 to index
        %get3A_329 = arith.constant 16 : index
        %get3A_330 = tpu.vector_load %arg11[%get3A_328, %get3A_329] {strides = array<i32>} : memref<128x128xf32, #tpu.memory_space<vmem>>, vector<1x16xf32>,
        %get3A_331 = vector.shape_cast %get3A_330 : vector<1x16xf32> to vector<16xf32>
        %mul3A_332 = vector.broadcast %squeeze3A_312 : f32 to vector<16xf32>
        %mul3A_333 = arith.mulf %get3A_331, %mul3A_332 : vector<16xf32>
        %swap3A_334 = arith.index_cast %add3A_316 : i32 to index
        %swap3A_335 = arith.constant 16 : index
        %swap3A_336 = tpu.vector_load %arg11[%swap3A_334, %swap3A_335] {strides = array<i32>} : memref<128x128xf32, #tpu.memory_space<vmem>>, vector<1x16xf32>,
        %swap3A_337 = vector.shape_cast %swap3A_336 : vector<1x16xf32> to vector<16xf32>
        %swap3A_338 = vector.shape_cast %mul3A_333 : vector<16xf32> to vector<1x16xf32>
        tpu.vector_store %arg11[%swap3A_334, %swap3A_335], %swap3A_338 {strides = array<i32>} : memref<128x128xf32, #tpu.memory_space<vmem>>, vector<1x16xf32>,
        %get3A_339 = arith.index_cast %add3A_316 : i32 to index
        %get3A_340 = arith.constant 32 : index
        %get3A_341 = tpu.vector_load %arg11[%get3A_339, %get3A_340] {strides = array<i32>} : memref<128x128xf32, #tpu.memory_space<vmem>>, vector<1x16xf32>,
        %get3A_342 = vector.shape_cast %get3A_341 : vector<1x16xf32> to vector<16xf32>
        %mul3A_343 = vector.broadcast %squeeze3A_312 : f32 to vector<16xf32>
        %mul3A_344 = arith.mulf %get3A_342, %mul3A_343 : vector<16xf32>
        %swap3A_345 = arith.index_cast %add3A_316 : i32 to index
        %swap3A_346 = arith.constant 32 : index
        %swap3A_347 = tpu.vector_load %arg11[%swap3A_345, %swap3A_346] {strides = array<i32>} : memref<128x128xf32, #tpu.memory_space<vmem>>, vector<1x16xf32>,
        %swap3A_348 = vector.shape_cast %swap3A_347 : vector<1x16xf32> to vector<16xf32>
        %swap3A_349 = vector.shape_cast %mul3A_344 : vector<16xf32> to vector<1x16xf32>
        tpu.vector_store %arg11[%swap3A_345, %swap3A_346], %swap3A_349 {strides = array<i32>} : memref<128x128xf32, #tpu.memory_space<vmem>>, vector<1x16xf32>,
        %get3A_350 = arith.index_cast %add3A_316 : i32 to index
        %get3A_351 = arith.constant 48 : index
        %get3A_352 = tpu.vector_load %arg11[%get3A_350, %get3A_351] {strides = array<i32>} : memref<128x128xf32, #tpu.memory_space<vmem>>, vector<1x16xf32>,
        %get3A_353 = vector.shape_cast %get3A_352 : vector<1x16xf32> to vector<16xf32>
        %mul3A_354 = vector.broadcast %squeeze3A_312 : f32 to vector<16xf32>
        %mul3A_355 = arith.mulf %get3A_353, %mul3A_354 : vector<16xf32>
        %swap3A_356 = arith.index_cast %add3A_316 : i32 to index
        %swap3A_357 = arith.constant 48 : index
        %swap3A_358 = tpu.vector_load %arg11[%swap3A_356, %swap3A_357] {strides = array<i32>} : memref<128x128xf32, #tpu.memory_space<vmem>>, vector<1x16xf32>,
        %swap3A_359 = vector.shape_cast %swap3A_358 : vector<1x16xf32> to vector<16xf32>
        %swap3A_360 = vector.shape_cast %mul3A_355 : vector<16xf32> to vector<1x16xf32>
        tpu.vector_store %arg11[%swap3A_356, %swap3A_357], %swap3A_360 {strides = array<i32>} : memref<128x128xf32, #tpu.memory_space<vmem>>, vector<1x16xf32>,
        %get3A_361 = arith.index_cast %add3A_316 : i32 to index
        %get3A_362 = arith.constant 64 : index
        %get3A_363 = tpu.vector_load %arg11[%get3A_361, %get3A_362] {strides = array<i32>} : memref<128x128xf32, #tpu.memory_space<vmem>>, vector<1x16xf32>,
        %get3A_364 = vector.shape_cast %get3A_363 : vector<1x16xf32> to vector<16xf32>
        %mul3A_365 = vector.broadcast %squeeze3A_312 : f32 to vector<16xf32>
        %mul3A_366 = arith.mulf %get3A_364, %mul3A_365 : vector<16xf32>
        %swap3A_367 = arith.index_cast %add3A_316 : i32 to index
        %swap3A_368 = arith.constant 64 : index
        %swap3A_369 = tpu.vector_load %arg11[%swap3A_367, %swap3A_368] {strides = array<i32>} : memref<128x128xf32, #tpu.memory_space<vmem>>, vector<1x16xf32>,
        %swap3A_370 = vector.shape_cast %swap3A_369 : vector<1x16xf32> to vector<16xf32>
        %swap3A_371 = vector.shape_cast %mul3A_366 : vector<16xf32> to vector<1x16xf32>
        tpu.vector_store %arg11[%swap3A_367, %swap3A_368], %swap3A_371 {strides = array<i32>} : memref<128x128xf32, #tpu.memory_space<vmem>>, vector<1x16xf32>,
        %get3A_372 = arith.index_cast %add3A_316 : i32 to index
        %get3A_373 = arith.constant 80 : index
        %get3A_374 = tpu.vector_load %arg11[%get3A_372, %get3A_373] {strides = array<i32>} : memref<128x128xf32, #tpu.memory_space<vmem>>, vector<1x16xf32>,
        %get3A_375 = vector.shape_cast %get3A_374 : vector<1x16xf32> to vector<16xf32>
        %mul3A_376 = vector.broadcast %squeeze3A_312 : f32 to vector<16xf32>
        %mul3A_377 = arith.mulf %get3A_375, %mul3A_376 : vector<16xf32>
        %swap3A_378 = arith.index_cast %add3A_316 : i32 to index
        %swap3A_379 = arith.constant 80 : index
        %swap3A_380 = tpu.vector_load %arg11[%swap3A_378, %swap3A_379] {strides = array<i32>} : memref<128x128xf32, #tpu.memory_space<vmem>>, vector<1x16xf32>,
        %swap3A_381 = vector.shape_cast %swap3A_380 : vector<1x16xf32> to vector<16xf32>
        %swap3A_382 = vector.shape_cast %mul3A_377 : vector<16xf32> to vector<1x16xf32>
        tpu.vector_store %arg11[%swap3A_378, %swap3A_379], %swap3A_382 {strides = array<i32>} : memref<128x128xf32, #tpu.memory_space<vmem>>, vector<1x16xf32>,
        %get3A_383 = arith.index_cast %add3A_316 : i32 to index
        %get3A_384 = arith.constant 96 : index
        %get3A_385 = tpu.vector_load %arg11[%get3A_383, %get3A_384] {strides = array<i32>} : memref<128x128xf32, #tpu.memory_space<vmem>>, vector<1x16xf32>,
        %get3A_386 = vector.shape_cast %get3A_385 : vector<1x16xf32> to vector<16xf32>
        %mul3A_387 = vector.broadcast %squeeze3A_312 : f32 to vector<16xf32>
        %mul3A_388 = arith.mulf %get3A_386, %mul3A_387 : vector<16xf32>
        %swap3A_389 = arith.index_cast %add3A_316 : i32 to index
        %swap3A_390 = arith.constant 96 : index
        %swap3A_391 = tpu.vector_load %arg11[%swap3A_389, %swap3A_390] {strides = array<i32>} : memref<128x128xf32, #tpu.memory_space<vmem>>, vector<1x16xf32>,
        %swap3A_392 = vector.shape_cast %swap3A_391 : vector<1x16xf32> to vector<16xf32>
        %swap3A_393 = vector.shape_cast %mul3A_388 : vector<16xf32> to vector<1x16xf32>
        tpu.vector_store %arg11[%swap3A_389, %swap3A_390], %swap3A_393 {strides = array<i32>} : memref<128x128xf32, #tpu.memory_space<vmem>>, vector<1x16xf32>,
        %get3A_394 = arith.index_cast %add3A_316 : i32 to index
        %get3A_395 = arith.constant 112 : index
        %get3A_396 = tpu.vector_load %arg11[%get3A_394, %get3A_395] {strides = array<i32>} : memref<128x128xf32, #tpu.memory_space<vmem>>, vector<1x16xf32>,
        %get3A_397 = vector.shape_cast %get3A_396 : vector<1x16xf32> to vector<16xf32>
        %mul3A_398 = vector.broadcast %squeeze3A_312 : f32 to vector<16xf32>
        %mul3A_399 = arith.mulf %get3A_397, %mul3A_398 : vector<16xf32>
        %swap3A_400 = arith.index_cast %add3A_316 : i32 to index
        %swap3A_401 = arith.constant 112 : index
        %swap3A_402 = tpu.vector_load %arg11[%swap3A_400, %swap3A_401] {strides = array<i32>} : memref<128x128xf32, #tpu.memory_space<vmem>>, vector<1x16xf32>,
        %swap3A_403 = vector.shape_cast %swap3A_402 : vector<1x16xf32> to vector<16xf32>
        %swap3A_404 = vector.shape_cast %mul3A_399 : vector<16xf32> to vector<1x16xf32>
        tpu.vector_store %arg11[%swap3A_400, %swap3A_401], %swap3A_404 {strides = array<i32>} : memref<128x128xf32, #tpu.memory_space<vmem>>, vector<1x16xf32>,
        %slice3A_405 = vector.extract_strided_slice %get3A_125 {offsets = [3], sizes = [1], strides = [1]} : vector<16xf32> to vector<1xf32>
        %squeeze3A_406 = vector.extract %slice3A_405[0] : f32 from vector<1xf32>
        %mul3A_407 = arith.constant 16 : i32
        %mul3A_408 = arith.muli %scan3A_120, %mul3A_407 : i32
        %add3A_409 = arith.constant 3 : i32
        %add3A_410 = arith.addi %mul3A_408, %add3A_409 : i32
        %get3A_411 = arith.index_cast %add3A_410 : i32 to index
        %get3A_412 = arith.constant 0 : index
        %get3A_413 = tpu.vector_load %arg11[%get3A_411, %get3A_412] {strides = array<i32>} : memref<128x128xf32, #tpu.memory_space<vmem>>, vector<1x16xf32>,
        %get3A_414 = vector.shape_cast %get3A_413 : vector<1x16xf32> to vector<16xf32>
        %mul3A_415 = vector.broadcast %squeeze3A_406 : f32 to vector<16xf32>
        %mul3A_416 = arith.mulf %get3A_414, %mul3A_415 : vector<16xf32>
        %swap3A_417 = arith.index_cast %add3A_410 : i32 to index
        %swap3A_418 = arith.constant 0 : index
        %swap3A_419 = tpu.vector_load %arg11[%swap3A_417, %swap3A_418] {strides = array<i32>} : memref<128x128xf32, #tpu.memory_space<vmem>>, vector<1x16xf32>,
        %swap3A_420 = vector.shape_cast %swap3A_419 : vector<1x16xf32> to vector<16xf32>
        %swap3A_421 = vector.shape_cast %mul3A_416 : vector<16xf32> to vector<1x16xf32>
        tpu.vector_store %arg11[%swap3A_417, %swap3A_418], %swap3A_421 {strides = array<i32>} : memref<128x128xf32, #tpu.memory_space<vmem>>, vector<1x16xf32>,
        %get3A_422 = arith.index_cast %add3A_410 : i32 to index
        %get3A_423 = arith.constant 16 : index
        %get3A_424 = tpu.vector_load %arg11[%get3A_422, %get3A_423] {strides = array<i32>} : memref<128x128xf32, #tpu.memory_space<vmem>>, vector<1x16xf32>,
        %get3A_425 = vector.shape_cast %get3A_424 : vector<1x16xf32> to vector<16xf32>
        %mul3A_426 = vector.broadcast %squeeze3A_406 : f32 to vector<16xf32>
        %mul3A_427 = arith.mulf %get3A_425, %mul3A_426 : vector<16xf32>
        %swap3A_428 = arith.index_cast %add3A_410 : i32 to index
        %swap3A_429 = arith.constant 16 : index
        %swap3A_430 = tpu.vector_load %arg11[%swap3A_428, %swap3A_429] {strides = array<i32>} : memref<128x128xf32, #tpu.memory_space<vmem>>, vector<1x16xf32>,
        %swap3A_431 = vector.shape_cast %swap3A_430 : vector<1x16xf32> to vector<16xf32>
        %swap3A_432 = vector.shape_cast %mul3A_427 : vector<16xf32> to vector<1x16xf32>
        tpu.vector_store %arg11[%swap3A_428, %swap3A_429], %swap3A_432 {strides = array<i32>} : memref<128x128xf32, #tpu.memory_space<vmem>>, vector<1x16xf32>,
        %get3A_433 = arith.index_cast %add3A_410 : i32 to index
        %get3A_434 = arith.constant 32 : index
        %get3A_435 = tpu.vector_load %arg11[%get3A_433, %get3A_434] {strides = array<i32>} : memref<128x128xf32, #tpu.memory_space<vmem>>, vector<1x16xf32>,
        %get3A_436 = vector.shape_cast %get3A_435 : vector<1x16xf32> to vector<16xf32>
        %mul3A_437 = vector.broadcast %squeeze3A_406 : f32 to vector<16xf32>
        %mul3A_438 = arith.mulf %get3A_436, %mul3A_437 : vector<16xf32>
        %swap3A_439 = arith.index_cast %add3A_410 : i32 to index
        %swap3A_440 = arith.constant 32 : index
        %swap3A_441 = tpu.vector_load %arg11[%swap3A_439, %swap3A_440] {strides = array<i32>} : memref<128x128xf32, #tpu.memory_space<vmem>>, vector<1x16xf32>,
        %swap3A_442 = vector.shape_cast %swap3A_441 : vector<1x16xf32> to vector<16xf32>
        %swap3A_443 = vector.shape_cast %mul3A_438 : vector<16xf32> to vector<1x16xf32>
        tpu.vector_store %arg11[%swap3A_439, %swap3A_440], %swap3A_443 {strides = array<i32>} : memref<128x128xf32, #tpu.memory_space<vmem>>, vector<1x16xf32>,
        %get3A_444 = arith.index_cast %add3A_410 : i32 to index
        %get3A_445 = arith.constant 48 : index
        %get3A_446 = tpu.vector_load %arg11[%get3A_444, %get3A_445] {strides = array<i32>} : memref<128x128xf32, #tpu.memory_space<vmem>>, vector<1x16xf32>,
        %get3A_447 = vector.shape_cast %get3A_446 : vector<1x16xf32> to vector<16xf32>
        %mul3A_448 = vector.broadcast %squeeze3A_406 : f32 to vector<16xf32>
        %mul3A_449 = arith.mulf %get3A_447, %mul3A_448 : vector<16xf32>
        %swap3A_450 = arith.index_cast %add3A_410 : i32 to index
        %swap3A_451 = arith.constant 48 : index
        %swap3A_452 = tpu.vector_load %arg11[%swap3A_450, %swap3A_451] {strides = array<i32>} : memref<128x128xf32, #tpu.memory_space<vmem>>, vector<1x16xf32>,
        %swap3A_453 = vector.shape_cast %swap3A_452 : vector<1x16xf32> to vector<16xf32>
        %swap3A_454 = vector.shape_cast %mul3A_449 : vector<16xf32> to vector<1x16xf32>
        tpu.vector_store %arg11[%swap3A_450, %swap3A_451], %swap3A_454 {strides = array<i32>} : memref<128x128xf32, #tpu.memory_space<vmem>>, vector<1x16xf32>,
        %get3A_455 = arith.index_cast %add3A_410 : i32 to index
        %get3A_456 = arith.constant 64 : index
        %get3A_457 = tpu.vector_load %arg11[%get3A_455, %get3A_456] {strides = array<i32>} : memref<128x128xf32, #tpu.memory_space<vmem>>, vector<1x16xf32>,
        %get3A_458 = vector.shape_cast %get3A_457 : vector<1x16xf32> to vector<16xf32>
        %mul3A_459 = vector.broadcast %squeeze3A_406 : f32 to vector<16xf32>
        %mul3A_460 = arith.mulf %get3A_458, %mul3A_459 : vector<16xf32>
        %swap3A_461 = arith.index_cast %add3A_410 : i32 to index
        %swap3A_462 = arith.constant 64 : index
        %swap3A_463 = tpu.vector_load %arg11[%swap3A_461, %swap3A_462] {strides = array<i32>} : memref<128x128xf32, #tpu.memory_space<vmem>>, vector<1x16xf32>,
        %swap3A_464 = vector.shape_cast %swap3A_463 : vector<1x16xf32> to vector<16xf32>
        %swap3A_465 = vector.shape_cast %mul3A_460 : vector<16xf32> to vector<1x16xf32>
        tpu.vector_store %arg11[%swap3A_461, %swap3A_462], %swap3A_465 {strides = array<i32>} : memref<128x128xf32, #tpu.memory_space<vmem>>, vector<1x16xf32>,
        %get3A_466 = arith.index_cast %add3A_410 : i32 to index
        %get3A_467 = arith.constant 80 : index
        %get3A_468 = tpu.vector_load %arg11[%get3A_466, %get3A_467] {strides = array<i32>} : memref<128x128xf32, #tpu.memory_space<vmem>>, vector<1x16xf32>,
        %get3A_469 = vector.shape_cast %get3A_468 : vector<1x16xf32> to vector<16xf32>
        %mul3A_470 = vector.broadcast %squeeze3A_406 : f32 to vector<16xf32>
        %mul3A_471 = arith.mulf %get3A_469, %mul3A_470 : vector<16xf32>
        %swap3A_472 = arith.index_cast %add3A_410 : i32 to index
        %swap3A_473 = arith.constant 80 : index
        %swap3A_474 = tpu.vector_load %arg11[%swap3A_472, %swap3A_473] {strides = array<i32>} : memref<128x128xf32, #tpu.memory_space<vmem>>, vector<1x16xf32>,
        %swap3A_475 = vector.shape_cast %swap3A_474 : vector<1x16xf32> to vector<16xf32>
        %swap3A_476 = vector.shape_cast %mul3A_471 : vector<16xf32> to vector<1x16xf32>
        tpu.vector_store %arg11[%swap3A_472, %swap3A_473], %swap3A_476 {strides = array<i32>} : memref<128x128xf32, #tpu.memory_space<vmem>>, vector<1x16xf32>,
        %get3A_477 = arith.index_cast %add3A_410 : i32 to index
        %get3A_478 = arith.constant 96 : index
        %get3A_479 = tpu.vector_load %arg11[%get3A_477, %get3A_478] {strides = array<i32>} : memref<128x128xf32, #tpu.memory_space<vmem>>, vector<1x16xf32>,
        %get3A_480 = vector.shape_cast %get3A_479 : vector<1x16xf32> to vector<16xf32>
        %mul3A_481 = vector.broadcast %squeeze3A_406 : f32 to vector<16xf32>
        %mul3A_482 = arith.mulf %get3A_480, %mul3A_481 : vector<16xf32>
        %swap3A_483 = arith.index_cast %add3A_410 : i32 to index
        %swap3A_484 = arith.constant 96 : index
        %swap3A_485 = tpu.vector_load %arg11[%swap3A_483, %swap3A_484] {strides = array<i32>} : memref<128x128xf32, #tpu.memory_space<vmem>>, vector<1x16xf32>,
        %swap3A_486 = vector.shape_cast %swap3A_485 : vector<1x16xf32> to vector<16xf32>
        %swap3A_487 = vector.shape_cast %mul3A_482 : vector<16xf32> to vector<1x16xf32>
        tpu.vector_store %arg11[%swap3A_483, %swap3A_484], %swap3A_487 {strides = array<i32>} : memref<128x128xf32, #tpu.memory_space<vmem>>, vector<1x16xf32>,
        %get3A_488 = arith.index_cast %add3A_410 : i32 to index
        %get3A_489 = arith.constant 112 : index
        %get3A_490 = tpu.vector_load %arg11[%get3A_488, %get3A_489] {strides = array<i32>} : memref<128x128xf32, #tpu.memory_space<vmem>>, vector<1x16xf32>,
        %get3A_491 = vector.shape_cast %get3A_490 : vector<1x16xf32> to vector<16xf32>
        %mul3A_492 = vector.broadcast %squeeze3A_406 : f32 to vector<16xf32>
        %mul3A_493 = arith.mulf %get3A_491, %mul3A_492 : vector<16xf32>
        %swap3A_494 = arith.index_cast %add3A_410 : i32 to index
        %swap3A_495 = arith.constant 112 : index
        %swap3A_496 = tpu.vector_load %arg11[%swap3A_494, %swap3A_495] {strides = array<i32>} : memref<128x128xf32, #tpu.memory_space<vmem>>, vector<1x16xf32>,
        %swap3A_497 = vector.shape_cast %swap3A_496 : vector<1x16xf32> to vector<16xf32>
        %swap3A_498 = vector.shape_cast %mul3A_493 : vector<16xf32> to vector<1x16xf32>
        tpu.vector_store %arg11[%swap3A_494, %swap3A_495], %swap3A_498 {strides = array<i32>} : memref<128x128xf32, #tpu.memory_space<vmem>>, vector<1x16xf32>,
        %slice3A_499 = vector.extract_strided_slice %get3A_125 {offsets = [4], sizes = [1], strides = [1]} : vector<16xf32> to vector<1xf32>
        %squeeze3A_500 = vector.extract %slice3A_499[0] : f32 from vector<1xf32>
        %mul3A_501 = arith.constant 16 : i32
        %mul3A_502 = arith.muli %scan3A_120, %mul3A_501 : i32
        %add3A_503 = arith.constant 4 : i32
        %add3A_504 = arith.addi %mul3A_502, %add3A_503 : i32
        %get3A_505 = arith.index_cast %add3A_504 : i32 to index
        %get3A_506 = arith.constant 0 : index
        %get3A_507 = tpu.vector_load %arg11[%get3A_505, %get3A_506] {strides = array<i32>} : memref<128x128xf32, #tpu.memory_space<vmem>>, vector<1x16xf32>,
        %get3A_508 = vector.shape_cast %get3A_507 : vector<1x16xf32> to vector<16xf32>
        %mul3A_509 = vector.broadcast %squeeze3A_500 : f32 to vector<16xf32>
        %mul3A_510 = arith.mulf %get3A_508, %mul3A_509 : vector<16xf32>
        %swap3A_511 = arith.index_cast %add3A_504 : i32 to index
        %swap3A_512 = arith.constant 0 : index
        %swap3A_513 = tpu.vector_load %arg11[%swap3A_511, %swap3A_512] {strides = array<i32>} : memref<128x128xf32, #tpu.memory_space<vmem>>, vector<1x16xf32>,
        %swap3A_514 = vector.shape_cast %swap3A_513 : vector<1x16xf32> to vector<16xf32>
        %swap3A_515 = vector.shape_cast %mul3A_510 : vector<16xf32> to vector<1x16xf32>
        tpu.vector_store %arg11[%swap3A_511, %swap3A_512], %swap3A_515 {strides = array<i32>} : memref<128x128xf32, #tpu.memory_space<vmem>>, vector<1x16xf32>,
        %get3A_516 = arith.index_cast %add3A_504 : i32 to index
        %get3A_517 = arith.constant 16 : index
        %get3A_518 = tpu.vector_load %arg11[%get3A_516, %get3A_517] {strides = array<i32>} : memref<128x128xf32, #tpu.memory_space<vmem>>, vector<1x16xf32>,
        %get3A_519 = vector.shape_cast %get3A_518 : vector<1x16xf32> to vector<16xf32>
        %mul3A_520 = vector.broadcast %squeeze3A_500 : f32 to vector<16xf32>
        %mul3A_521 = arith.mulf %get3A_519, %mul3A_520 : vector<16xf32>
        %swap3A_522 = arith.index_cast %add3A_504 : i32 to index
        %swap3A_523 = arith.constant 16 : index
        %swap3A_524 = tpu.vector_load %arg11[%swap3A_522, %swap3A_523] {strides = array<i32>} : memref<128x128xf32, #tpu.memory_space<vmem>>, vector<1x16xf32>,
        %swap3A_525 = vector.shape_cast %swap3A_524 : vector<1x16xf32> to vector<16xf32>
        %swap3A_526 = vector.shape_cast %mul3A_521 : vector<16xf32> to vector<1x16xf32>
        tpu.vector_store %arg11[%swap3A_522, %swap3A_523], %swap3A_526 {strides = array<i32>} : memref<128x128xf32, #tpu.memory_space<vmem>>, vector<1x16xf32>,
        %get3A_527 = arith.index_cast %add3A_504 : i32 to index
        %get3A_528 = arith.constant 32 : index
        %get3A_529 = tpu.vector_load %arg11[%get3A_527, %get3A_528] {strides = array<i32>} : memref<128x128xf32, #tpu.memory_space<vmem>>, vector<1x16xf32>,
        %get3A_530 = vector.shape_cast %get3A_529 : vector<1x16xf32> to vector<16xf32>
        %mul3A_531 = vector.broadcast %squeeze3A_500 : f32 to vector<16xf32>
        %mul3A_532 = arith.mulf %get3A_530, %mul3A_531 : vector<16xf32>
        %swap3A_533 = arith.index_cast %add3A_504 : i32 to index
        %swap3A_534 = arith.constant 32 : index
        %swap3A_535 = tpu.vector_load %arg11[%swap3A_533, %swap3A_534] {strides = array<i32>} : memref<128x128xf32, #tpu.memory_space<vmem>>, vector<1x16xf32>,
        %swap3A_536 = vector.shape_cast %swap3A_535 : vector<1x16xf32> to vector<16xf32>
        %swap3A_537 = vector.shape_cast %mul3A_532 : vector<16xf32> to vector<1x16xf32>
        tpu.vector_store %arg11[%swap3A_533, %swap3A_534], %swap3A_537 {strides = array<i32>} : memref<128x128xf32, #tpu.memory_space<vmem>>, vector<1x16xf32>,
        %get3A_538 = arith.index_cast %add3A_504 : i32 to index
        %get3A_539 = arith.constant 48 : index
        %get3A_540 = tpu.vector_load %arg11[%get3A_538, %get3A_539] {strides = array<i32>} : memref<128x128xf32, #tpu.memory_space<vmem>>, vector<1x16xf32>,
        %get3A_541 = vector.shape_cast %get3A_540 : vector<1x16xf32> to vector<16xf32>
        %mul3A_542 = vector.broadcast %squeeze3A_500 : f32 to vector<16xf32>
        %mul3A_543 = arith.mulf %get3A_541, %mul3A_542 : vector<16xf32>
        %swap3A_544 = arith.index_cast %add3A_504 : i32 to index
        %swap3A_545 = arith.constant 48 : index
        %swap3A_546 = tpu.vector_load %arg11[%swap3A_544, %swap3A_545] {strides = array<i32>} : memref<128x128xf32, #tpu.memory_space<vmem>>, vector<1x16xf32>,
        %swap3A_547 = vector.shape_cast %swap3A_546 : vector<1x16xf32> to vector<16xf32>
        %swap3A_548 = vector.shape_cast %mul3A_543 : vector<16xf32> to vector<1x16xf32>
        tpu.vector_store %arg11[%swap3A_544, %swap3A_545], %swap3A_548 {strides = array<i32>} : memref<128x128xf32, #tpu.memory_space<vmem>>, vector<1x16xf32>,
        %get3A_549 = arith.index_cast %add3A_504 : i32 to index
        %get3A_550 = arith.constant 64 : index
        %get3A_551 = tpu.vector_load %arg11[%get3A_549, %get3A_550] {strides = array<i32>} : memref<128x128xf32, #tpu.memory_space<vmem>>, vector<1x16xf32>,
        %get3A_552 = vector.shape_cast %get3A_551 : vector<1x16xf32> to vector<16xf32>
        %mul3A_553 = vector.broadcast %squeeze3A_500 : f32 to vector<16xf32>
        %mul3A_554 = arith.mulf %get3A_552, %mul3A_553 : vector<16xf32>
        %swap3A_555 = arith.index_cast %add3A_504 : i32 to index
        %swap3A_556 = arith.constant 64 : index
        %swap3A_557 = tpu.vector_load %arg11[%swap3A_555, %swap3A_556] {strides = array<i32>} : memref<128x128xf32, #tpu.memory_space<vmem>>, vector<1x16xf32>,
        %swap3A_558 = vector.shape_cast %swap3A_557 : vector<1x16xf32> to vector<16xf32>
        %swap3A_559 = vector.shape_cast %mul3A_554 : vector<16xf32> to vector<1x16xf32>
        tpu.vector_store %arg11[%swap3A_555, %swap3A_556], %swap3A_559 {strides = array<i32>} : memref<128x128xf32, #tpu.memory_space<vmem>>, vector<1x16xf32>,
        %get3A_560 = arith.index_cast %add3A_504 : i32 to index
        %get3A_561 = arith.constant 80 : index
        %get3A_562 = tpu.vector_load %arg11[%get3A_560, %get3A_561] {strides = array<i32>} : memref<128x128xf32, #tpu.memory_space<vmem>>, vector<1x16xf32>,
        %get3A_563 = vector.shape_cast %get3A_562 : vector<1x16xf32> to vector<16xf32>
        %mul3A_564 = vector.broadcast %squeeze3A_500 : f32 to vector<16xf32>
        %mul3A_565 = arith.mulf %get3A_563, %mul3A_564 : vector<16xf32>
        %swap3A_566 = arith.index_cast %add3A_504 : i32 to index
        %swap3A_567 = arith.constant 80 : index
        %swap3A_568 = tpu.vector_load %arg11[%swap3A_566, %swap3A_567] {strides = array<i32>} : memref<128x128xf32, #tpu.memory_space<vmem>>, vector<1x16xf32>,
        %swap3A_569 = vector.shape_cast %swap3A_568 : vector<1x16xf32> to vector<16xf32>
        %swap3A_570 = vector.shape_cast %mul3A_565 : vector<16xf32> to vector<1x16xf32>
        tpu.vector_store %arg11[%swap3A_566, %swap3A_567], %swap3A_570 {strides = array<i32>} : memref<128x128xf32, #tpu.memory_space<vmem>>, vector<1x16xf32>,
        %get3A_571 = arith.index_cast %add3A_504 : i32 to index
        %get3A_572 = arith.constant 96 : index
        %get3A_573 = tpu.vector_load %arg11[%get3A_571, %get3A_572] {strides = array<i32>} : memref<128x128xf32, #tpu.memory_space<vmem>>, vector<1x16xf32>,
        %get3A_574 = vector.shape_cast %get3A_573 : vector<1x16xf32> to vector<16xf32>
        %mul3A_575 = vector.broadcast %squeeze3A_500 : f32 to vector<16xf32>
        %mul3A_576 = arith.mulf %get3A_574, %mul3A_575 : vector<16xf32>
        %swap3A_577 = arith.index_cast %add3A_504 : i32 to index
        %swap3A_578 = arith.constant 96 : index
        %swap3A_579 = tpu.vector_load %arg11[%swap3A_577, %swap3A_578] {strides = array<i32>} : memref<128x128xf32, #tpu.memory_space<vmem>>, vector<1x16xf32>,
        %swap3A_580 = vector.shape_cast %swap3A_579 : vector<1x16xf32> to vector<16xf32>
        %swap3A_581 = vector.shape_cast %mul3A_576 : vector<16xf32> to vector<1x16xf32>
        tpu.vector_store %arg11[%swap3A_577, %swap3A_578], %swap3A_581 {strides = array<i32>} : memref<128x128xf32, #tpu.memory_space<vmem>>, vector<1x16xf32>,
        %get3A_582 = arith.index_cast %add3A_504 : i32 to index
        %get3A_583 = arith.constant 112 : index
        %get3A_584 = tpu.vector_load %arg11[%get3A_582, %get3A_583] {strides = array<i32>} : memref<128x128xf32, #tpu.memory_space<vmem>>, vector<1x16xf32>,
        %get3A_585 = vector.shape_cast %get3A_584 : vector<1x16xf32> to vector<16xf32>
        %mul3A_586 = vector.broadcast %squeeze3A_500 : f32 to vector<16xf32>
        %mul3A_587 = arith.mulf %get3A_585, %mul3A_586 : vector<16xf32>
        %swap3A_588 = arith.index_cast %add3A_504 : i32 to index
        %swap3A_589 = arith.constant 112 : index
        %swap3A_590 = tpu.vector_load %arg11[%swap3A_588, %swap3A_589] {strides = array<i32>} : memref<128x128xf32, #tpu.memory_space<vmem>>, vector<1x16xf32>,
        %swap3A_591 = vector.shape_cast %swap3A_590 : vector<1x16xf32> to vector<16xf32>
        %swap3A_592 = vector.shape_cast %mul3A_587 : vector<16xf32> to vector<1x16xf32>
        tpu.vector_store %arg11[%swap3A_588, %swap3A_589], %swap3A_592 {strides = array<i32>} : memref<128x128xf32, #tpu.memory_space<vmem>>, vector<1x16xf32>,
        %slice3A_593 = vector.extract_strided_slice %get3A_125 {offsets = [5], sizes = [1], strides = [1]} : vector<16xf32> to vector<1xf32>
        %squeeze3A_594 = vector.extract %slice3A_593[0] : f32 from vector<1xf32>
        %mul3A_595 = arith.constant 16 : i32
        %mul3A_596 = arith.muli %scan3A_120, %mul3A_595 : i32
        %add3A_597 = arith.constant 5 : i32
        %add3A_598 = arith.addi %mul3A_596, %add3A_597 : i32
        %get3A_599 = arith.index_cast %add3A_598 : i32 to index
        %get3A_600 = arith.constant 0 : index
        %get3A_601 = tpu.vector_load %arg11[%get3A_599, %get3A_600] {strides = array<i32>} : memref<128x128xf32, #tpu.memory_space<vmem>>, vector<1x16xf32>,
        %get3A_602 = vector.shape_cast %get3A_601 : vector<1x16xf32> to vector<16xf32>
        %mul3A_603 = vector.broadcast %squeeze3A_594 : f32 to vector<16xf32>
        %mul3A_604 = arith.mulf %get3A_602, %mul3A_603 : vector<16xf32>
        %swap3A_605 = arith.index_cast %add3A_598 : i32 to index
        %swap3A_606 = arith.constant 0 : index
        %swap3A_607 = tpu.vector_load %arg11[%swap3A_605, %swap3A_606] {strides = array<i32>} : memref<128x128xf32, #tpu.memory_space<vmem>>, vector<1x16xf32>,
        %swap3A_608 = vector.shape_cast %swap3A_607 : vector<1x16xf32> to vector<16xf32>
        %swap3A_609 = vector.shape_cast %mul3A_604 : vector<16xf32> to vector<1x16xf32>
        tpu.vector_store %arg11[%swap3A_605, %swap3A_606], %swap3A_609 {strides = array<i32>} : memref<128x128xf32, #tpu.memory_space<vmem>>, vector<1x16xf32>,
        %get3A_610 = arith.index_cast %add3A_598 : i32 to index
        %get3A_611 = arith.constant 16 : index
        %get3A_612 = tpu.vector_load %arg11[%get3A_610, %get3A_611] {strides = array<i32>} : memref<128x128xf32, #tpu.memory_space<vmem>>, vector<1x16xf32>,
        %get3A_613 = vector.shape_cast %get3A_612 : vector<1x16xf32> to vector<16xf32>
        %mul3A_614 = vector.broadcast %squeeze3A_594 : f32 to vector<16xf32>
        %mul3A_615 = arith.mulf %get3A_613, %mul3A_614 : vector<16xf32>
        %swap3A_616 = arith.index_cast %add3A_598 : i32 to index
        %swap3A_617 = arith.constant 16 : index
        %swap3A_618 = tpu.vector_load %arg11[%swap3A_616, %swap3A_617] {strides = array<i32>} : memref<128x128xf32, #tpu.memory_space<vmem>>, vector<1x16xf32>,
        %swap3A_619 = vector.shape_cast %swap3A_618 : vector<1x16xf32> to vector<16xf32>
        %swap3A_620 = vector.shape_cast %mul3A_615 : vector<16xf32> to vector<1x16xf32>
        tpu.vector_store %arg11[%swap3A_616, %swap3A_617], %swap3A_620 {strides = array<i32>} : memref<128x128xf32, #tpu.memory_space<vmem>>, vector<1x16xf32>,
        %get3A_621 = arith.index_cast %add3A_598 : i32 to index
        %get3A_622 = arith.constant 32 : index
        %get3A_623 = tpu.vector_load %arg11[%get3A_621, %get3A_622] {strides = array<i32>} : memref<128x128xf32, #tpu.memory_space<vmem>>, vector<1x16xf32>,
        %get3A_624 = vector.shape_cast %get3A_623 : vector<1x16xf32> to vector<16xf32>
        %mul3A_625 = vector.broadcast %squeeze3A_594 : f32 to vector<16xf32>
        %mul3A_626 = arith.mulf %get3A_624, %mul3A_625 : vector<16xf32>
        %swap3A_627 = arith.index_cast %add3A_598 : i32 to index
        %swap3A_628 = arith.constant 32 : index
        %swap3A_629 = tpu.vector_load %arg11[%swap3A_627, %swap3A_628] {strides = array<i32>} : memref<128x128xf32, #tpu.memory_space<vmem>>, vector<1x16xf32>,
        %swap3A_630 = vector.shape_cast %swap3A_629 : vector<1x16xf32> to vector<16xf32>
        %swap3A_631 = vector.shape_cast %mul3A_626 : vector<16xf32> to vector<1x16xf32>
        tpu.vector_store %arg11[%swap3A_627, %swap3A_628], %swap3A_631 {strides = array<i32>} : memref<128x128xf32, #tpu.memory_space<vmem>>, vector<1x16xf32>,
        %get3A_632 = arith.index_cast %add3A_598 : i32 to index
        %get3A_633 = arith.constant 48 : index
        %get3A_634 = tpu.vector_load %arg11[%get3A_632, %get3A_633] {strides = array<i32>} : memref<128x128xf32, #tpu.memory_space<vmem>>, vector<1x16xf32>,
        %get3A_635 = vector.shape_cast %get3A_634 : vector<1x16xf32> to vector<16xf32>
        %mul3A_636 = vector.broadcast %squeeze3A_594 : f32 to vector<16xf32>
        %mul3A_637 = arith.mulf %get3A_635, %mul3A_636 : vector<16xf32>
        %swap3A_638 = arith.index_cast %add3A_598 : i32 to index
        %swap3A_639 = arith.constant 48 : index
        %swap3A_640 = tpu.vector_load %arg11[%swap3A_638, %swap3A_639] {strides = array<i32>} : memref<128x128xf32, #tpu.memory_space<vmem>>, vector<1x16xf32>,
        %swap3A_641 = vector.shape_cast %swap3A_640 : vector<1x16xf32> to vector<16xf32>
        %swap3A_642 = vector.shape_cast %mul3A_637 : vector<16xf32> to vector<1x16xf32>
        tpu.vector_store %arg11[%swap3A_638, %swap3A_639], %swap3A_642 {strides = array<i32>} : memref<128x128xf32, #tpu.memory_space<vmem>>, vector<1x16xf32>,
        %get3A_643 = arith.index_cast %add3A_598 : i32 to index
        %get3A_644 = arith.constant 64 : index
        %get3A_645 = tpu.vector_load %arg11[%get3A_643, %get3A_644] {strides = array<i32>} : memref<128x128xf32, #tpu.memory_space<vmem>>, vector<1x16xf32>,
        %get3A_646 = vector.shape_cast %get3A_645 : vector<1x16xf32> to vector<16xf32>
        %mul3A_647 = vector.broadcast %squeeze3A_594 : f32 to vector<16xf32>
        %mul3A_648 = arith.mulf %get3A_646, %mul3A_647 : vector<16xf32>
        %swap3A_649 = arith.index_cast %add3A_598 : i32 to index
        %swap3A_650 = arith.constant 64 : index
        %swap3A_651 = tpu.vector_load %arg11[%swap3A_649, %swap3A_650] {strides = array<i32>} : memref<128x128xf32, #tpu.memory_space<vmem>>, vector<1x16xf32>,
        %swap3A_652 = vector.shape_cast %swap3A_651 : vector<1x16xf32> to vector<16xf32>
        %swap3A_653 = vector.shape_cast %mul3A_648 : vector<16xf32> to vector<1x16xf32>
        tpu.vector_store %arg11[%swap3A_649, %swap3A_650], %swap3A_653 {strides = array<i32>} : memref<128x128xf32, #tpu.memory_space<vmem>>, vector<1x16xf32>,
        %get3A_654 = arith.index_cast %add3A_598 : i32 to index
        %get3A_655 = arith.constant 80 : index
        %get3A_656 = tpu.vector_load %arg11[%get3A_654, %get3A_655] {strides = array<i32>} : memref<128x128xf32, #tpu.memory_space<vmem>>, vector<1x16xf32>,
        %get3A_657 = vector.shape_cast %get3A_656 : vector<1x16xf32> to vector<16xf32>
        %mul3A_658 = vector.broadcast %squeeze3A_594 : f32 to vector<16xf32>
        %mul3A_659 = arith.mulf %get3A_657, %mul3A_658 : vector<16xf32>
        %swap3A_660 = arith.index_cast %add3A_598 : i32 to index
        %swap3A_661 = arith.constant 80 : index
        %swap3A_662 = tpu.vector_load %arg11[%swap3A_660, %swap3A_661] {strides = array<i32>} : memref<128x128xf32, #tpu.memory_space<vmem>>, vector<1x16xf32>,
        %swap3A_663 = vector.shape_cast %swap3A_662 : vector<1x16xf32> to vector<16xf32>
        %swap3A_664 = vector.shape_cast %mul3A_659 : vector<16xf32> to vector<1x16xf32>
        tpu.vector_store %arg11[%swap3A_660, %swap3A_661], %swap3A_664 {strides = array<i32>} : memref<128x128xf32, #tpu.memory_space<vmem>>, vector<1x16xf32>,
        %get3A_665 = arith.index_cast %add3A_598 : i32 to index
        %get3A_666 = arith.constant 96 : index
        %get3A_667 = tpu.vector_load %arg11[%get3A_665, %get3A_666] {strides = array<i32>} : memref<128x128xf32, #tpu.memory_space<vmem>>, vector<1x16xf32>,
        %get3A_668 = vector.shape_cast %get3A_667 : vector<1x16xf32> to vector<16xf32>
        %mul3A_669 = vector.broadcast %squeeze3A_594 : f32 to vector<16xf32>
        %mul3A_670 = arith.mulf %get3A_668, %mul3A_669 : vector<16xf32>
        %swap3A_671 = arith.index_cast %add3A_598 : i32 to index
        %swap3A_672 = arith.constant 96 : index
        %swap3A_673 = tpu.vector_load %arg11[%swap3A_671, %swap3A_672] {strides = array<i32>} : memref<128x128xf32, #tpu.memory_space<vmem>>, vector<1x16xf32>,
        %swap3A_674 = vector.shape_cast %swap3A_673 : vector<1x16xf32> to vector<16xf32>
        %swap3A_675 = vector.shape_cast %mul3A_670 : vector<16xf32> to vector<1x16xf32>
        tpu.vector_store %arg11[%swap3A_671, %swap3A_672], %swap3A_675 {strides = array<i32>} : memref<128x128xf32, #tpu.memory_space<vmem>>, vector<1x16xf32>,
        %get3A_676 = arith.index_cast %add3A_598 : i32 to index
        %get3A_677 = arith.constant 112 : index
        %get3A_678 = tpu.vector_load %arg11[%get3A_676, %get3A_677] {strides = array<i32>} : memref<128x128xf32, #tpu.memory_space<vmem>>, vector<1x16xf32>,
        %get3A_679 = vector.shape_cast %get3A_678 : vector<1x16xf32> to vector<16xf32>
        %mul3A_680 = vector.broadcast %squeeze3A_594 : f32 to vector<16xf32>
        %mul3A_681 = arith.mulf %get3A_679, %mul3A_680 : vector<16xf32>
        %swap3A_682 = arith.index_cast %add3A_598 : i32 to index
        %swap3A_683 = arith.constant 112 : index
        %swap3A_684 = tpu.vector_load %arg11[%swap3A_682, %swap3A_683] {strides = array<i32>} : memref<128x128xf32, #tpu.memory_space<vmem>>, vector<1x16xf32>,
        %swap3A_685 = vector.shape_cast %swap3A_684 : vector<1x16xf32> to vector<16xf32>
        %swap3A_686 = vector.shape_cast %mul3A_681 : vector<16xf32> to vector<1x16xf32>
        tpu.vector_store %arg11[%swap3A_682, %swap3A_683], %swap3A_686 {strides = array<i32>} : memref<128x128xf32, #tpu.memory_space<vmem>>, vector<1x16xf32>,
        %slice3A_687 = vector.extract_strided_slice %get3A_125 {offsets = [6], sizes = [1], strides = [1]} : vector<16xf32> to vector<1xf32>
        %squeeze3A_688 = vector.extract %slice3A_687[0] : f32 from vector<1xf32>
        %mul3A_689 = arith.constant 16 : i32
        %mul3A_690 = arith.muli %scan3A_120, %mul3A_689 : i32
        %add3A_691 = arith.constant 6 : i32
        %add3A_692 = arith.addi %mul3A_690, %add3A_691 : i32
        %get3A_693 = arith.index_cast %add3A_692 : i32 to index
        %get3A_694 = arith.constant 0 : index
        %get3A_695 = tpu.vector_load %arg11[%get3A_693, %get3A_694] {strides = array<i32>} : memref<128x128xf32, #tpu.memory_space<vmem>>, vector<1x16xf32>,
        %get3A_696 = vector.shape_cast %get3A_695 : vector<1x16xf32> to vector<16xf32>
        %mul3A_697 = vector.broadcast %squeeze3A_688 : f32 to vector<16xf32>
        %mul3A_698 = arith.mulf %get3A_696, %mul3A_697 : vector<16xf32>
        %swap3A_699 = arith.index_cast %add3A_692 : i32 to index
        %swap3A_700 = arith.constant 0 : index
        %swap3A_701 = tpu.vector_load %arg11[%swap3A_699, %swap3A_700] {strides = array<i32>} : memref<128x128xf32, #tpu.memory_space<vmem>>, vector<1x16xf32>,
        %swap3A_702 = vector.shape_cast %swap3A_701 : vector<1x16xf32> to vector<16xf32>
        %swap3A_703 = vector.shape_cast %mul3A_698 : vector<16xf32> to vector<1x16xf32>
        tpu.vector_store %arg11[%swap3A_699, %swap3A_700], %swap3A_703 {strides = array<i32>} : memref<128x128xf32, #tpu.memory_space<vmem>>, vector<1x16xf32>,
        %get3A_704 = arith.index_cast %add3A_692 : i32 to index
        %get3A_705 = arith.constant 16 : index
        %get3A_706 = tpu.vector_load %arg11[%get3A_704, %get3A_705] {strides = array<i32>} : memref<128x128xf32, #tpu.memory_space<vmem>>, vector<1x16xf32>,
        %get3A_707 = vector.shape_cast %get3A_706 : vector<1x16xf32> to vector<16xf32>
        %mul3A_708 = vector.broadcast %squeeze3A_688 : f32 to vector<16xf32>
        %mul3A_709 = arith.mulf %get3A_707, %mul3A_708 : vector<16xf32>
        %swap3A_710 = arith.index_cast %add3A_692 : i32 to index
        %swap3A_711 = arith.constant 16 : index
        %swap3A_712 = tpu.vector_load %arg11[%swap3A_710, %swap3A_711] {strides = array<i32>} : memref<128x128xf32, #tpu.memory_space<vmem>>, vector<1x16xf32>,
        %swap3A_713 = vector.shape_cast %swap3A_712 : vector<1x16xf32> to vector<16xf32>
        %swap3A_714 = vector.shape_cast %mul3A_709 : vector<16xf32> to vector<1x16xf32>
        tpu.vector_store %arg11[%swap3A_710, %swap3A_711], %swap3A_714 {strides = array<i32>} : memref<128x128xf32, #tpu.memory_space<vmem>>, vector<1x16xf32>,
        %get3A_715 = arith.index_cast %add3A_692 : i32 to index
        %get3A_716 = arith.constant 32 : index
        %get3A_717 = tpu.vector_load %arg11[%get3A_715, %get3A_716] {strides = array<i32>} : memref<128x128xf32, #tpu.memory_space<vmem>>, vector<1x16xf32>,
        %get3A_718 = vector.shape_cast %get3A_717 : vector<1x16xf32> to vector<16xf32>
        %mul3A_719 = vector.broadcast %squeeze3A_688 : f32 to vector<16xf32>
        %mul3A_720 = arith.mulf %get3A_718, %mul3A_719 : vector<16xf32>
        %swap3A_721 = arith.index_cast %add3A_692 : i32 to index
        %swap3A_722 = arith.constant 32 : index
        %swap3A_723 = tpu.vector_load %arg11[%swap3A_721, %swap3A_722] {strides = array<i32>} : memref<128x128xf32, #tpu.memory_space<vmem>>, vector<1x16xf32>,
        %swap3A_724 = vector.shape_cast %swap3A_723 : vector<1x16xf32> to vector<16xf32>
        %swap3A_725 = vector.shape_cast %mul3A_720 : vector<16xf32> to vector<1x16xf32>
        tpu.vector_store %arg11[%swap3A_721, %swap3A_722], %swap3A_725 {strides = array<i32>} : memref<128x128xf32, #tpu.memory_space<vmem>>, vector<1x16xf32>,
        %get3A_726 = arith.index_cast %add3A_692 : i32 to index
        %get3A_727 = arith.constant 48 : index
        %get3A_728 = tpu.vector_load %arg11[%get3A_726, %get3A_727] {strides = array<i32>} : memref<128x128xf32, #tpu.memory_space<vmem>>, vector<1x16xf32>,
        %get3A_729 = vector.shape_cast %get3A_728 : vector<1x16xf32> to vector<16xf32>
        %mul3A_730 = vector.broadcast %squeeze3A_688 : f32 to vector<16xf32>
        %mul3A_731 = arith.mulf %get3A_729, %mul3A_730 : vector<16xf32>
        %swap3A_732 = arith.index_cast %add3A_692 : i32 to index
        %swap3A_733 = arith.constant 48 : index
        %swap3A_734 = tpu.vector_load %arg11[%swap3A_732, %swap3A_733] {strides = array<i32>} : memref<128x128xf32, #tpu.memory_space<vmem>>, vector<1x16xf32>,
        %swap3A_735 = vector.shape_cast %swap3A_734 : vector<1x16xf32> to vector<16xf32>
        %swap3A_736 = vector.shape_cast %mul3A_731 : vector<16xf32> to vector<1x16xf32>
        tpu.vector_store %arg11[%swap3A_732, %swap3A_733], %swap3A_736 {strides = array<i32>} : memref<128x128xf32, #tpu.memory_space<vmem>>, vector<1x16xf32>,
        %get3A_737 = arith.index_cast %add3A_692 : i32 to index
        %get3A_738 = arith.constant 64 : index
        %get3A_739 = tpu.vector_load %arg11[%get3A_737, %get3A_738] {strides = array<i32>} : memref<128x128xf32, #tpu.memory_space<vmem>>, vector<1x16xf32>,
        %get3A_740 = vector.shape_cast %get3A_739 : vector<1x16xf32> to vector<16xf32>
        %mul3A_741 = vector.broadcast %squeeze3A_688 : f32 to vector<16xf32>
        %mul3A_742 = arith.mulf %get3A_740, %mul3A_741 : vector<16xf32>
        %swap3A_743 = arith.index_cast %add3A_692 : i32 to index
        %swap3A_744 = arith.constant 64 : index
        %swap3A_745 = tpu.vector_load %arg11[%swap3A_743, %swap3A_744] {strides = array<i32>} : memref<128x128xf32, #tpu.memory_space<vmem>>, vector<1x16xf32>,
        %swap3A_746 = vector.shape_cast %swap3A_745 : vector<1x16xf32> to vector<16xf32>
        %swap3A_747 = vector.shape_cast %mul3A_742 : vector<16xf32> to vector<1x16xf32>
        tpu.vector_store %arg11[%swap3A_743, %swap3A_744], %swap3A_747 {strides = array<i32>} : memref<128x128xf32, #tpu.memory_space<vmem>>, vector<1x16xf32>,
        %get3A_748 = arith.index_cast %add3A_692 : i32 to index
        %get3A_749 = arith.constant 80 : index
        %get3A_750 = tpu.vector_load %arg11[%get3A_748, %get3A_749] {strides = array<i32>} : memref<128x128xf32, #tpu.memory_space<vmem>>, vector<1x16xf32>,
        %get3A_751 = vector.shape_cast %get3A_750 : vector<1x16xf32> to vector<16xf32>
        %mul3A_752 = vector.broadcast %squeeze3A_688 : f32 to vector<16xf32>
        %mul3A_753 = arith.mulf %get3A_751, %mul3A_752 : vector<16xf32>
        %swap3A_754 = arith.index_cast %add3A_692 : i32 to index
        %swap3A_755 = arith.constant 80 : index
        %swap3A_756 = tpu.vector_load %arg11[%swap3A_754, %swap3A_755] {strides = array<i32>} : memref<128x128xf32, #tpu.memory_space<vmem>>, vector<1x16xf32>,
        %swap3A_757 = vector.shape_cast %swap3A_756 : vector<1x16xf32> to vector<16xf32>
        %swap3A_758 = vector.shape_cast %mul3A_753 : vector<16xf32> to vector<1x16xf32>
        tpu.vector_store %arg11[%swap3A_754, %swap3A_755], %swap3A_758 {strides = array<i32>} : memref<128x128xf32, #tpu.memory_space<vmem>>, vector<1x16xf32>,
        %get3A_759 = arith.index_cast %add3A_692 : i32 to index
        %get3A_760 = arith.constant 96 : index
        %get3A_761 = tpu.vector_load %arg11[%get3A_759, %get3A_760] {strides = array<i32>} : memref<128x128xf32, #tpu.memory_space<vmem>>, vector<1x16xf32>,
        %get3A_762 = vector.shape_cast %get3A_761 : vector<1x16xf32> to vector<16xf32>
        %mul3A_763 = vector.broadcast %squeeze3A_688 : f32 to vector<16xf32>
        %mul3A_764 = arith.mulf %get3A_762, %mul3A_763 : vector<16xf32>
        %swap3A_765 = arith.index_cast %add3A_692 : i32 to index
        %swap3A_766 = arith.constant 96 : index
        %swap3A_767 = tpu.vector_load %arg11[%swap3A_765, %swap3A_766] {strides = array<i32>} : memref<128x128xf32, #tpu.memory_space<vmem>>, vector<1x16xf32>,
        %swap3A_768 = vector.shape_cast %swap3A_767 : vector<1x16xf32> to vector<16xf32>
        %swap3A_769 = vector.shape_cast %mul3A_764 : vector<16xf32> to vector<1x16xf32>
        tpu.vector_store %arg11[%swap3A_765, %swap3A_766], %swap3A_769 {strides = array<i32>} : memref<128x128xf32, #tpu.memory_space<vmem>>, vector<1x16xf32>,
        %get3A_770 = arith.index_cast %add3A_692 : i32 to index
        %get3A_771 = arith.constant 112 : index
        %get3A_772 = tpu.vector_load %arg11[%get3A_770, %get3A_771] {strides = array<i32>} : memref<128x128xf32, #tpu.memory_space<vmem>>, vector<1x16xf32>,
        %get3A_773 = vector.shape_cast %get3A_772 : vector<1x16xf32> to vector<16xf32>
        %mul3A_774 = vector.broadcast %squeeze3A_688 : f32 to vector<16xf32>
        %mul3A_775 = arith.mulf %get3A_773, %mul3A_774 : vector<16xf32>
        %swap3A_776 = arith.index_cast %add3A_692 : i32 to index
        %swap3A_777 = arith.constant 112 : index
        %swap3A_778 = tpu.vector_load %arg11[%swap3A_776, %swap3A_777] {strides = array<i32>} : memref<128x128xf32, #tpu.memory_space<vmem>>, vector<1x16xf32>,
        %swap3A_779 = vector.shape_cast %swap3A_778 : vector<1x16xf32> to vector<16xf32>
        %swap3A_780 = vector.shape_cast %mul3A_775 : vector<16xf32> to vector<1x16xf32>
        tpu.vector_store %arg11[%swap3A_776, %swap3A_777], %swap3A_780 {strides = array<i32>} : memref<128x128xf32, #tpu.memory_space<vmem>>, vector<1x16xf32>,
        %slice3A_781 = vector.extract_strided_slice %get3A_125 {offsets = [7], sizes = [1], strides = [1]} : vector<16xf32> to vector<1xf32>
        %squeeze3A_782 = vector.extract %slice3A_781[0] : f32 from vector<1xf32>
        %mul3A_783 = arith.constant 16 : i32
        %mul3A_784 = arith.muli %scan3A_120, %mul3A_783 : i32
        %add3A_785 = arith.constant 7 : i32
        %add3A_786 = arith.addi %mul3A_784, %add3A_785 : i32
        %get3A_787 = arith.index_cast %add3A_786 : i32 to index
        %get3A_788 = arith.constant 0 : index
        %get3A_789 = tpu.vector_load %arg11[%get3A_787, %get3A_788] {strides = array<i32>} : memref<128x128xf32, #tpu.memory_space<vmem>>, vector<1x16xf32>,
        %get3A_790 = vector.shape_cast %get3A_789 : vector<1x16xf32> to vector<16xf32>
        %mul3A_791 = vector.broadcast %squeeze3A_782 : f32 to vector<16xf32>
        %mul3A_792 = arith.mulf %get3A_790, %mul3A_791 : vector<16xf32>
        %swap3A_793 = arith.index_cast %add3A_786 : i32 to index
        %swap3A_794 = arith.constant 0 : index
        %swap3A_795 = tpu.vector_load %arg11[%swap3A_793, %swap3A_794] {strides = array<i32>} : memref<128x128xf32, #tpu.memory_space<vmem>>, vector<1x16xf32>,
        %swap3A_796 = vector.shape_cast %swap3A_795 : vector<1x16xf32> to vector<16xf32>
        %swap3A_797 = vector.shape_cast %mul3A_792 : vector<16xf32> to vector<1x16xf32>
        tpu.vector_store %arg11[%swap3A_793, %swap3A_794], %swap3A_797 {strides = array<i32>} : memref<128x128xf32, #tpu.memory_space<vmem>>, vector<1x16xf32>,
        %get3A_798 = arith.index_cast %add3A_786 : i32 to index
        %get3A_799 = arith.constant 16 : index
        %get3A_800 = tpu.vector_load %arg11[%get3A_798, %get3A_799] {strides = array<i32>} : memref<128x128xf32, #tpu.memory_space<vmem>>, vector<1x16xf32>,
        %get3A_801 = vector.shape_cast %get3A_800 : vector<1x16xf32> to vector<16xf32>
        %mul3A_802 = vector.broadcast %squeeze3A_782 : f32 to vector<16xf32>
        %mul3A_803 = arith.mulf %get3A_801, %mul3A_802 : vector<16xf32>
        %swap3A_804 = arith.index_cast %add3A_786 : i32 to index
        %swap3A_805 = arith.constant 16 : index
        %swap3A_806 = tpu.vector_load %arg11[%swap3A_804, %swap3A_805] {strides = array<i32>} : memref<128x128xf32, #tpu.memory_space<vmem>>, vector<1x16xf32>,
        %swap3A_807 = vector.shape_cast %swap3A_806 : vector<1x16xf32> to vector<16xf32>
        %swap3A_808 = vector.shape_cast %mul3A_803 : vector<16xf32> to vector<1x16xf32>
        tpu.vector_store %arg11[%swap3A_804, %swap3A_805], %swap3A_808 {strides = array<i32>} : memref<128x128xf32, #tpu.memory_space<vmem>>, vector<1x16xf32>,
        %get3A_809 = arith.index_cast %add3A_786 : i32 to index
        %get3A_810 = arith.constant 32 : index
        %get3A_811 = tpu.vector_load %arg11[%get3A_809, %get3A_810] {strides = array<i32>} : memref<128x128xf32, #tpu.memory_space<vmem>>, vector<1x16xf32>,
        %get3A_812 = vector.shape_cast %get3A_811 : vector<1x16xf32> to vector<16xf32>
        %mul3A_813 = vector.broadcast %squeeze3A_782 : f32 to vector<16xf32>
        %mul3A_814 = arith.mulf %get3A_812, %mul3A_813 : vector<16xf32>
        %swap3A_815 = arith.index_cast %add3A_786 : i32 to index
        %swap3A_816 = arith.constant 32 : index
        %swap3A_817 = tpu.vector_load %arg11[%swap3A_815, %swap3A_816] {strides = array<i32>} : memref<128x128xf32, #tpu.memory_space<vmem>>, vector<1x16xf32>,
        %swap3A_818 = vector.shape_cast %swap3A_817 : vector<1x16xf32> to vector<16xf32>
        %swap3A_819 = vector.shape_cast %mul3A_814 : vector<16xf32> to vector<1x16xf32>
        tpu.vector_store %arg11[%swap3A_815, %swap3A_816], %swap3A_819 {strides = array<i32>} : memref<128x128xf32, #tpu.memory_space<vmem>>, vector<1x16xf32>,
        %get3A_820 = arith.index_cast %add3A_786 : i32 to index
        %get3A_821 = arith.constant 48 : index
        %get3A_822 = tpu.vector_load %arg11[%get3A_820, %get3A_821] {strides = array<i32>} : memref<128x128xf32, #tpu.memory_space<vmem>>, vector<1x16xf32>,
        %get3A_823 = vector.shape_cast %get3A_822 : vector<1x16xf32> to vector<16xf32>
        %mul3A_824 = vector.broadcast %squeeze3A_782 : f32 to vector<16xf32>
        %mul3A_825 = arith.mulf %get3A_823, %mul3A_824 : vector<16xf32>
        %swap3A_826 = arith.index_cast %add3A_786 : i32 to index
        %swap3A_827 = arith.constant 48 : index
        %swap3A_828 = tpu.vector_load %arg11[%swap3A_826, %swap3A_827] {strides = array<i32>} : memref<128x128xf32, #tpu.memory_space<vmem>>, vector<1x16xf32>,
        %swap3A_829 = vector.shape_cast %swap3A_828 : vector<1x16xf32> to vector<16xf32>
        %swap3A_830 = vector.shape_cast %mul3A_825 : vector<16xf32> to vector<1x16xf32>
        tpu.vector_store %arg11[%swap3A_826, %swap3A_827], %swap3A_830 {strides = array<i32>} : memref<128x128xf32, #tpu.memory_space<vmem>>, vector<1x16xf32>,
        %get3A_831 = arith.index_cast %add3A_786 : i32 to index
        %get3A_832 = arith.constant 64 : index
        %get3A_833 = tpu.vector_load %arg11[%get3A_831, %get3A_832] {strides = array<i32>} : memref<128x128xf32, #tpu.memory_space<vmem>>, vector<1x16xf32>,
        %get3A_834 = vector.shape_cast %get3A_833 : vector<1x16xf32> to vector<16xf32>
        %mul3A_835 = vector.broadcast %squeeze3A_782 : f32 to vector<16xf32>
        %mul3A_836 = arith.mulf %get3A_834, %mul3A_835 : vector<16xf32>
        %swap3A_837 = arith.index_cast %add3A_786 : i32 to index
        %swap3A_838 = arith.constant 64 : index
        %swap3A_839 = tpu.vector_load %arg11[%swap3A_837, %swap3A_838] {strides = array<i32>} : memref<128x128xf32, #tpu.memory_space<vmem>>, vector<1x16xf32>,
        %swap3A_840 = vector.shape_cast %swap3A_839 : vector<1x16xf32> to vector<16xf32>
        %swap3A_841 = vector.shape_cast %mul3A_836 : vector<16xf32> to vector<1x16xf32>
        tpu.vector_store %arg11[%swap3A_837, %swap3A_838], %swap3A_841 {strides = array<i32>} : memref<128x128xf32, #tpu.memory_space<vmem>>, vector<1x16xf32>,
        %get3A_842 = arith.index_cast %add3A_786 : i32 to index
        %get3A_843 = arith.constant 80 : index
        %get3A_844 = tpu.vector_load %arg11[%get3A_842, %get3A_843] {strides = array<i32>} : memref<128x128xf32, #tpu.memory_space<vmem>>, vector<1x16xf32>,
        %get3A_845 = vector.shape_cast %get3A_844 : vector<1x16xf32> to vector<16xf32>
        %mul3A_846 = vector.broadcast %squeeze3A_782 : f32 to vector<16xf32>
        %mul3A_847 = arith.mulf %get3A_845, %mul3A_846 : vector<16xf32>
        %swap3A_848 = arith.index_cast %add3A_786 : i32 to index
        %swap3A_849 = arith.constant 80 : index
        %swap3A_850 = tpu.vector_load %arg11[%swap3A_848, %swap3A_849] {strides = array<i32>} : memref<128x128xf32, #tpu.memory_space<vmem>>, vector<1x16xf32>,
        %swap3A_851 = vector.shape_cast %swap3A_850 : vector<1x16xf32> to vector<16xf32>
        %swap3A_852 = vector.shape_cast %mul3A_847 : vector<16xf32> to vector<1x16xf32>
        tpu.vector_store %arg11[%swap3A_848, %swap3A_849], %swap3A_852 {strides = array<i32>} : memref<128x128xf32, #tpu.memory_space<vmem>>, vector<1x16xf32>,
        %get3A_853 = arith.index_cast %add3A_786 : i32 to index
        %get3A_854 = arith.constant 96 : index
        %get3A_855 = tpu.vector_load %arg11[%get3A_853, %get3A_854] {strides = array<i32>} : memref<128x128xf32, #tpu.memory_space<vmem>>, vector<1x16xf32>,
        %get3A_856 = vector.shape_cast %get3A_855 : vector<1x16xf32> to vector<16xf32>
        %mul3A_857 = vector.broadcast %squeeze3A_782 : f32 to vector<16xf32>
        %mul3A_858 = arith.mulf %get3A_856, %mul3A_857 : vector<16xf32>
        %swap3A_859 = arith.index_cast %add3A_786 : i32 to index
        %swap3A_860 = arith.constant 96 : index
        %swap3A_861 = tpu.vector_load %arg11[%swap3A_859, %swap3A_860] {strides = array<i32>} : memref<128x128xf32, #tpu.memory_space<vmem>>, vector<1x16xf32>,
        %swap3A_862 = vector.shape_cast %swap3A_861 : vector<1x16xf32> to vector<16xf32>
        %swap3A_863 = vector.shape_cast %mul3A_858 : vector<16xf32> to vector<1x16xf32>
        tpu.vector_store %arg11[%swap3A_859, %swap3A_860], %swap3A_863 {strides = array<i32>} : memref<128x128xf32, #tpu.memory_space<vmem>>, vector<1x16xf32>,
        %get3A_864 = arith.index_cast %add3A_786 : i32 to index
        %get3A_865 = arith.constant 112 : index
        %get3A_866 = tpu.vector_load %arg11[%get3A_864, %get3A_865] {strides = array<i32>} : memref<128x128xf32, #tpu.memory_space<vmem>>, vector<1x16xf32>,
        %get3A_867 = vector.shape_cast %get3A_866 : vector<1x16xf32> to vector<16xf32>
        %mul3A_868 = vector.broadcast %squeeze3A_782 : f32 to vector<16xf32>
        %mul3A_869 = arith.mulf %get3A_867, %mul3A_868 : vector<16xf32>
        %swap3A_870 = arith.index_cast %add3A_786 : i32 to index
        %swap3A_871 = arith.constant 112 : index
        %swap3A_872 = tpu.vector_load %arg11[%swap3A_870, %swap3A_871] {strides = array<i32>} : memref<128x128xf32, #tpu.memory_space<vmem>>, vector<1x16xf32>,
        %swap3A_873 = vector.shape_cast %swap3A_872 : vector<1x16xf32> to vector<16xf32>
        %swap3A_874 = vector.shape_cast %mul3A_869 : vector<16xf32> to vector<1x16xf32>
        tpu.vector_store %arg11[%swap3A_870, %swap3A_871], %swap3A_874 {strides = array<i32>} : memref<128x128xf32, #tpu.memory_space<vmem>>, vector<1x16xf32>,
        %slice3A_875 = vector.extract_strided_slice %get3A_125 {offsets = [8], sizes = [1], strides = [1]} : vector<16xf32> to vector<1xf32>
        %squeeze3A_876 = vector.extract %slice3A_875[0] : f32 from vector<1xf32>
        %mul3A_877 = arith.constant 16 : i32
        %mul3A_878 = arith.muli %scan3A_120, %mul3A_877 : i32
        %add3A_879 = arith.constant 8 : i32
        %add3A_880 = arith.addi %mul3A_878, %add3A_879 : i32
        %get3A_881 = arith.index_cast %add3A_880 : i32 to index
        %get3A_882 = arith.constant 0 : index
        %get3A_883 = tpu.vector_load %arg11[%get3A_881, %get3A_882] {strides = array<i32>} : memref<128x128xf32, #tpu.memory_space<vmem>>, vector<1x16xf32>,
        %get3A_884 = vector.shape_cast %get3A_883 : vector<1x16xf32> to vector<16xf32>
        %mul3A_885 = vector.broadcast %squeeze3A_876 : f32 to vector<16xf32>
        %mul3A_886 = arith.mulf %get3A_884, %mul3A_885 : vector<16xf32>
        %swap3A_887 = arith.index_cast %add3A_880 : i32 to index
        %swap3A_888 = arith.constant 0 : index
        %swap3A_889 = tpu.vector_load %arg11[%swap3A_887, %swap3A_888] {strides = array<i32>} : memref<128x128xf32, #tpu.memory_space<vmem>>, vector<1x16xf32>,
        %swap3A_890 = vector.shape_cast %swap3A_889 : vector<1x16xf32> to vector<16xf32>
        %swap3A_891 = vector.shape_cast %mul3A_886 : vector<16xf32> to vector<1x16xf32>
        tpu.vector_store %arg11[%swap3A_887, %swap3A_888], %swap3A_891 {strides = array<i32>} : memref<128x128xf32, #tpu.memory_space<vmem>>, vector<1x16xf32>,
        %get3A_892 = arith.index_cast %add3A_880 : i32 to index
        %get3A_893 = arith.constant 16 : index
        %get3A_894 = tpu.vector_load %arg11[%get3A_892, %get3A_893] {strides = array<i32>} : memref<128x128xf32, #tpu.memory_space<vmem>>, vector<1x16xf32>,
        %get3A_895 = vector.shape_cast %get3A_894 : vector<1x16xf32> to vector<16xf32>
        %mul3A_896 = vector.broadcast %squeeze3A_876 : f32 to vector<16xf32>
        %mul3A_897 = arith.mulf %get3A_895, %mul3A_896 : vector<16xf32>
        %swap3A_898 = arith.index_cast %add3A_880 : i32 to index
        %swap3A_899 = arith.constant 16 : index
        %swap3A_900 = tpu.vector_load %arg11[%swap3A_898, %swap3A_899] {strides = array<i32>} : memref<128x128xf32, #tpu.memory_space<vmem>>, vector<1x16xf32>,
        %swap3A_901 = vector.shape_cast %swap3A_900 : vector<1x16xf32> to vector<16xf32>
        %swap3A_902 = vector.shape_cast %mul3A_897 : vector<16xf32> to vector<1x16xf32>
        tpu.vector_store %arg11[%swap3A_898, %swap3A_899], %swap3A_902 {strides = array<i32>} : memref<128x128xf32, #tpu.memory_space<vmem>>, vector<1x16xf32>,
        %get3A_903 = arith.index_cast %add3A_880 : i32 to index
        %get3A_904 = arith.constant 32 : index
        %get3A_905 = tpu.vector_load %arg11[%get3A_903, %get3A_904] {strides = array<i32>} : memref<128x128xf32, #tpu.memory_space<vmem>>, vector<1x16xf32>,
        %get3A_906 = vector.shape_cast %get3A_905 : vector<1x16xf32> to vector<16xf32>
        %mul3A_907 = vector.broadcast %squeeze3A_876 : f32 to vector<16xf32>
        %mul3A_908 = arith.mulf %get3A_906, %mul3A_907 : vector<16xf32>
        %swap3A_909 = arith.index_cast %add3A_880 : i32 to index
        %swap3A_910 = arith.constant 32 : index
        %swap3A_911 = tpu.vector_load %arg11[%swap3A_909, %swap3A_910] {strides = array<i32>} : memref<128x128xf32, #tpu.memory_space<vmem>>, vector<1x16xf32>,
        %swap3A_912 = vector.shape_cast %swap3A_911 : vector<1x16xf32> to vector<16xf32>
        %swap3A_913 = vector.shape_cast %mul3A_908 : vector<16xf32> to vector<1x16xf32>
        tpu.vector_store %arg11[%swap3A_909, %swap3A_910], %swap3A_913 {strides = array<i32>} : memref<128x128xf32, #tpu.memory_space<vmem>>, vector<1x16xf32>,
        %get3A_914 = arith.index_cast %add3A_880 : i32 to index
        %get3A_915 = arith.constant 48 : index
        %get3A_916 = tpu.vector_load %arg11[%get3A_914, %get3A_915] {strides = array<i32>} : memref<128x128xf32, #tpu.memory_space<vmem>>, vector<1x16xf32>,
        %get3A_917 = vector.shape_cast %get3A_916 : vector<1x16xf32> to vector<16xf32>
        %mul3A_918 = vector.broadcast %squeeze3A_876 : f32 to vector<16xf32>
        %mul3A_919 = arith.mulf %get3A_917, %mul3A_918 : vector<16xf32>
        %swap3A_920 = arith.index_cast %add3A_880 : i32 to index
        %swap3A_921 = arith.constant 48 : index
        %swap3A_922 = tpu.vector_load %arg11[%swap3A_920, %swap3A_921] {strides = array<i32>} : memref<128x128xf32, #tpu.memory_space<vmem>>, vector<1x16xf32>,
        %swap3A_923 = vector.shape_cast %swap3A_922 : vector<1x16xf32> to vector<16xf32>
        %swap3A_924 = vector.shape_cast %mul3A_919 : vector<16xf32> to vector<1x16xf32>
        tpu.vector_store %arg11[%swap3A_920, %swap3A_921], %swap3A_924 {strides = array<i32>} : memref<128x128xf32, #tpu.memory_space<vmem>>, vector<1x16xf32>,
        %get3A_925 = arith.index_cast %add3A_880 : i32 to index
        %get3A_926 = arith.constant 64 : index
        %get3A_927 = tpu.vector_load %arg11[%get3A_925, %get3A_926] {strides = array<i32>} : memref<128x128xf32, #tpu.memory_space<vmem>>, vector<1x16xf32>,
        %get3A_928 = vector.shape_cast %get3A_927 : vector<1x16xf32> to vector<16xf32>
        %mul3A_929 = vector.broadcast %squeeze3A_876 : f32 to vector<16xf32>
        %mul3A_930 = arith.mulf %get3A_928, %mul3A_929 : vector<16xf32>
        %swap3A_931 = arith.index_cast %add3A_880 : i32 to index
        %swap3A_932 = arith.constant 64 : index
        %swap3A_933 = tpu.vector_load %arg11[%swap3A_931, %swap3A_932] {strides = array<i32>} : memref<128x128xf32, #tpu.memory_space<vmem>>, vector<1x16xf32>,
        %swap3A_934 = vector.shape_cast %swap3A_933 : vector<1x16xf32> to vector<16xf32>
        %swap3A_935 = vector.shape_cast %mul3A_930 : vector<16xf32> to vector<1x16xf32>
        tpu.vector_store %arg11[%swap3A_931, %swap3A_932], %swap3A_935 {strides = array<i32>} : memref<128x128xf32, #tpu.memory_space<vmem>>, vector<1x16xf32>,
        %get3A_936 = arith.index_cast %add3A_880 : i32 to index
        %get3A_937 = arith.constant 80 : index
        %get3A_938 = tpu.vector_load %arg11[%get3A_936, %get3A_937] {strides = array<i32>} : memref<128x128xf32, #tpu.memory_space<vmem>>, vector<1x16xf32>,
        %get3A_939 = vector.shape_cast %get3A_938 : vector<1x16xf32> to vector<16xf32>
        %mul3A_940 = vector.broadcast %squeeze3A_876 : f32 to vector<16xf32>
        %mul3A_941 = arith.mulf %get3A_939, %mul3A_940 : vector<16xf32>
        %swap3A_942 = arith.index_cast %add3A_880 : i32 to index
        %swap3A_943 = arith.constant 80 : index
        %swap3A_944 = tpu.vector_load %arg11[%swap3A_942, %swap3A_943] {strides = array<i32>} : memref<128x128xf32, #tpu.memory_space<vmem>>, vector<1x16xf32>,
        %swap3A_945 = vector.shape_cast %swap3A_944 : vector<1x16xf32> to vector<16xf32>
        %swap3A_946 = vector.shape_cast %mul3A_941 : vector<16xf32> to vector<1x16xf32>
        tpu.vector_store %arg11[%swap3A_942, %swap3A_943], %swap3A_946 {strides = array<i32>} : memref<128x128xf32, #tpu.memory_space<vmem>>, vector<1x16xf32>,
        %get3A_947 = arith.index_cast %add3A_880 : i32 to index
        %get3A_948 = arith.constant 96 : index
        %get3A_949 = tpu.vector_load %arg11[%get3A_947, %get3A_948] {strides = array<i32>} : memref<128x128xf32, #tpu.memory_space<vmem>>, vector<1x16xf32>,
        %get3A_950 = vector.shape_cast %get3A_949 : vector<1x16xf32> to vector<16xf32>
        %mul3A_951 = vector.broadcast %squeeze3A_876 : f32 to vector<16xf32>
        %mul3A_952 = arith.mulf %get3A_950, %mul3A_951 : vector<16xf32>
        %swap3A_953 = arith.index_cast %add3A_880 : i32 to index
        %swap3A_954 = arith.constant 96 : index
        %swap3A_955 = tpu.vector_load %arg11[%swap3A_953, %swap3A_954] {strides = array<i32>} : memref<128x128xf32, #tpu.memory_space<vmem>>, vector<1x16xf32>,
        %swap3A_956 = vector.shape_cast %swap3A_955 : vector<1x16xf32> to vector<16xf32>
        %swap3A_957 = vector.shape_cast %mul3A_952 : vector<16xf32> to vector<1x16xf32>
        tpu.vector_store %arg11[%swap3A_953, %swap3A_954], %swap3A_957 {strides = array<i32>} : memref<128x128xf32, #tpu.memory_space<vmem>>, vector<1x16xf32>,
        %get3A_958 = arith.index_cast %add3A_880 : i32 to index
        %get3A_959 = arith.constant 112 : index
        %get3A_960 = tpu.vector_load %arg11[%get3A_958, %get3A_959] {strides = array<i32>} : memref<128x128xf32, #tpu.memory_space<vmem>>, vector<1x16xf32>,
        %get3A_961 = vector.shape_cast %get3A_960 : vector<1x16xf32> to vector<16xf32>
        %mul3A_962 = vector.broadcast %squeeze3A_876 : f32 to vector<16xf32>
        %mul3A_963 = arith.mulf %get3A_961, %mul3A_962 : vector<16xf32>
        %swap3A_964 = arith.index_cast %add3A_880 : i32 to index
        %swap3A_965 = arith.constant 112 : index
        %swap3A_966 = tpu.vector_load %arg11[%swap3A_964, %swap3A_965] {strides = array<i32>} : memref<128x128xf32, #tpu.memory_space<vmem>>, vector<1x16xf32>,
        %swap3A_967 = vector.shape_cast %swap3A_966 : vector<1x16xf32> to vector<16xf32>
        %swap3A_968 = vector.shape_cast %mul3A_963 : vector<16xf32> to vector<1x16xf32>
        tpu.vector_store %arg11[%swap3A_964, %swap3A_965], %swap3A_968 {strides = array<i32>} : memref<128x128xf32, #tpu.memory_space<vmem>>, vector<1x16xf32>,
        %slice3A_969 = vector.extract_strided_slice %get3A_125 {offsets = [9], sizes = [1], strides = [1]} : vector<16xf32> to vector<1xf32>
        %squeeze3A_970 = vector.extract %slice3A_969[0] : f32 from vector<1xf32>
        %mul3A_971 = arith.constant 16 : i32
        %mul3A_972 = arith.muli %scan3A_120, %mul3A_971 : i32
        %add3A_973 = arith.constant 9 : i32
        %add3A_974 = arith.addi %mul3A_972, %add3A_973 : i32
        %get3A_975 = arith.index_cast %add3A_974 : i32 to index
        %get3A_976 = arith.constant 0 : index
        %get3A_977 = tpu.vector_load %arg11[%get3A_975, %get3A_976] {strides = array<i32>} : memref<128x128xf32, #tpu.memory_space<vmem>>, vector<1x16xf32>,
        %get3A_978 = vector.shape_cast %get3A_977 : vector<1x16xf32> to vector<16xf32>
        %mul3A_979 = vector.broadcast %squeeze3A_970 : f32 to vector<16xf32>
        %mul3A_980 = arith.mulf %get3A_978, %mul3A_979 : vector<16xf32>
        %swap3A_981 = arith.index_cast %add3A_974 : i32 to index
        %swap3A_982 = arith.constant 0 : index
        %swap3A_983 = tpu.vector_load %arg11[%swap3A_981, %swap3A_982] {strides = array<i32>} : memref<128x128xf32, #tpu.memory_space<vmem>>, vector<1x16xf32>,
        %swap3A_984 = vector.shape_cast %swap3A_983 : vector<1x16xf32> to vector<16xf32>
        %swap3A_985 = vector.shape_cast %mul3A_980 : vector<16xf32> to vector<1x16xf32>
        tpu.vector_store %arg11[%swap3A_981, %swap3A_982], %swap3A_985 {strides = array<i32>} : memref<128x128xf32, #tpu.memory_space<vmem>>, vector<1x16xf32>,
        %get3A_986 = arith.index_cast %add3A_974 : i32 to index
        %get3A_987 = arith.constant 16 : index
        %get3A_988 = tpu.vector_load %arg11[%get3A_986, %get3A_987] {strides = array<i32>} : memref<128x128xf32, #tpu.memory_space<vmem>>, vector<1x16xf32>,
        %get3A_989 = vector.shape_cast %get3A_988 : vector<1x16xf32> to vector<16xf32>
        %mul3A_990 = vector.broadcast %squeeze3A_970 : f32 to vector<16xf32>
        %mul3A_991 = arith.mulf %get3A_989, %mul3A_990 : vector<16xf32>
        %swap3A_992 = arith.index_cast %add3A_974 : i32 to index
        %swap3A_993 = arith.constant 16 : index
        %swap3A_994 = tpu.vector_load %arg11[%swap3A_992, %swap3A_993] {strides = array<i32>} : memref<128x128xf32, #tpu.memory_space<vmem>>, vector<1x16xf32>,
        %swap3A_995 = vector.shape_cast %swap3A_994 : vector<1x16xf32> to vector<16xf32>
        %swap3A_996 = vector.shape_cast %mul3A_991 : vector<16xf32> to vector<1x16xf32>
        tpu.vector_store %arg11[%swap3A_992, %swap3A_993], %swap3A_996 {strides = array<i32>} : memref<128x128xf32, #tpu.memory_space<vmem>>, vector<1x16xf32>,
        %get3A_997 = arith.index_cast %add3A_974 : i32 to index
        %get3A_998 = arith.constant 32 : index
        %get3A_999 = tpu.vector_load %arg11[%get3A_997, %get3A_998] {strides = array<i32>} : memref<128x128xf32, #tpu.memory_space<vmem>>, vector<1x16xf32>,
        %get3A_1000 = vector.shape_cast %get3A_999 : vector<1x16xf32> to vector<16xf32>
        %mul3A_1001 = vector.broadcast %squeeze3A_970 : f32 to vector<16xf32>
        %mul3A_1002 = arith.mulf %get3A_1000, %mul3A_1001 : vector<16xf32>
        %swap3A_1003 = arith.index_cast %add3A_974 : i32 to index
        %swap3A_1004 = arith.constant 32 : index
        %swap3A_1005 = tpu.vector_load %arg11[%swap3A_1003, %swap3A_1004] {strides = array<i32>} : memref<128x128xf32, #tpu.memory_space<vmem>>, vector<1x16xf32>,
        %swap3A_1006 = vector.shape_cast %swap3A_1005 : vector<1x16xf32> to vector<16xf32>
        %swap3A_1007 = vector.shape_cast %mul3A_1002 : vector<16xf32> to vector<1x16xf32>
        tpu.vector_store %arg11[%swap3A_1003, %swap3A_1004], %swap3A_1007 {strides = array<i32>} : memref<128x128xf32, #tpu.memory_space<vmem>>, vector<1x16xf32>,
        %get3A_1008 = arith.index_cast %add3A_974 : i32 to index
        %get3A_1009 = arith.constant 48 : index
        %get3A_1010 = tpu.vector_load %arg11[%get3A_1008, %get3A_1009] {strides = array<i32>} : memref<128x128xf32, #tpu.memory_space<vmem>>, vector<1x16xf32>,
        %get3A_1011 = vector.shape_cast %get3A_1010 : vector<1x16xf32> to vector<16xf32>
        %mul3A_1012 = vector.broadcast %squeeze3A_970 : f32 to vector<16xf32>
        %mul3A_1013 = arith.mulf %get3A_1011, %mul3A_1012 : vector<16xf32>
        %swap3A_1014 = arith.index_cast %add3A_974 : i32 to index
        %swap3A_1015 = arith.constant 48 : index
        %swap3A_1016 = tpu.vector_load %arg11[%swap3A_1014, %swap3A_1015] {strides = array<i32>} : memref<128x128xf32, #tpu.memory_space<vmem>>, vector<1x16xf32>,
        %swap3A_1017 = vector.shape_cast %swap3A_1016 : vector<1x16xf32> to vector<16xf32>
        %swap3A_1018 = vector.shape_cast %mul3A_1013 : vector<16xf32> to vector<1x16xf32>
        tpu.vector_store %arg11[%swap3A_1014, %swap3A_1015], %swap3A_1018 {strides = array<i32>} : memref<128x128xf32, #tpu.memory_space<vmem>>, vector<1x16xf32>,
        %get3A_1019 = arith.index_cast %add3A_974 : i32 to index
        %get3A_1020 = arith.constant 64 : index
        %get3A_1021 = tpu.vector_load %arg11[%get3A_1019, %get3A_1020] {strides = array<i32>} : memref<128x128xf32, #tpu.memory_space<vmem>>, vector<1x16xf32>,
        %get3A_1022 = vector.shape_cast %get3A_1021 : vector<1x16xf32> to vector<16xf32>
        %mul3A_1023 = vector.broadcast %squeeze3A_970 : f32 to vector<16xf32>
        %mul3A_1024 = arith.mulf %get3A_1022, %mul3A_1023 : vector<16xf32>
        %swap3A_1025 = arith.index_cast %add3A_974 : i32 to index
        %swap3A_1026 = arith.constant 64 : index
        %swap3A_1027 = tpu.vector_load %arg11[%swap3A_1025, %swap3A_1026] {strides = array<i32>} : memref<128x128xf32, #tpu.memory_space<vmem>>, vector<1x16xf32>,
        %swap3A_1028 = vector.shape_cast %swap3A_1027 : vector<1x16xf32> to vector<16xf32>
        %swap3A_1029 = vector.shape_cast %mul3A_1024 : vector<16xf32> to vector<1x16xf32>
        tpu.vector_store %arg11[%swap3A_1025, %swap3A_1026], %swap3A_1029 {strides = array<i32>} : memref<128x128xf32, #tpu.memory_space<vmem>>, vector<1x16xf32>,
        %get3A_1030 = arith.index_cast %add3A_974 : i32 to index
        %get3A_1031 = arith.constant 80 : index
        %get3A_1032 = tpu.vector_load %arg11[%get3A_1030, %get3A_1031] {strides = array<i32>} : memref<128x128xf32, #tpu.memory_space<vmem>>, vector<1x16xf32>,
        %get3A_1033 = vector.shape_cast %get3A_1032 : vector<1x16xf32> to vector<16xf32>
        %mul3A_1034 = vector.broadcast %squeeze3A_970 : f32 to vector<16xf32>
        %mul3A_1035 = arith.mulf %get3A_1033, %mul3A_1034 : vector<16xf32>
        %swap3A_1036 = arith.index_cast %add3A_974 : i32 to index
        %swap3A_1037 = arith.constant 80 : index
        %swap3A_1038 = tpu.vector_load %arg11[%swap3A_1036, %swap3A_1037] {strides = array<i32>} : memref<128x128xf32, #tpu.memory_space<vmem>>, vector<1x16xf32>,
        %swap3A_1039 = vector.shape_cast %swap3A_1038 : vector<1x16xf32> to vector<16xf32>
        %swap3A_1040 = vector.shape_cast %mul3A_1035 : vector<16xf32> to vector<1x16xf32>
        tpu.vector_store %arg11[%swap3A_1036, %swap3A_1037], %swap3A_1040 {strides = array<i32>} : memref<128x128xf32, #tpu.memory_space<vmem>>, vector<1x16xf32>,
        %get3A_1041 = arith.index_cast %add3A_974 : i32 to index
        %get3A_1042 = arith.constant 96 : index
        %get3A_1043 = tpu.vector_load %arg11[%get3A_1041, %get3A_1042] {strides = array<i32>} : memref<128x128xf32, #tpu.memory_space<vmem>>, vector<1x16xf32>,
        %get3A_1044 = vector.shape_cast %get3A_1043 : vector<1x16xf32> to vector<16xf32>
        %mul3A_1045 = vector.broadcast %squeeze3A_970 : f32 to vector<16xf32>
        %mul3A_1046 = arith.mulf %get3A_1044, %mul3A_1045 : vector<16xf32>
        %swap3A_1047 = arith.index_cast %add3A_974 : i32 to index
        %swap3A_1048 = arith.constant 96 : index
        %swap3A_1049 = tpu.vector_load %arg11[%swap3A_1047, %swap3A_1048] {strides = array<i32>} : memref<128x128xf32, #tpu.memory_space<vmem>>, vector<1x16xf32>,
        %swap3A_1050 = vector.shape_cast %swap3A_1049 : vector<1x16xf32> to vector<16xf32>
        %swap3A_1051 = vector.shape_cast %mul3A_1046 : vector<16xf32> to vector<1x16xf32>
        tpu.vector_store %arg11[%swap3A_1047, %swap3A_1048], %swap3A_1051 {strides = array<i32>} : memref<128x128xf32, #tpu.memory_space<vmem>>, vector<1x16xf32>,
        %get3A_1052 = arith.index_cast %add3A_974 : i32 to index
        %get3A_1053 = arith.constant 112 : index
        %get3A_1054 = tpu.vector_load %arg11[%get3A_1052, %get3A_1053] {strides = array<i32>} : memref<128x128xf32, #tpu.memory_space<vmem>>, vector<1x16xf32>,
        %get3A_1055 = vector.shape_cast %get3A_1054 : vector<1x16xf32> to vector<16xf32>
        %mul3A_1056 = vector.broadcast %squeeze3A_970 : f32 to vector<16xf32>
        %mul3A_1057 = arith.mulf %get3A_1055, %mul3A_1056 : vector<16xf32>
        %swap3A_1058 = arith.index_cast %add3A_974 : i32 to index
        %swap3A_1059 = arith.constant 112 : index
        %swap3A_1060 = tpu.vector_load %arg11[%swap3A_1058, %swap3A_1059] {strides = array<i32>} : memref<128x128xf32, #tpu.memory_space<vmem>>, vector<1x16xf32>,
        %swap3A_1061 = vector.shape_cast %swap3A_1060 : vector<1x16xf32> to vector<16xf32>
        %swap3A_1062 = vector.shape_cast %mul3A_1057 : vector<16xf32> to vector<1x16xf32>
        tpu.vector_store %arg11[%swap3A_1058, %swap3A_1059], %swap3A_1062 {strides = array<i32>} : memref<128x128xf32, #tpu.memory_space<vmem>>, vector<1x16xf32>,
        %slice3A_1063 = vector.extract_strided_slice %get3A_125 {offsets = [10], sizes = [1], strides = [1]} : vector<16xf32> to vector<1xf32>
        %squeeze3A_1064 = vector.extract %slice3A_1063[0] : f32 from vector<1xf32>
        %mul3A_1065 = arith.constant 16 : i32
        %mul3A_1066 = arith.muli %scan3A_120, %mul3A_1065 : i32
        %add3A_1067 = arith.constant 10 : i32
        %add3A_1068 = arith.addi %mul3A_1066, %add3A_1067 : i32
        %get3A_1069 = arith.index_cast %add3A_1068 : i32 to index
        %get3A_1070 = arith.constant 0 : index
        %get3A_1071 = tpu.vector_load %arg11[%get3A_1069, %get3A_1070] {strides = array<i32>} : memref<128x128xf32, #tpu.memory_space<vmem>>, vector<1x16xf32>,
        %get3A_1072 = vector.shape_cast %get3A_1071 : vector<1x16xf32> to vector<16xf32>
        %mul3A_1073 = vector.broadcast %squeeze3A_1064 : f32 to vector<16xf32>
        %mul3A_1074 = arith.mulf %get3A_1072, %mul3A_1073 : vector<16xf32>
        %swap3A_1075 = arith.index_cast %add3A_1068 : i32 to index
        %swap3A_1076 = arith.constant 0 : index
        %swap3A_1077 = tpu.vector_load %arg11[%swap3A_1075, %swap3A_1076] {strides = array<i32>} : memref<128x128xf32, #tpu.memory_space<vmem>>, vector<1x16xf32>,
        %swap3A_1078 = vector.shape_cast %swap3A_1077 : vector<1x16xf32> to vector<16xf32>
        %swap3A_1079 = vector.shape_cast %mul3A_1074 : vector<16xf32> to vector<1x16xf32>
        tpu.vector_store %arg11[%swap3A_1075, %swap3A_1076], %swap3A_1079 {strides = array<i32>} : memref<128x128xf32, #tpu.memory_space<vmem>>, vector<1x16xf32>,
        %get3A_1080 = arith.index_cast %add3A_1068 : i32 to index
        %get3A_1081 = arith.constant 16 : index
        %get3A_1082 = tpu.vector_load %arg11[%get3A_1080, %get3A_1081] {strides = array<i32>} : memref<128x128xf32, #tpu.memory_space<vmem>>, vector<1x16xf32>,
        %get3A_1083 = vector.shape_cast %get3A_1082 : vector<1x16xf32> to vector<16xf32>
        %mul3A_1084 = vector.broadcast %squeeze3A_1064 : f32 to vector<16xf32>
        %mul3A_1085 = arith.mulf %get3A_1083, %mul3A_1084 : vector<16xf32>
        %swap3A_1086 = arith.index_cast %add3A_1068 : i32 to index
        %swap3A_1087 = arith.constant 16 : index
        %swap3A_1088 = tpu.vector_load %arg11[%swap3A_1086, %swap3A_1087] {strides = array<i32>} : memref<128x128xf32, #tpu.memory_space<vmem>>, vector<1x16xf32>,
        %swap3A_1089 = vector.shape_cast %swap3A_1088 : vector<1x16xf32> to vector<16xf32>
        %swap3A_1090 = vector.shape_cast %mul3A_1085 : vector<16xf32> to vector<1x16xf32>
        tpu.vector_store %arg11[%swap3A_1086, %swap3A_1087], %swap3A_1090 {strides = array<i32>} : memref<128x128xf32, #tpu.memory_space<vmem>>, vector<1x16xf32>,
        %get3A_1091 = arith.index_cast %add3A_1068 : i32 to index
        %get3A_1092 = arith.constant 32 : index
        %get3A_1093 = tpu.vector_load %arg11[%get3A_1091, %get3A_1092] {strides = array<i32>} : memref<128x128xf32, #tpu.memory_space<vmem>>, vector<1x16xf32>,
        %get3A_1094 = vector.shape_cast %get3A_1093 : vector<1x16xf32> to vector<16xf32>
        %mul3A_1095 = vector.broadcast %squeeze3A_1064 : f32 to vector<16xf32>
        %mul3A_1096 = arith.mulf %get3A_1094, %mul3A_1095 : vector<16xf32>
        %swap3A_1097 = arith.index_cast %add3A_1068 : i32 to index
        %swap3A_1098 = arith.constant 32 : index
        %swap3A_1099 = tpu.vector_load %arg11[%swap3A_1097, %swap3A_1098] {strides = array<i32>} : memref<128x128xf32, #tpu.memory_space<vmem>>, vector<1x16xf32>,
        %swap3A_1100 = vector.shape_cast %swap3A_1099 : vector<1x16xf32> to vector<16xf32>
        %swap3A_1101 = vector.shape_cast %mul3A_1096 : vector<16xf32> to vector<1x16xf32>
        tpu.vector_store %arg11[%swap3A_1097, %swap3A_1098], %swap3A_1101 {strides = array<i32>} : memref<128x128xf32, #tpu.memory_space<vmem>>, vector<1x16xf32>,
        %get3A_1102 = arith.index_cast %add3A_1068 : i32 to index
        %get3A_1103 = arith.constant 48 : index
        %get3A_1104 = tpu.vector_load %arg11[%get3A_1102, %get3A_1103] {strides = array<i32>} : memref<128x128xf32, #tpu.memory_space<vmem>>, vector<1x16xf32>,
        %get3A_1105 = vector.shape_cast %get3A_1104 : vector<1x16xf32> to vector<16xf32>
        %mul3A_1106 = vector.broadcast %squeeze3A_1064 : f32 to vector<16xf32>
        %mul3A_1107 = arith.mulf %get3A_1105, %mul3A_1106 : vector<16xf32>
        %swap3A_1108 = arith.index_cast %add3A_1068 : i32 to index
        %swap3A_1109 = arith.constant 48 : index
        %swap3A_1110 = tpu.vector_load %arg11[%swap3A_1108, %swap3A_1109] {strides = array<i32>} : memref<128x128xf32, #tpu.memory_space<vmem>>, vector<1x16xf32>,
        %swap3A_1111 = vector.shape_cast %swap3A_1110 : vector<1x16xf32> to vector<16xf32>
        %swap3A_1112 = vector.shape_cast %mul3A_1107 : vector<16xf32> to vector<1x16xf32>
        tpu.vector_store %arg11[%swap3A_1108, %swap3A_1109], %swap3A_1112 {strides = array<i32>} : memref<128x128xf32, #tpu.memory_space<vmem>>, vector<1x16xf32>,
        %get3A_1113 = arith.index_cast %add3A_1068 : i32 to index
        %get3A_1114 = arith.constant 64 : index
        %get3A_1115 = tpu.vector_load %arg11[%get3A_1113, %get3A_1114] {strides = array<i32>} : memref<128x128xf32, #tpu.memory_space<vmem>>, vector<1x16xf32>,
        %get3A_1116 = vector.shape_cast %get3A_1115 : vector<1x16xf32> to vector<16xf32>
        %mul3A_1117 = vector.broadcast %squeeze3A_1064 : f32 to vector<16xf32>
        %mul3A_1118 = arith.mulf %get3A_1116, %mul3A_1117 : vector<16xf32>
        %swap3A_1119 = arith.index_cast %add3A_1068 : i32 to index
        %swap3A_1120 = arith.constant 64 : index
        %swap3A_1121 = tpu.vector_load %arg11[%swap3A_1119, %swap3A_1120] {strides = array<i32>} : memref<128x128xf32, #tpu.memory_space<vmem>>, vector<1x16xf32>,
        %swap3A_1122 = vector.shape_cast %swap3A_1121 : vector<1x16xf32> to vector<16xf32>
        %swap3A_1123 = vector.shape_cast %mul3A_1118 : vector<16xf32> to vector<1x16xf32>
        tpu.vector_store %arg11[%swap3A_1119, %swap3A_1120], %swap3A_1123 {strides = array<i32>} : memref<128x128xf32, #tpu.memory_space<vmem>>, vector<1x16xf32>,
        %get3A_1124 = arith.index_cast %add3A_1068 : i32 to index
        %get3A_1125 = arith.constant 80 : index
        %get3A_1126 = tpu.vector_load %arg11[%get3A_1124, %get3A_1125] {strides = array<i32>} : memref<128x128xf32, #tpu.memory_space<vmem>>, vector<1x16xf32>,
        %get3A_1127 = vector.shape_cast %get3A_1126 : vector<1x16xf32> to vector<16xf32>
        %mul3A_1128 = vector.broadcast %squeeze3A_1064 : f32 to vector<16xf32>
        %mul3A_1129 = arith.mulf %get3A_1127, %mul3A_1128 : vector<16xf32>
        %swap3A_1130 = arith.index_cast %add3A_1068 : i32 to index
        %swap3A_1131 = arith.constant 80 : index
        %swap3A_1132 = tpu.vector_load %arg11[%swap3A_1130, %swap3A_1131] {strides = array<i32>} : memref<128x128xf32, #tpu.memory_space<vmem>>, vector<1x16xf32>,
        %swap3A_1133 = vector.shape_cast %swap3A_1132 : vector<1x16xf32> to vector<16xf32>
        %swap3A_1134 = vector.shape_cast %mul3A_1129 : vector<16xf32> to vector<1x16xf32>
        tpu.vector_store %arg11[%swap3A_1130, %swap3A_1131], %swap3A_1134 {strides = array<i32>} : memref<128x128xf32, #tpu.memory_space<vmem>>, vector<1x16xf32>,
        %get3A_1135 = arith.index_cast %add3A_1068 : i32 to index
        %get3A_1136 = arith.constant 96 : index
        %get3A_1137 = tpu.vector_load %arg11[%get3A_1135, %get3A_1136] {strides = array<i32>} : memref<128x128xf32, #tpu.memory_space<vmem>>, vector<1x16xf32>,
        %get3A_1138 = vector.shape_cast %get3A_1137 : vector<1x16xf32> to vector<16xf32>
        %mul3A_1139 = vector.broadcast %squeeze3A_1064 : f32 to vector<16xf32>
        %mul3A_1140 = arith.mulf %get3A_1138, %mul3A_1139 : vector<16xf32>
        %swap3A_1141 = arith.index_cast %add3A_1068 : i32 to index
        %swap3A_1142 = arith.constant 96 : index
        %swap3A_1143 = tpu.vector_load %arg11[%swap3A_1141, %swap3A_1142] {strides = array<i32>} : memref<128x128xf32, #tpu.memory_space<vmem>>, vector<1x16xf32>,
        %swap3A_1144 = vector.shape_cast %swap3A_1143 : vector<1x16xf32> to vector<16xf32>
        %swap3A_1145 = vector.shape_cast %mul3A_1140 : vector<16xf32> to vector<1x16xf32>
        tpu.vector_store %arg11[%swap3A_1141, %swap3A_1142], %swap3A_1145 {strides = array<i32>} : memref<128x128xf32, #tpu.memory_space<vmem>>, vector<1x16xf32>,
        %get3A_1146 = arith.index_cast %add3A_1068 : i32 to index
        %get3A_1147 = arith.constant 112 : index
        %get3A_1148 = tpu.vector_load %arg11[%get3A_1146, %get3A_1147] {strides = array<i32>} : memref<128x128xf32, #tpu.memory_space<vmem>>, vector<1x16xf32>,
        %get3A_1149 = vector.shape_cast %get3A_1148 : vector<1x16xf32> to vector<16xf32>
        %mul3A_1150 = vector.broadcast %squeeze3A_1064 : f32 to vector<16xf32>
        %mul3A_1151 = arith.mulf %get3A_1149, %mul3A_1150 : vector<16xf32>
        %swap3A_1152 = arith.index_cast %add3A_1068 : i32 to index
        %swap3A_1153 = arith.constant 112 : index
        %swap3A_1154 = tpu.vector_load %arg11[%swap3A_1152, %swap3A_1153] {strides = array<i32>} : memref<128x128xf32, #tpu.memory_space<vmem>>, vector<1x16xf32>,
        %swap3A_1155 = vector.shape_cast %swap3A_1154 : vector<1x16xf32> to vector<16xf32>
        %swap3A_1156 = vector.shape_cast %mul3A_1151 : vector<16xf32> to vector<1x16xf32>
        tpu.vector_store %arg11[%swap3A_1152, %swap3A_1153], %swap3A_1156 {strides = array<i32>} : memref<128x128xf32, #tpu.memory_space<vmem>>, vector<1x16xf32>,
        %slice3A_1157 = vector.extract_strided_slice %get3A_125 {offsets = [11], sizes = [1], strides = [1]} : vector<16xf32> to vector<1xf32>
        %squeeze3A_1158 = vector.extract %slice3A_1157[0] : f32 from vector<1xf32>
        %mul3A_1159 = arith.constant 16 : i32
        %mul3A_1160 = arith.muli %scan3A_120, %mul3A_1159 : i32
        %add3A_1161 = arith.constant 11 : i32
        %add3A_1162 = arith.addi %mul3A_1160, %add3A_1161 : i32
        %get3A_1163 = arith.index_cast %add3A_1162 : i32 to index
        %get3A_1164 = arith.constant 0 : index
        %get3A_1165 = tpu.vector_load %arg11[%get3A_1163, %get3A_1164] {strides = array<i32>} : memref<128x128xf32, #tpu.memory_space<vmem>>, vector<1x16xf32>,
        %get3A_1166 = vector.shape_cast %get3A_1165 : vector<1x16xf32> to vector<16xf32>
        %mul3A_1167 = vector.broadcast %squeeze3A_1158 : f32 to vector<16xf32>
        %mul3A_1168 = arith.mulf %get3A_1166, %mul3A_1167 : vector<16xf32>
        %swap3A_1169 = arith.index_cast %add3A_1162 : i32 to index
        %swap3A_1170 = arith.constant 0 : index
        %swap3A_1171 = tpu.vector_load %arg11[%swap3A_1169, %swap3A_1170] {strides = array<i32>} : memref<128x128xf32, #tpu.memory_space<vmem>>, vector<1x16xf32>,
        %swap3A_1172 = vector.shape_cast %swap3A_1171 : vector<1x16xf32> to vector<16xf32>
        %swap3A_1173 = vector.shape_cast %mul3A_1168 : vector<16xf32> to vector<1x16xf32>
        tpu.vector_store %arg11[%swap3A_1169, %swap3A_1170], %swap3A_1173 {strides = array<i32>} : memref<128x128xf32, #tpu.memory_space<vmem>>, vector<1x16xf32>,
        %get3A_1174 = arith.index_cast %add3A_1162 : i32 to index
        %get3A_1175 = arith.constant 16 : index
        %get3A_1176 = tpu.vector_load %arg11[%get3A_1174, %get3A_1175] {strides = array<i32>} : memref<128x128xf32, #tpu.memory_space<vmem>>, vector<1x16xf32>,
        %get3A_1177 = vector.shape_cast %get3A_1176 : vector<1x16xf32> to vector<16xf32>
        %mul3A_1178 = vector.broadcast %squeeze3A_1158 : f32 to vector<16xf32>
        %mul3A_1179 = arith.mulf %get3A_1177, %mul3A_1178 : vector<16xf32>
        %swap3A_1180 = arith.index_cast %add3A_1162 : i32 to index
        %swap3A_1181 = arith.constant 16 : index
        %swap3A_1182 = tpu.vector_load %arg11[%swap3A_1180, %swap3A_1181] {strides = array<i32>} : memref<128x128xf32, #tpu.memory_space<vmem>>, vector<1x16xf32>,
        %swap3A_1183 = vector.shape_cast %swap3A_1182 : vector<1x16xf32> to vector<16xf32>
        %swap3A_1184 = vector.shape_cast %mul3A_1179 : vector<16xf32> to vector<1x16xf32>
        tpu.vector_store %arg11[%swap3A_1180, %swap3A_1181], %swap3A_1184 {strides = array<i32>} : memref<128x128xf32, #tpu.memory_space<vmem>>, vector<1x16xf32>,
        %get3A_1185 = arith.index_cast %add3A_1162 : i32 to index
        %get3A_1186 = arith.constant 32 : index
        %get3A_1187 = tpu.vector_load %arg11[%get3A_1185, %get3A_1186] {strides = array<i32>} : memref<128x128xf32, #tpu.memory_space<vmem>>, vector<1x16xf32>,
        %get3A_1188 = vector.shape_cast %get3A_1187 : vector<1x16xf32> to vector<16xf32>
        %mul3A_1189 = vector.broadcast %squeeze3A_1158 : f32 to vector<16xf32>
        %mul3A_1190 = arith.mulf %get3A_1188, %mul3A_1189 : vector<16xf32>
        %swap3A_1191 = arith.index_cast %add3A_1162 : i32 to index
        %swap3A_1192 = arith.constant 32 : index
        %swap3A_1193 = tpu.vector_load %arg11[%swap3A_1191, %swap3A_1192] {strides = array<i32>} : memref<128x128xf32, #tpu.memory_space<vmem>>, vector<1x16xf32>,
        %swap3A_1194 = vector.shape_cast %swap3A_1193 : vector<1x16xf32> to vector<16xf32>
        %swap3A_1195 = vector.shape_cast %mul3A_1190 : vector<16xf32> to vector<1x16xf32>
        tpu.vector_store %arg11[%swap3A_1191, %swap3A_1192], %swap3A_1195 {strides = array<i32>} : memref<128x128xf32, #tpu.memory_space<vmem>>, vector<1x16xf32>,
        %get3A_1196 = arith.index_cast %add3A_1162 : i32 to index
        %get3A_1197 = arith.constant 48 : index
        %get3A_1198 = tpu.vector_load %arg11[%get3A_1196, %get3A_1197] {strides = array<i32>} : memref<128x128xf32, #tpu.memory_space<vmem>>, vector<1x16xf32>,
        %get3A_1199 = vector.shape_cast %get3A_1198 : vector<1x16xf32> to vector<16xf32>
        %mul3A_1200 = vector.broadcast %squeeze3A_1158 : f32 to vector<16xf32>
        %mul3A_1201 = arith.mulf %get3A_1199, %mul3A_1200 : vector<16xf32>
        %swap3A_1202 = arith.index_cast %add3A_1162 : i32 to index
        %swap3A_1203 = arith.constant 48 : index
        %swap3A_1204 = tpu.vector_load %arg11[%swap3A_1202, %swap3A_1203] {strides = array<i32>} : memref<128x128xf32, #tpu.memory_space<vmem>>, vector<1x16xf32>,
        %swap3A_1205 = vector.shape_cast %swap3A_1204 : vector<1x16xf32> to vector<16xf32>
        %swap3A_1206 = vector.shape_cast %mul3A_1201 : vector<16xf32> to vector<1x16xf32>
        tpu.vector_store %arg11[%swap3A_1202, %swap3A_1203], %swap3A_1206 {strides = array<i32>} : memref<128x128xf32, #tpu.memory_space<vmem>>, vector<1x16xf32>,
        %get3A_1207 = arith.index_cast %add3A_1162 : i32 to index
        %get3A_1208 = arith.constant 64 : index
        %get3A_1209 = tpu.vector_load %arg11[%get3A_1207, %get3A_1208] {strides = array<i32>} : memref<128x128xf32, #tpu.memory_space<vmem>>, vector<1x16xf32>,
        %get3A_1210 = vector.shape_cast %get3A_1209 : vector<1x16xf32> to vector<16xf32>
        %mul3A_1211 = vector.broadcast %squeeze3A_1158 : f32 to vector<16xf32>
        %mul3A_1212 = arith.mulf %get3A_1210, %mul3A_1211 : vector<16xf32>
        %swap3A_1213 = arith.index_cast %add3A_1162 : i32 to index
        %swap3A_1214 = arith.constant 64 : index
        %swap3A_1215 = tpu.vector_load %arg11[%swap3A_1213, %swap3A_1214] {strides = array<i32>} : memref<128x128xf32, #tpu.memory_space<vmem>>, vector<1x16xf32>,
        %swap3A_1216 = vector.shape_cast %swap3A_1215 : vector<1x16xf32> to vector<16xf32>
        %swap3A_1217 = vector.shape_cast %mul3A_1212 : vector<16xf32> to vector<1x16xf32>
        tpu.vector_store %arg11[%swap3A_1213, %swap3A_1214], %swap3A_1217 {strides = array<i32>} : memref<128x128xf32, #tpu.memory_space<vmem>>, vector<1x16xf32>,
        %get3A_1218 = arith.index_cast %add3A_1162 : i32 to index
        %get3A_1219 = arith.constant 80 : index
        %get3A_1220 = tpu.vector_load %arg11[%get3A_1218, %get3A_1219] {strides = array<i32>} : memref<128x128xf32, #tpu.memory_space<vmem>>, vector<1x16xf32>,
        %get3A_1221 = vector.shape_cast %get3A_1220 : vector<1x16xf32> to vector<16xf32>
        %mul3A_1222 = vector.broadcast %squeeze3A_1158 : f32 to vector<16xf32>
        %mul3A_1223 = arith.mulf %get3A_1221, %mul3A_1222 : vector<16xf32>
        %swap3A_1224 = arith.index_cast %add3A_1162 : i32 to index
        %swap3A_1225 = arith.constant 80 : index
        %swap3A_1226 = tpu.vector_load %arg11[%swap3A_1224, %swap3A_1225] {strides = array<i32>} : memref<128x128xf32, #tpu.memory_space<vmem>>, vector<1x16xf32>,
        %swap3A_1227 = vector.shape_cast %swap3A_1226 : vector<1x16xf32> to vector<16xf32>
        %swap3A_1228 = vector.shape_cast %mul3A_1223 : vector<16xf32> to vector<1x16xf32>
        tpu.vector_store %arg11[%swap3A_1224, %swap3A_1225], %swap3A_1228 {strides = array<i32>} : memref<128x128xf32, #tpu.memory_space<vmem>>, vector<1x16xf32>,
        %get3A_1229 = arith.index_cast %add3A_1162 : i32 to index
        %get3A_1230 = arith.constant 96 : index
        %get3A_1231 = tpu.vector_load %arg11[%get3A_1229, %get3A_1230] {strides = array<i32>} : memref<128x128xf32, #tpu.memory_space<vmem>>, vector<1x16xf32>,
        %get3A_1232 = vector.shape_cast %get3A_1231 : vector<1x16xf32> to vector<16xf32>
        %mul3A_1233 = vector.broadcast %squeeze3A_1158 : f32 to vector<16xf32>
        %mul3A_1234 = arith.mulf %get3A_1232, %mul3A_1233 : vector<16xf32>
        %swap3A_1235 = arith.index_cast %add3A_1162 : i32 to index
        %swap3A_1236 = arith.constant 96 : index
        %swap3A_1237 = tpu.vector_load %arg11[%swap3A_1235, %swap3A_1236] {strides = array<i32>} : memref<128x128xf32, #tpu.memory_space<vmem>>, vector<1x16xf32>,
        %swap3A_1238 = vector.shape_cast %swap3A_1237 : vector<1x16xf32> to vector<16xf32>
        %swap3A_1239 = vector.shape_cast %mul3A_1234 : vector<16xf32> to vector<1x16xf32>
        tpu.vector_store %arg11[%swap3A_1235, %swap3A_1236], %swap3A_1239 {strides = array<i32>} : memref<128x128xf32, #tpu.memory_space<vmem>>, vector<1x16xf32>,
        %get3A_1240 = arith.index_cast %add3A_1162 : i32 to index
        %get3A_1241 = arith.constant 112 : index
        %get3A_1242 = tpu.vector_load %arg11[%get3A_1240, %get3A_1241] {strides = array<i32>} : memref<128x128xf32, #tpu.memory_space<vmem>>, vector<1x16xf32>,
        %get3A_1243 = vector.shape_cast %get3A_1242 : vector<1x16xf32> to vector<16xf32>
        %mul3A_1244 = vector.broadcast %squeeze3A_1158 : f32 to vector<16xf32>
        %mul3A_1245 = arith.mulf %get3A_1243, %mul3A_1244 : vector<16xf32>
        %swap3A_1246 = arith.index_cast %add3A_1162 : i32 to index
        %swap3A_1247 = arith.constant 112 : index
        %swap3A_1248 = tpu.vector_load %arg11[%swap3A_1246, %swap3A_1247] {strides = array<i32>} : memref<128x128xf32, #tpu.memory_space<vmem>>, vector<1x16xf32>,
        %swap3A_1249 = vector.shape_cast %swap3A_1248 : vector<1x16xf32> to vector<16xf32>
        %swap3A_1250 = vector.shape_cast %mul3A_1245 : vector<16xf32> to vector<1x16xf32>
        tpu.vector_store %arg11[%swap3A_1246, %swap3A_1247], %swap3A_1250 {strides = array<i32>} : memref<128x128xf32, #tpu.memory_space<vmem>>, vector<1x16xf32>,
        %slice3A_1251 = vector.extract_strided_slice %get3A_125 {offsets = [12], sizes = [1], strides = [1]} : vector<16xf32> to vector<1xf32>
        %squeeze3A_1252 = vector.extract %slice3A_1251[0] : f32 from vector<1xf32>
        %mul3A_1253 = arith.constant 16 : i32
        %mul3A_1254 = arith.muli %scan3A_120, %mul3A_1253 : i32
        %add3A_1255 = arith.constant 12 : i32
        %add3A_1256 = arith.addi %mul3A_1254, %add3A_1255 : i32
        %get3A_1257 = arith.index_cast %add3A_1256 : i32 to index
        %get3A_1258 = arith.constant 0 : index
        %get3A_1259 = tpu.vector_load %arg11[%get3A_1257, %get3A_1258] {strides = array<i32>} : memref<128x128xf32, #tpu.memory_space<vmem>>, vector<1x16xf32>,
        %get3A_1260 = vector.shape_cast %get3A_1259 : vector<1x16xf32> to vector<16xf32>
        %mul3A_1261 = vector.broadcast %squeeze3A_1252 : f32 to vector<16xf32>
        %mul3A_1262 = arith.mulf %get3A_1260, %mul3A_1261 : vector<16xf32>
        %swap3A_1263 = arith.index_cast %add3A_1256 : i32 to index
        %swap3A_1264 = arith.constant 0 : index
        %swap3A_1265 = tpu.vector_load %arg11[%swap3A_1263, %swap3A_1264] {strides = array<i32>} : memref<128x128xf32, #tpu.memory_space<vmem>>, vector<1x16xf32>,
        %swap3A_1266 = vector.shape_cast %swap3A_1265 : vector<1x16xf32> to vector<16xf32>
        %swap3A_1267 = vector.shape_cast %mul3A_1262 : vector<16xf32> to vector<1x16xf32>
        tpu.vector_store %arg11[%swap3A_1263, %swap3A_1264], %swap3A_1267 {strides = array<i32>} : memref<128x128xf32, #tpu.memory_space<vmem>>, vector<1x16xf32>,
        %get3A_1268 = arith.index_cast %add3A_1256 : i32 to index
        %get3A_1269 = arith.constant 16 : index
        %get3A_1270 = tpu.vector_load %arg11[%get3A_1268, %get3A_1269] {strides = array<i32>} : memref<128x128xf32, #tpu.memory_space<vmem>>, vector<1x16xf32>,
        %get3A_1271 = vector.shape_cast %get3A_1270 : vector<1x16xf32> to vector<16xf32>
        %mul3A_1272 = vector.broadcast %squeeze3A_1252 : f32 to vector<16xf32>
        %mul3A_1273 = arith.mulf %get3A_1271, %mul3A_1272 : vector<16xf32>
        %swap3A_1274 = arith.index_cast %add3A_1256 : i32 to index
        %swap3A_1275 = arith.constant 16 : index
        %swap3A_1276 = tpu.vector_load %arg11[%swap3A_1274, %swap3A_1275] {strides = array<i32>} : memref<128x128xf32, #tpu.memory_space<vmem>>, vector<1x16xf32>,
        %swap3A_1277 = vector.shape_cast %swap3A_1276 : vector<1x16xf32> to vector<16xf32>
        %swap3A_1278 = vector.shape_cast %mul3A_1273 : vector<16xf32> to vector<1x16xf32>
        tpu.vector_store %arg11[%swap3A_1274, %swap3A_1275], %swap3A_1278 {strides = array<i32>} : memref<128x128xf32, #tpu.memory_space<vmem>>, vector<1x16xf32>,
        %get3A_1279 = arith.index_cast %add3A_1256 : i32 to index
        %get3A_1280 = arith.constant 32 : index
        %get3A_1281 = tpu.vector_load %arg11[%get3A_1279, %get3A_1280] {strides = array<i32>} : memref<128x128xf32, #tpu.memory_space<vmem>>, vector<1x16xf32>,
        %get3A_1282 = vector.shape_cast %get3A_1281 : vector<1x16xf32> to vector<16xf32>
        %mul3A_1283 = vector.broadcast %squeeze3A_1252 : f32 to vector<16xf32>
        %mul3A_1284 = arith.mulf %get3A_1282, %mul3A_1283 : vector<16xf32>
        %swap3A_1285 = arith.index_cast %add3A_1256 : i32 to index
        %swap3A_1286 = arith.constant 32 : index
        %swap3A_1287 = tpu.vector_load %arg11[%swap3A_1285, %swap3A_1286] {strides = array<i32>} : memref<128x128xf32, #tpu.memory_space<vmem>>, vector<1x16xf32>,
        %swap3A_1288 = vector.shape_cast %swap3A_1287 : vector<1x16xf32> to vector<16xf32>
        %swap3A_1289 = vector.shape_cast %mul3A_1284 : vector<16xf32> to vector<1x16xf32>
        tpu.vector_store %arg11[%swap3A_1285, %swap3A_1286], %swap3A_1289 {strides = array<i32>} : memref<128x128xf32, #tpu.memory_space<vmem>>, vector<1x16xf32>,
        %get3A_1290 = arith.index_cast %add3A_1256 : i32 to index
        %get3A_1291 = arith.constant 48 : index
        %get3A_1292 = tpu.vector_load %arg11[%get3A_1290, %get3A_1291] {strides = array<i32>} : memref<128x128xf32, #tpu.memory_space<vmem>>, vector<1x16xf32>,
        %get3A_1293 = vector.shape_cast %get3A_1292 : vector<1x16xf32> to vector<16xf32>
        %mul3A_1294 = vector.broadcast %squeeze3A_1252 : f32 to vector<16xf32>
        %mul3A_1295 = arith.mulf %get3A_1293, %mul3A_1294 : vector<16xf32>
        %swap3A_1296 = arith.index_cast %add3A_1256 : i32 to index
        %swap3A_1297 = arith.constant 48 : index
        %swap3A_1298 = tpu.vector_load %arg11[%swap3A_1296, %swap3A_1297] {strides = array<i32>} : memref<128x128xf32, #tpu.memory_space<vmem>>, vector<1x16xf32>,
        %swap3A_1299 = vector.shape_cast %swap3A_1298 : vector<1x16xf32> to vector<16xf32>
        %swap3A_1300 = vector.shape_cast %mul3A_1295 : vector<16xf32> to vector<1x16xf32>
        tpu.vector_store %arg11[%swap3A_1296, %swap3A_1297], %swap3A_1300 {strides = array<i32>} : memref<128x128xf32, #tpu.memory_space<vmem>>, vector<1x16xf32>,
        %get3A_1301 = arith.index_cast %add3A_1256 : i32 to index
        %get3A_1302 = arith.constant 64 : index
        %get3A_1303 = tpu.vector_load %arg11[%get3A_1301, %get3A_1302] {strides = array<i32>} : memref<128x128xf32, #tpu.memory_space<vmem>>, vector<1x16xf32>,
        %get3A_1304 = vector.shape_cast %get3A_1303 : vector<1x16xf32> to vector<16xf32>
        %mul3A_1305 = vector.broadcast %squeeze3A_1252 : f32 to vector<16xf32>
        %mul3A_1306 = arith.mulf %get3A_1304, %mul3A_1305 : vector<16xf32>
        %swap3A_1307 = arith.index_cast %add3A_1256 : i32 to index
        %swap3A_1308 = arith.constant 64 : index
        %swap3A_1309 = tpu.vector_load %arg11[%swap3A_1307, %swap3A_1308] {strides = array<i32>} : memref<128x128xf32, #tpu.memory_space<vmem>>, vector<1x16xf32>,
        %swap3A_1310 = vector.shape_cast %swap3A_1309 : vector<1x16xf32> to vector<16xf32>
        %swap3A_1311 = vector.shape_cast %mul3A_1306 : vector<16xf32> to vector<1x16xf32>
        tpu.vector_store %arg11[%swap3A_1307, %swap3A_1308], %swap3A_1311 {strides = array<i32>} : memref<128x128xf32, #tpu.memory_space<vmem>>, vector<1x16xf32>,
        %get3A_1312 = arith.index_cast %add3A_1256 : i32 to index
        %get3A_1313 = arith.constant 80 : index
        %get3A_1314 = tpu.vector_load %arg11[%get3A_1312, %get3A_1313] {strides = array<i32>} : memref<128x128xf32, #tpu.memory_space<vmem>>, vector<1x16xf32>,
        %get3A_1315 = vector.shape_cast %get3A_1314 : vector<1x16xf32> to vector<16xf32>
        %mul3A_1316 = vector.broadcast %squeeze3A_1252 : f32 to vector<16xf32>
        %mul3A_1317 = arith.mulf %get3A_1315, %mul3A_1316 : vector<16xf32>
        %swap3A_1318 = arith.index_cast %add3A_1256 : i32 to index
        %swap3A_1319 = arith.constant 80 : index
        %swap3A_1320 = tpu.vector_load %arg11[%swap3A_1318, %swap3A_1319] {strides = array<i32>} : memref<128x128xf32, #tpu.memory_space<vmem>>, vector<1x16xf32>,
        %swap3A_1321 = vector.shape_cast %swap3A_1320 : vector<1x16xf32> to vector<16xf32>
        %swap3A_1322 = vector.shape_cast %mul3A_1317 : vector<16xf32> to vector<1x16xf32>
        tpu.vector_store %arg11[%swap3A_1318, %swap3A_1319], %swap3A_1322 {strides = array<i32>} : memref<128x128xf32, #tpu.memory_space<vmem>>, vector<1x16xf32>,
        %get3A_1323 = arith.index_cast %add3A_1256 : i32 to index
        %get3A_1324 = arith.constant 96 : index
        %get3A_1325 = tpu.vector_load %arg11[%get3A_1323, %get3A_1324] {strides = array<i32>} : memref<128x128xf32, #tpu.memory_space<vmem>>, vector<1x16xf32>,
        %get3A_1326 = vector.shape_cast %get3A_1325 : vector<1x16xf32> to vector<16xf32>
        %mul3A_1327 = vector.broadcast %squeeze3A_1252 : f32 to vector<16xf32>
        %mul3A_1328 = arith.mulf %get3A_1326, %mul3A_1327 : vector<16xf32>
        %swap3A_1329 = arith.index_cast %add3A_1256 : i32 to index
        %swap3A_1330 = arith.constant 96 : index
        %swap3A_1331 = tpu.vector_load %arg11[%swap3A_1329, %swap3A_1330] {strides = array<i32>} : memref<128x128xf32, #tpu.memory_space<vmem>>, vector<1x16xf32>,
        %swap3A_1332 = vector.shape_cast %swap3A_1331 : vector<1x16xf32> to vector<16xf32>
        %swap3A_1333 = vector.shape_cast %mul3A_1328 : vector<16xf32> to vector<1x16xf32>
        tpu.vector_store %arg11[%swap3A_1329, %swap3A_1330], %swap3A_1333 {strides = array<i32>} : memref<128x128xf32, #tpu.memory_space<vmem>>, vector<1x16xf32>,
        %get3A_1334 = arith.index_cast %add3A_1256 : i32 to index
        %get3A_1335 = arith.constant 112 : index
        %get3A_1336 = tpu.vector_load %arg11[%get3A_1334, %get3A_1335] {strides = array<i32>} : memref<128x128xf32, #tpu.memory_space<vmem>>, vector<1x16xf32>,
        %get3A_1337 = vector.shape_cast %get3A_1336 : vector<1x16xf32> to vector<16xf32>
        %mul3A_1338 = vector.broadcast %squeeze3A_1252 : f32 to vector<16xf32>
        %mul3A_1339 = arith.mulf %get3A_1337, %mul3A_1338 : vector<16xf32>
        %swap3A_1340 = arith.index_cast %add3A_1256 : i32 to index
        %swap3A_1341 = arith.constant 112 : index
        %swap3A_1342 = tpu.vector_load %arg11[%swap3A_1340, %swap3A_1341] {strides = array<i32>} : memref<128x128xf32, #tpu.memory_space<vmem>>, vector<1x16xf32>,
        %swap3A_1343 = vector.shape_cast %swap3A_1342 : vector<1x16xf32> to vector<16xf32>
        %swap3A_1344 = vector.shape_cast %mul3A_1339 : vector<16xf32> to vector<1x16xf32>
        tpu.vector_store %arg11[%swap3A_1340, %swap3A_1341], %swap3A_1344 {strides = array<i32>} : memref<128x128xf32, #tpu.memory_space<vmem>>, vector<1x16xf32>,
        %slice3A_1345 = vector.extract_strided_slice %get3A_125 {offsets = [13], sizes = [1], strides = [1]} : vector<16xf32> to vector<1xf32>
        %squeeze3A_1346 = vector.extract %slice3A_1345[0] : f32 from vector<1xf32>
        %mul3A_1347 = arith.constant 16 : i32
        %mul3A_1348 = arith.muli %scan3A_120, %mul3A_1347 : i32
        %add3A_1349 = arith.constant 13 : i32
        %add3A_1350 = arith.addi %mul3A_1348, %add3A_1349 : i32
        %get3A_1351 = arith.index_cast %add3A_1350 : i32 to index
        %get3A_1352 = arith.constant 0 : index
        %get3A_1353 = tpu.vector_load %arg11[%get3A_1351, %get3A_1352] {strides = array<i32>} : memref<128x128xf32, #tpu.memory_space<vmem>>, vector<1x16xf32>,
        %get3A_1354 = vector.shape_cast %get3A_1353 : vector<1x16xf32> to vector<16xf32>
        %mul3A_1355 = vector.broadcast %squeeze3A_1346 : f32 to vector<16xf32>
        %mul3A_1356 = arith.mulf %get3A_1354, %mul3A_1355 : vector<16xf32>
        %swap3A_1357 = arith.index_cast %add3A_1350 : i32 to index
        %swap3A_1358 = arith.constant 0 : index
        %swap3A_1359 = tpu.vector_load %arg11[%swap3A_1357, %swap3A_1358] {strides = array<i32>} : memref<128x128xf32, #tpu.memory_space<vmem>>, vector<1x16xf32>,
        %swap3A_1360 = vector.shape_cast %swap3A_1359 : vector<1x16xf32> to vector<16xf32>
        %swap3A_1361 = vector.shape_cast %mul3A_1356 : vector<16xf32> to vector<1x16xf32>
        tpu.vector_store %arg11[%swap3A_1357, %swap3A_1358], %swap3A_1361 {strides = array<i32>} : memref<128x128xf32, #tpu.memory_space<vmem>>, vector<1x16xf32>,
        %get3A_1362 = arith.index_cast %add3A_1350 : i32 to index
        %get3A_1363 = arith.constant 16 : index
        %get3A_1364 = tpu.vector_load %arg11[%get3A_1362, %get3A_1363] {strides = array<i32>} : memref<128x128xf32, #tpu.memory_space<vmem>>, vector<1x16xf32>,
        %get3A_1365 = vector.shape_cast %get3A_1364 : vector<1x16xf32> to vector<16xf32>
        %mul3A_1366 = vector.broadcast %squeeze3A_1346 : f32 to vector<16xf32>
        %mul3A_1367 = arith.mulf %get3A_1365, %mul3A_1366 : vector<16xf32>
        %swap3A_1368 = arith.index_cast %add3A_1350 : i32 to index
        %swap3A_1369 = arith.constant 16 : index
        %swap3A_1370 = tpu.vector_load %arg11[%swap3A_1368, %swap3A_1369] {strides = array<i32>} : memref<128x128xf32, #tpu.memory_space<vmem>>, vector<1x16xf32>,
        %swap3A_1371 = vector.shape_cast %swap3A_1370 : vector<1x16xf32> to vector<16xf32>
        %swap3A_1372 = vector.shape_cast %mul3A_1367 : vector<16xf32> to vector<1x16xf32>
        tpu.vector_store %arg11[%swap3A_1368, %swap3A_1369], %swap3A_1372 {strides = array<i32>} : memref<128x128xf32, #tpu.memory_space<vmem>>, vector<1x16xf32>,
        %get3A_1373 = arith.index_cast %add3A_1350 : i32 to index
        %get3A_1374 = arith.constant 32 : index
        %get3A_1375 = tpu.vector_load %arg11[%get3A_1373, %get3A_1374] {strides = array<i32>} : memref<128x128xf32, #tpu.memory_space<vmem>>, vector<1x16xf32>,
        %get3A_1376 = vector.shape_cast %get3A_1375 : vector<1x16xf32> to vector<16xf32>
        %mul3A_1377 = vector.broadcast %squeeze3A_1346 : f32 to vector<16xf32>
        %mul3A_1378 = arith.mulf %get3A_1376, %mul3A_1377 : vector<16xf32>
        %swap3A_1379 = arith.index_cast %add3A_1350 : i32 to index
        %swap3A_1380 = arith.constant 32 : index
        %swap3A_1381 = tpu.vector_load %arg11[%swap3A_1379, %swap3A_1380] {strides = array<i32>} : memref<128x128xf32, #tpu.memory_space<vmem>>, vector<1x16xf32>,
        %swap3A_1382 = vector.shape_cast %swap3A_1381 : vector<1x16xf32> to vector<16xf32>
        %swap3A_1383 = vector.shape_cast %mul3A_1378 : vector<16xf32> to vector<1x16xf32>
        tpu.vector_store %arg11[%swap3A_1379, %swap3A_1380], %swap3A_1383 {strides = array<i32>} : memref<128x128xf32, #tpu.memory_space<vmem>>, vector<1x16xf32>,
        %get3A_1384 = arith.index_cast %add3A_1350 : i32 to index
        %get3A_1385 = arith.constant 48 : index
        %get3A_1386 = tpu.vector_load %arg11[%get3A_1384, %get3A_1385] {strides = array<i32>} : memref<128x128xf32, #tpu.memory_space<vmem>>, vector<1x16xf32>,
        %get3A_1387 = vector.shape_cast %get3A_1386 : vector<1x16xf32> to vector<16xf32>
        %mul3A_1388 = vector.broadcast %squeeze3A_1346 : f32 to vector<16xf32>
        %mul3A_1389 = arith.mulf %get3A_1387, %mul3A_1388 : vector<16xf32>
        %swap3A_1390 = arith.index_cast %add3A_1350 : i32 to index
        %swap3A_1391 = arith.constant 48 : index
        %swap3A_1392 = tpu.vector_load %arg11[%swap3A_1390, %swap3A_1391] {strides = array<i32>} : memref<128x128xf32, #tpu.memory_space<vmem>>, vector<1x16xf32>,
        %swap3A_1393 = vector.shape_cast %swap3A_1392 : vector<1x16xf32> to vector<16xf32>
        %swap3A_1394 = vector.shape_cast %mul3A_1389 : vector<16xf32> to vector<1x16xf32>
        tpu.vector_store %arg11[%swap3A_1390, %swap3A_1391], %swap3A_1394 {strides = array<i32>} : memref<128x128xf32, #tpu.memory_space<vmem>>, vector<1x16xf32>,
        %get3A_1395 = arith.index_cast %add3A_1350 : i32 to index
        %get3A_1396 = arith.constant 64 : index
        %get3A_1397 = tpu.vector_load %arg11[%get3A_1395, %get3A_1396] {strides = array<i32>} : memref<128x128xf32, #tpu.memory_space<vmem>>, vector<1x16xf32>,
        %get3A_1398 = vector.shape_cast %get3A_1397 : vector<1x16xf32> to vector<16xf32>
        %mul3A_1399 = vector.broadcast %squeeze3A_1346 : f32 to vector<16xf32>
        %mul3A_1400 = arith.mulf %get3A_1398, %mul3A_1399 : vector<16xf32>
        %swap3A_1401 = arith.index_cast %add3A_1350 : i32 to index
        %swap3A_1402 = arith.constant 64 : index
        %swap3A_1403 = tpu.vector_load %arg11[%swap3A_1401, %swap3A_1402] {strides = array<i32>} : memref<128x128xf32, #tpu.memory_space<vmem>>, vector<1x16xf32>,
        %swap3A_1404 = vector.shape_cast %swap3A_1403 : vector<1x16xf32> to vector<16xf32>
        %swap3A_1405 = vector.shape_cast %mul3A_1400 : vector<16xf32> to vector<1x16xf32>
        tpu.vector_store %arg11[%swap3A_1401, %swap3A_1402], %swap3A_1405 {strides = array<i32>} : memref<128x128xf32, #tpu.memory_space<vmem>>, vector<1x16xf32>,
        %get3A_1406 = arith.index_cast %add3A_1350 : i32 to index
        %get3A_1407 = arith.constant 80 : index
        %get3A_1408 = tpu.vector_load %arg11[%get3A_1406, %get3A_1407] {strides = array<i32>} : memref<128x128xf32, #tpu.memory_space<vmem>>, vector<1x16xf32>,
        %get3A_1409 = vector.shape_cast %get3A_1408 : vector<1x16xf32> to vector<16xf32>
        %mul3A_1410 = vector.broadcast %squeeze3A_1346 : f32 to vector<16xf32>
        %mul3A_1411 = arith.mulf %get3A_1409, %mul3A_1410 : vector<16xf32>
        %swap3A_1412 = arith.index_cast %add3A_1350 : i32 to index
        %swap3A_1413 = arith.constant 80 : index
        %swap3A_1414 = tpu.vector_load %arg11[%swap3A_1412, %swap3A_1413] {strides = array<i32>} : memref<128x128xf32, #tpu.memory_space<vmem>>, vector<1x16xf32>,
        %swap3A_1415 = vector.shape_cast %swap3A_1414 : vector<1x16xf32> to vector<16xf32>
        %swap3A_1416 = vector.shape_cast %mul3A_1411 : vector<16xf32> to vector<1x16xf32>
        tpu.vector_store %arg11[%swap3A_1412, %swap3A_1413], %swap3A_1416 {strides = array<i32>} : memref<128x128xf32, #tpu.memory_space<vmem>>, vector<1x16xf32>,
        %get3A_1417 = arith.index_cast %add3A_1350 : i32 to index
        %get3A_1418 = arith.constant 96 : index
        %get3A_1419 = tpu.vector_load %arg11[%get3A_1417, %get3A_1418] {strides = array<i32>} : memref<128x128xf32, #tpu.memory_space<vmem>>, vector<1x16xf32>,
        %get3A_1420 = vector.shape_cast %get3A_1419 : vector<1x16xf32> to vector<16xf32>
        %mul3A_1421 = vector.broadcast %squeeze3A_1346 : f32 to vector<16xf32>
        %mul3A_1422 = arith.mulf %get3A_1420, %mul3A_1421 : vector<16xf32>
        %swap3A_1423 = arith.index_cast %add3A_1350 : i32 to index
        %swap3A_1424 = arith.constant 96 : index
        %swap3A_1425 = tpu.vector_load %arg11[%swap3A_1423, %swap3A_1424] {strides = array<i32>} : memref<128x128xf32, #tpu.memory_space<vmem>>, vector<1x16xf32>,
        %swap3A_1426 = vector.shape_cast %swap3A_1425 : vector<1x16xf32> to vector<16xf32>
        %swap3A_1427 = vector.shape_cast %mul3A_1422 : vector<16xf32> to vector<1x16xf32>
        tpu.vector_store %arg11[%swap3A_1423, %swap3A_1424], %swap3A_1427 {strides = array<i32>} : memref<128x128xf32, #tpu.memory_space<vmem>>, vector<1x16xf32>,
        %get3A_1428 = arith.index_cast %add3A_1350 : i32 to index
        %get3A_1429 = arith.constant 112 : index
        %get3A_1430 = tpu.vector_load %arg11[%get3A_1428, %get3A_1429] {strides = array<i32>} : memref<128x128xf32, #tpu.memory_space<vmem>>, vector<1x16xf32>,
        %get3A_1431 = vector.shape_cast %get3A_1430 : vector<1x16xf32> to vector<16xf32>
        %mul3A_1432 = vector.broadcast %squeeze3A_1346 : f32 to vector<16xf32>
        %mul3A_1433 = arith.mulf %get3A_1431, %mul3A_1432 : vector<16xf32>
        %swap3A_1434 = arith.index_cast %add3A_1350 : i32 to index
        %swap3A_1435 = arith.constant 112 : index
        %swap3A_1436 = tpu.vector_load %arg11[%swap3A_1434, %swap3A_1435] {strides = array<i32>} : memref<128x128xf32, #tpu.memory_space<vmem>>, vector<1x16xf32>,
        %swap3A_1437 = vector.shape_cast %swap3A_1436 : vector<1x16xf32> to vector<16xf32>
        %swap3A_1438 = vector.shape_cast %mul3A_1433 : vector<16xf32> to vector<1x16xf32>
        tpu.vector_store %arg11[%swap3A_1434, %swap3A_1435], %swap3A_1438 {strides = array<i32>} : memref<128x128xf32, #tpu.memory_space<vmem>>, vector<1x16xf32>,
        %slice3A_1439 = vector.extract_strided_slice %get3A_125 {offsets = [14], sizes = [1], strides = [1]} : vector<16xf32> to vector<1xf32>
        %squeeze3A_1440 = vector.extract %slice3A_1439[0] : f32 from vector<1xf32>
        %mul3A_1441 = arith.constant 16 : i32
        %mul3A_1442 = arith.muli %scan3A_120, %mul3A_1441 : i32
        %add3A_1443 = arith.constant 14 : i32
        %add3A_1444 = arith.addi %mul3A_1442, %add3A_1443 : i32
        %get3A_1445 = arith.index_cast %add3A_1444 : i32 to index
        %get3A_1446 = arith.constant 0 : index
        %get3A_1447 = tpu.vector_load %arg11[%get3A_1445, %get3A_1446] {strides = array<i32>} : memref<128x128xf32, #tpu.memory_space<vmem>>, vector<1x16xf32>,
        %get3A_1448 = vector.shape_cast %get3A_1447 : vector<1x16xf32> to vector<16xf32>
        %mul3A_1449 = vector.broadcast %squeeze3A_1440 : f32 to vector<16xf32>
        %mul3A_1450 = arith.mulf %get3A_1448, %mul3A_1449 : vector<16xf32>
        %swap3A_1451 = arith.index_cast %add3A_1444 : i32 to index
        %swap3A_1452 = arith.constant 0 : index
        %swap3A_1453 = tpu.vector_load %arg11[%swap3A_1451, %swap3A_1452] {strides = array<i32>} : memref<128x128xf32, #tpu.memory_space<vmem>>, vector<1x16xf32>,
        %swap3A_1454 = vector.shape_cast %swap3A_1453 : vector<1x16xf32> to vector<16xf32>
        %swap3A_1455 = vector.shape_cast %mul3A_1450 : vector<16xf32> to vector<1x16xf32>
        tpu.vector_store %arg11[%swap3A_1451, %swap3A_1452], %swap3A_1455 {strides = array<i32>} : memref<128x128xf32, #tpu.memory_space<vmem>>, vector<1x16xf32>,
        %get3A_1456 = arith.index_cast %add3A_1444 : i32 to index
        %get3A_1457 = arith.constant 16 : index
        %get3A_1458 = tpu.vector_load %arg11[%get3A_1456, %get3A_1457] {strides = array<i32>} : memref<128x128xf32, #tpu.memory_space<vmem>>, vector<1x16xf32>,
        %get3A_1459 = vector.shape_cast %get3A_1458 : vector<1x16xf32> to vector<16xf32>
        %mul3A_1460 = vector.broadcast %squeeze3A_1440 : f32 to vector<16xf32>
        %mul3A_1461 = arith.mulf %get3A_1459, %mul3A_1460 : vector<16xf32>
        %swap3A_1462 = arith.index_cast %add3A_1444 : i32 to index
        %swap3A_1463 = arith.constant 16 : index
        %swap3A_1464 = tpu.vector_load %arg11[%swap3A_1462, %swap3A_1463] {strides = array<i32>} : memref<128x128xf32, #tpu.memory_space<vmem>>, vector<1x16xf32>,
        %swap3A_1465 = vector.shape_cast %swap3A_1464 : vector<1x16xf32> to vector<16xf32>
        %swap3A_1466 = vector.shape_cast %mul3A_1461 : vector<16xf32> to vector<1x16xf32>
        tpu.vector_store %arg11[%swap3A_1462, %swap3A_1463], %swap3A_1466 {strides = array<i32>} : memref<128x128xf32, #tpu.memory_space<vmem>>, vector<1x16xf32>,
        %get3A_1467 = arith.index_cast %add3A_1444 : i32 to index
        %get3A_1468 = arith.constant 32 : index
        %get3A_1469 = tpu.vector_load %arg11[%get3A_1467, %get3A_1468] {strides = array<i32>} : memref<128x128xf32, #tpu.memory_space<vmem>>, vector<1x16xf32>,
        %get3A_1470 = vector.shape_cast %get3A_1469 : vector<1x16xf32> to vector<16xf32>
        %mul3A_1471 = vector.broadcast %squeeze3A_1440 : f32 to vector<16xf32>
        %mul3A_1472 = arith.mulf %get3A_1470, %mul3A_1471 : vector<16xf32>
        %swap3A_1473 = arith.index_cast %add3A_1444 : i32 to index
        %swap3A_1474 = arith.constant 32 : index
        %swap3A_1475 = tpu.vector_load %arg11[%swap3A_1473, %swap3A_1474] {strides = array<i32>} : memref<128x128xf32, #tpu.memory_space<vmem>>, vector<1x16xf32>,
        %swap3A_1476 = vector.shape_cast %swap3A_1475 : vector<1x16xf32> to vector<16xf32>
        %swap3A_1477 = vector.shape_cast %mul3A_1472 : vector<16xf32> to vector<1x16xf32>
        tpu.vector_store %arg11[%swap3A_1473, %swap3A_1474], %swap3A_1477 {strides = array<i32>} : memref<128x128xf32, #tpu.memory_space<vmem>>, vector<1x16xf32>,
        %get3A_1478 = arith.index_cast %add3A_1444 : i32 to index
        %get3A_1479 = arith.constant 48 : index
        %get3A_1480 = tpu.vector_load %arg11[%get3A_1478, %get3A_1479] {strides = array<i32>} : memref<128x128xf32, #tpu.memory_space<vmem>>, vector<1x16xf32>,
        %get3A_1481 = vector.shape_cast %get3A_1480 : vector<1x16xf32> to vector<16xf32>
        %mul3A_1482 = vector.broadcast %squeeze3A_1440 : f32 to vector<16xf32>
        %mul3A_1483 = arith.mulf %get3A_1481, %mul3A_1482 : vector<16xf32>
        %swap3A_1484 = arith.index_cast %add3A_1444 : i32 to index
        %swap3A_1485 = arith.constant 48 : index
        %swap3A_1486 = tpu.vector_load %arg11[%swap3A_1484, %swap3A_1485] {strides = array<i32>} : memref<128x128xf32, #tpu.memory_space<vmem>>, vector<1x16xf32>,
        %swap3A_1487 = vector.shape_cast %swap3A_1486 : vector<1x16xf32> to vector<16xf32>
        %swap3A_1488 = vector.shape_cast %mul3A_1483 : vector<16xf32> to vector<1x16xf32>
        tpu.vector_store %arg11[%swap3A_1484, %swap3A_1485], %swap3A_1488 {strides = array<i32>} : memref<128x128xf32, #tpu.memory_space<vmem>>, vector<1x16xf32>,
        %get3A_1489 = arith.index_cast %add3A_1444 : i32 to index
        %get3A_1490 = arith.constant 64 : index
        %get3A_1491 = tpu.vector_load %arg11[%get3A_1489, %get3A_1490] {strides = array<i32>} : memref<128x128xf32, #tpu.memory_space<vmem>>, vector<1x16xf32>,
        %get3A_1492 = vector.shape_cast %get3A_1491 : vector<1x16xf32> to vector<16xf32>
        %mul3A_1493 = vector.broadcast %squeeze3A_1440 : f32 to vector<16xf32>
        %mul3A_1494 = arith.mulf %get3A_1492, %mul3A_1493 : vector<16xf32>
        %swap3A_1495 = arith.index_cast %add3A_1444 : i32 to index
        %swap3A_1496 = arith.constant 64 : index
        %swap3A_1497 = tpu.vector_load %arg11[%swap3A_1495, %swap3A_1496] {strides = array<i32>} : memref<128x128xf32, #tpu.memory_space<vmem>>, vector<1x16xf32>,
        %swap3A_1498 = vector.shape_cast %swap3A_1497 : vector<1x16xf32> to vector<16xf32>
        %swap3A_1499 = vector.shape_cast %mul3A_1494 : vector<16xf32> to vector<1x16xf32>
        tpu.vector_store %arg11[%swap3A_1495, %swap3A_1496], %swap3A_1499 {strides = array<i32>} : memref<128x128xf32, #tpu.memory_space<vmem>>, vector<1x16xf32>,
        %get3A_1500 = arith.index_cast %add3A_1444 : i32 to index
        %get3A_1501 = arith.constant 80 : index
        %get3A_1502 = tpu.vector_load %arg11[%get3A_1500, %get3A_1501] {strides = array<i32>} : memref<128x128xf32, #tpu.memory_space<vmem>>, vector<1x16xf32>,
        %get3A_1503 = vector.shape_cast %get3A_1502 : vector<1x16xf32> to vector<16xf32>
        %mul3A_1504 = vector.broadcast %squeeze3A_1440 : f32 to vector<16xf32>
        %mul3A_1505 = arith.mulf %get3A_1503, %mul3A_1504 : vector<16xf32>
        %swap3A_1506 = arith.index_cast %add3A_1444 : i32 to index
        %swap3A_1507 = arith.constant 80 : index
        %swap3A_1508 = tpu.vector_load %arg11[%swap3A_1506, %swap3A_1507] {strides = array<i32>} : memref<128x128xf32, #tpu.memory_space<vmem>>, vector<1x16xf32>,
        %swap3A_1509 = vector.shape_cast %swap3A_1508 : vector<1x16xf32> to vector<16xf32>
        %swap3A_1510 = vector.shape_cast %mul3A_1505 : vector<16xf32> to vector<1x16xf32>
        tpu.vector_store %arg11[%swap3A_1506, %swap3A_1507], %swap3A_1510 {strides = array<i32>} : memref<128x128xf32, #tpu.memory_space<vmem>>, vector<1x16xf32>,
        %get3A_1511 = arith.index_cast %add3A_1444 : i32 to index
        %get3A_1512 = arith.constant 96 : index
        %get3A_1513 = tpu.vector_load %arg11[%get3A_1511, %get3A_1512] {strides = array<i32>} : memref<128x128xf32, #tpu.memory_space<vmem>>, vector<1x16xf32>,
        %get3A_1514 = vector.shape_cast %get3A_1513 : vector<1x16xf32> to vector<16xf32>
        %mul3A_1515 = vector.broadcast %squeeze3A_1440 : f32 to vector<16xf32>
        %mul3A_1516 = arith.mulf %get3A_1514, %mul3A_1515 : vector<16xf32>
        %swap3A_1517 = arith.index_cast %add3A_1444 : i32 to index
        %swap3A_1518 = arith.constant 96 : index
        %swap3A_1519 = tpu.vector_load %arg11[%swap3A_1517, %swap3A_1518] {strides = array<i32>} : memref<128x128xf32, #tpu.memory_space<vmem>>, vector<1x16xf32>,
        %swap3A_1520 = vector.shape_cast %swap3A_1519 : vector<1x16xf32> to vector<16xf32>
        %swap3A_1521 = vector.shape_cast %mul3A_1516 : vector<16xf32> to vector<1x16xf32>
        tpu.vector_store %arg11[%swap3A_1517, %swap3A_1518], %swap3A_1521 {strides = array<i32>} : memref<128x128xf32, #tpu.memory_space<vmem>>, vector<1x16xf32>,
        %get3A_1522 = arith.index_cast %add3A_1444 : i32 to index
        %get3A_1523 = arith.constant 112 : index
        %get3A_1524 = tpu.vector_load %arg11[%get3A_1522, %get3A_1523] {strides = array<i32>} : memref<128x128xf32, #tpu.memory_space<vmem>>, vector<1x16xf32>,
        %get3A_1525 = vector.shape_cast %get3A_1524 : vector<1x16xf32> to vector<16xf32>
        %mul3A_1526 = vector.broadcast %squeeze3A_1440 : f32 to vector<16xf32>
        %mul3A_1527 = arith.mulf %get3A_1525, %mul3A_1526 : vector<16xf32>
        %swap3A_1528 = arith.index_cast %add3A_1444 : i32 to index
        %swap3A_1529 = arith.constant 112 : index
        %swap3A_1530 = tpu.vector_load %arg11[%swap3A_1528, %swap3A_1529] {strides = array<i32>} : memref<128x128xf32, #tpu.memory_space<vmem>>, vector<1x16xf32>,
        %swap3A_1531 = vector.shape_cast %swap3A_1530 : vector<1x16xf32> to vector<16xf32>
        %swap3A_1532 = vector.shape_cast %mul3A_1527 : vector<16xf32> to vector<1x16xf32>
        tpu.vector_store %arg11[%swap3A_1528, %swap3A_1529], %swap3A_1532 {strides = array<i32>} : memref<128x128xf32, #tpu.memory_space<vmem>>, vector<1x16xf32>,
        %slice3A_1533 = vector.extract_strided_slice %get3A_125 {offsets = [15], sizes = [1], strides = [1]} : vector<16xf32> to vector<1xf32>
        %squeeze3A_1534 = vector.extract %slice3A_1533[0] : f32 from vector<1xf32>
        %mul3A_1535 = arith.constant 16 : i32
        %mul3A_1536 = arith.muli %scan3A_120, %mul3A_1535 : i32
        %add3A_1537 = arith.constant 15 : i32
        %add3A_1538 = arith.addi %mul3A_1536, %add3A_1537 : i32
        %get3A_1539 = arith.index_cast %add3A_1538 : i32 to index
        %get3A_1540 = arith.constant 0 : index
        %get3A_1541 = tpu.vector_load %arg11[%get3A_1539, %get3A_1540] {strides = array<i32>} : memref<128x128xf32, #tpu.memory_space<vmem>>, vector<1x16xf32>,
        %get3A_1542 = vector.shape_cast %get3A_1541 : vector<1x16xf32> to vector<16xf32>
        %mul3A_1543 = vector.broadcast %squeeze3A_1534 : f32 to vector<16xf32>
        %mul3A_1544 = arith.mulf %get3A_1542, %mul3A_1543 : vector<16xf32>
        %swap3A_1545 = arith.index_cast %add3A_1538 : i32 to index
        %swap3A_1546 = arith.constant 0 : index
        %swap3A_1547 = tpu.vector_load %arg11[%swap3A_1545, %swap3A_1546] {strides = array<i32>} : memref<128x128xf32, #tpu.memory_space<vmem>>, vector<1x16xf32>,
        %swap3A_1548 = vector.shape_cast %swap3A_1547 : vector<1x16xf32> to vector<16xf32>
        %swap3A_1549 = vector.shape_cast %mul3A_1544 : vector<16xf32> to vector<1x16xf32>
        tpu.vector_store %arg11[%swap3A_1545, %swap3A_1546], %swap3A_1549 {strides = array<i32>} : memref<128x128xf32, #tpu.memory_space<vmem>>, vector<1x16xf32>,
        %get3A_1550 = arith.index_cast %add3A_1538 : i32 to index
        %get3A_1551 = arith.constant 16 : index
        %get3A_1552 = tpu.vector_load %arg11[%get3A_1550, %get3A_1551] {strides = array<i32>} : memref<128x128xf32, #tpu.memory_space<vmem>>, vector<1x16xf32>,
        %get3A_1553 = vector.shape_cast %get3A_1552 : vector<1x16xf32> to vector<16xf32>
        %mul3A_1554 = vector.broadcast %squeeze3A_1534 : f32 to vector<16xf32>
        %mul3A_1555 = arith.mulf %get3A_1553, %mul3A_1554 : vector<16xf32>
        %swap3A_1556 = arith.index_cast %add3A_1538 : i32 to index
        %swap3A_1557 = arith.constant 16 : index
        %swap3A_1558 = tpu.vector_load %arg11[%swap3A_1556, %swap3A_1557] {strides = array<i32>} : memref<128x128xf32, #tpu.memory_space<vmem>>, vector<1x16xf32>,
        %swap3A_1559 = vector.shape_cast %swap3A_1558 : vector<1x16xf32> to vector<16xf32>
        %swap3A_1560 = vector.shape_cast %mul3A_1555 : vector<16xf32> to vector<1x16xf32>
        tpu.vector_store %arg11[%swap3A_1556, %swap3A_1557], %swap3A_1560 {strides = array<i32>} : memref<128x128xf32, #tpu.memory_space<vmem>>, vector<1x16xf32>,
        %get3A_1561 = arith.index_cast %add3A_1538 : i32 to index
        %get3A_1562 = arith.constant 32 : index
        %get3A_1563 = tpu.vector_load %arg11[%get3A_1561, %get3A_1562] {strides = array<i32>} : memref<128x128xf32, #tpu.memory_space<vmem>>, vector<1x16xf32>,
        %get3A_1564 = vector.shape_cast %get3A_1563 : vector<1x16xf32> to vector<16xf32>
        %mul3A_1565 = vector.broadcast %squeeze3A_1534 : f32 to vector<16xf32>
        %mul3A_1566 = arith.mulf %get3A_1564, %mul3A_1565 : vector<16xf32>
        %swap3A_1567 = arith.index_cast %add3A_1538 : i32 to index
        %swap3A_1568 = arith.constant 32 : index
        %swap3A_1569 = tpu.vector_load %arg11[%swap3A_1567, %swap3A_1568] {strides = array<i32>} : memref<128x128xf32, #tpu.memory_space<vmem>>, vector<1x16xf32>,
        %swap3A_1570 = vector.shape_cast %swap3A_1569 : vector<1x16xf32> to vector<16xf32>
        %swap3A_1571 = vector.shape_cast %mul3A_1566 : vector<16xf32> to vector<1x16xf32>
        tpu.vector_store %arg11[%swap3A_1567, %swap3A_1568], %swap3A_1571 {strides = array<i32>} : memref<128x128xf32, #tpu.memory_space<vmem>>, vector<1x16xf32>,
        %get3A_1572 = arith.index_cast %add3A_1538 : i32 to index
        %get3A_1573 = arith.constant 48 : index
        %get3A_1574 = tpu.vector_load %arg11[%get3A_1572, %get3A_1573] {strides = array<i32>} : memref<128x128xf32, #tpu.memory_space<vmem>>, vector<1x16xf32>,
        %get3A_1575 = vector.shape_cast %get3A_1574 : vector<1x16xf32> to vector<16xf32>
        %mul3A_1576 = vector.broadcast %squeeze3A_1534 : f32 to vector<16xf32>
        %mul3A_1577 = arith.mulf %get3A_1575, %mul3A_1576 : vector<16xf32>
        %swap3A_1578 = arith.index_cast %add3A_1538 : i32 to index
        %swap3A_1579 = arith.constant 48 : index
        %swap3A_1580 = tpu.vector_load %arg11[%swap3A_1578, %swap3A_1579] {strides = array<i32>} : memref<128x128xf32, #tpu.memory_space<vmem>>, vector<1x16xf32>,
        %swap3A_1581 = vector.shape_cast %swap3A_1580 : vector<1x16xf32> to vector<16xf32>
        %swap3A_1582 = vector.shape_cast %mul3A_1577 : vector<16xf32> to vector<1x16xf32>
        tpu.vector_store %arg11[%swap3A_1578, %swap3A_1579], %swap3A_1582 {strides = array<i32>} : memref<128x128xf32, #tpu.memory_space<vmem>>, vector<1x16xf32>,
        %get3A_1583 = arith.index_cast %add3A_1538 : i32 to index
        %get3A_1584 = arith.constant 64 : index
        %get3A_1585 = tpu.vector_load %arg11[%get3A_1583, %get3A_1584] {strides = array<i32>} : memref<128x128xf32, #tpu.memory_space<vmem>>, vector<1x16xf32>,
        %get3A_1586 = vector.shape_cast %get3A_1585 : vector<1x16xf32> to vector<16xf32>
        %mul3A_1587 = vector.broadcast %squeeze3A_1534 : f32 to vector<16xf32>
        %mul3A_1588 = arith.mulf %get3A_1586, %mul3A_1587 : vector<16xf32>
        %swap3A_1589 = arith.index_cast %add3A_1538 : i32 to index
        %swap3A_1590 = arith.constant 64 : index
        %swap3A_1591 = tpu.vector_load %arg11[%swap3A_1589, %swap3A_1590] {strides = array<i32>} : memref<128x128xf32, #tpu.memory_space<vmem>>, vector<1x16xf32>,
        %swap3A_1592 = vector.shape_cast %swap3A_1591 : vector<1x16xf32> to vector<16xf32>
        %swap3A_1593 = vector.shape_cast %mul3A_1588 : vector<16xf32> to vector<1x16xf32>
        tpu.vector_store %arg11[%swap3A_1589, %swap3A_1590], %swap3A_1593 {strides = array<i32>} : memref<128x128xf32, #tpu.memory_space<vmem>>, vector<1x16xf32>,
        %get3A_1594 = arith.index_cast %add3A_1538 : i32 to index
        %get3A_1595 = arith.constant 80 : index
        %get3A_1596 = tpu.vector_load %arg11[%get3A_1594, %get3A_1595] {strides = array<i32>} : memref<128x128xf32, #tpu.memory_space<vmem>>, vector<1x16xf32>,
        %get3A_1597 = vector.shape_cast %get3A_1596 : vector<1x16xf32> to vector<16xf32>
        %mul3A_1598 = vector.broadcast %squeeze3A_1534 : f32 to vector<16xf32>
        %mul3A_1599 = arith.mulf %get3A_1597, %mul3A_1598 : vector<16xf32>
        %swap3A_1600 = arith.index_cast %add3A_1538 : i32 to index
        %swap3A_1601 = arith.constant 80 : index
        %swap3A_1602 = tpu.vector_load %arg11[%swap3A_1600, %swap3A_1601] {strides = array<i32>} : memref<128x128xf32, #tpu.memory_space<vmem>>, vector<1x16xf32>,
        %swap3A_1603 = vector.shape_cast %swap3A_1602 : vector<1x16xf32> to vector<16xf32>
        %swap3A_1604 = vector.shape_cast %mul3A_1599 : vector<16xf32> to vector<1x16xf32>
        tpu.vector_store %arg11[%swap3A_1600, %swap3A_1601], %swap3A_1604 {strides = array<i32>} : memref<128x128xf32, #tpu.memory_space<vmem>>, vector<1x16xf32>,
        %get3A_1605 = arith.index_cast %add3A_1538 : i32 to index
        %get3A_1606 = arith.constant 96 : index
        %get3A_1607 = tpu.vector_load %arg11[%get3A_1605, %get3A_1606] {strides = array<i32>} : memref<128x128xf32, #tpu.memory_space<vmem>>, vector<1x16xf32>,
        %get3A_1608 = vector.shape_cast %get3A_1607 : vector<1x16xf32> to vector<16xf32>
        %mul3A_1609 = vector.broadcast %squeeze3A_1534 : f32 to vector<16xf32>
        %mul3A_1610 = arith.mulf %get3A_1608, %mul3A_1609 : vector<16xf32>
        %swap3A_1611 = arith.index_cast %add3A_1538 : i32 to index
        %swap3A_1612 = arith.constant 96 : index
        %swap3A_1613 = tpu.vector_load %arg11[%swap3A_1611, %swap3A_1612] {strides = array<i32>} : memref<128x128xf32, #tpu.memory_space<vmem>>, vector<1x16xf32>,
        %swap3A_1614 = vector.shape_cast %swap3A_1613 : vector<1x16xf32> to vector<16xf32>
        %swap3A_1615 = vector.shape_cast %mul3A_1610 : vector<16xf32> to vector<1x16xf32>
        tpu.vector_store %arg11[%swap3A_1611, %swap3A_1612], %swap3A_1615 {strides = array<i32>} : memref<128x128xf32, #tpu.memory_space<vmem>>, vector<1x16xf32>,
        %get3A_1616 = arith.index_cast %add3A_1538 : i32 to index
        %get3A_1617 = arith.constant 112 : index
        %get3A_1618 = tpu.vector_load %arg11[%get3A_1616, %get3A_1617] {strides = array<i32>} : memref<128x128xf32, #tpu.memory_space<vmem>>, vector<1x16xf32>,
        %get3A_1619 = vector.shape_cast %get3A_1618 : vector<1x16xf32> to vector<16xf32>
        %mul3A_1620 = vector.broadcast %squeeze3A_1534 : f32 to vector<16xf32>
        %mul3A_1621 = arith.mulf %get3A_1619, %mul3A_1620 : vector<16xf32>
        %swap3A_1622 = arith.index_cast %add3A_1538 : i32 to index
        %swap3A_1623 = arith.constant 112 : index
        %swap3A_1624 = tpu.vector_load %arg11[%swap3A_1622, %swap3A_1623] {strides = array<i32>} : memref<128x128xf32, #tpu.memory_space<vmem>>, vector<1x16xf32>,
        %swap3A_1625 = vector.shape_cast %swap3A_1624 : vector<1x16xf32> to vector<16xf32>
        %swap3A_1626 = vector.shape_cast %mul3A_1621 : vector<16xf32> to vector<1x16xf32>
        tpu.vector_store %arg11[%swap3A_1622, %swap3A_1623], %swap3A_1626 {strides = array<i32>} : memref<128x128xf32, #tpu.memory_space<vmem>>, vector<1x16xf32>,
      }
      %scan3A_119 = arith.constant 8 : i32
      "tpu.region"() ({
        %run_scoped3A = tpu.sem_alloc : memref<!tpu.dma_semaphore, #tpu.memory_space<semaphore_mem>>
        %dma_start3A_120 = arith.constant 0 : i32
        %dma_start3A_121 = tpu.memref_slice %arg9[%scan3A_93, %dma_start3A_120] : memref<79x128xi32, #tpu.memory_space<vmem>> -> memref<1x128xi32, #tpu.memory_space<vmem>>
        %dma_start3A_122 = tpu.memref_squeeze %dma_start3A_121 : memref<1x128xi32, #tpu.memory_space<vmem>> -> memref<128xi32, #tpu.memory_space<vmem>>
        %dma_start3A_123 = arith.constant 0 : i32
        %dma_start3A_124 = arith.constant 0 : i32
        %dma_start3A_125 = tpu.memref_slice %arg7[%dma_start3A_123, %dma_start3A_124] : memref<10240x128xf32, #tpu.memory_space<vmem_shared>> -> memref<10240x128xf32, #tpu.memory_space<vmem_shared>>
        tpu.enqueue_indirect_dma source(%arg11 : memref<128x128xf32, #tpu.memory_space<vmem>>) target(%dma_start3A_125 : memref<10240x128xf32, #tpu.memory_space<vmem_shared>>) offsets(%dma_start3A_122 : memref<128xi32, #tpu.memory_space<vmem>>) semaphore(%run_scoped3A : memref<!tpu.dma_semaphore, #tpu.memory_space<semaphore_mem>>) {add = true}
        %dma_wait3A_126 = arith.constant 0 : i32
        %dma_wait3A_127 = tpu.memref_slice %arg9[%scan3A_93, %dma_wait3A_126] : memref<79x128xi32, #tpu.memory_space<vmem>> -> memref<1x128xi32, #tpu.memory_space<vmem>>
        %dma_wait3A_128 = tpu.memref_squeeze %dma_wait3A_127 : memref<1x128xi32, #tpu.memory_space<vmem>> -> memref<128xi32, #tpu.memory_space<vmem>>
        %dma_wait3A_129 = arith.constant 0 : i32
        %dma_wait3A_130 = arith.constant 0 : i32
        %dma_wait3A_131 = tpu.memref_slice %arg7[%dma_wait3A_129, %dma_wait3A_130] : memref<10240x128xf32, #tpu.memory_space<vmem_shared>> -> memref<10240x128xf32, #tpu.memory_space<vmem_shared>>
        tpu.wait_indirect_dma semaphore(%run_scoped3A : memref<!tpu.dma_semaphore, #tpu.memory_space<semaphore_mem>>) src(%arg11 : memref<128x128xf32, #tpu.memory_space<vmem>>) dst(%dma_wait3A_131 : memref<10240x128xf32, #tpu.memory_space<vmem_shared>>)
        tpu.yield
      }) : () -> ()
    }
    %scan3A_87 = arith.constant 79 : i32
    %barrier3A_88 = arith.constant 0 : index
    tpu.barrier barrier_id(%barrier3A_88)
    %mul3A_89 = arith.constant 640 : i32
    %mul3A_90 = arith.muli %arg1, %mul3A_89 : i32
    %mul3A_91 = arith.constant 640 : i32
    %mul3A_92 = arith.muli %arg1, %mul3A_91 : i32
    "tpu.region"() ({
      %run_scoped3A = tpu.sem_alloc : memref<!tpu.dma_semaphore, #tpu.memory_space<semaphore_mem>>
      %dma_start3A_93 = arith.constant 0 : i32
      %dma_start3A_94 = arith.constant 0 : i32
      %dma_start3A_95 = tpu.memref_slice %arg6[%arg0, %dma_start3A_93, %dma_start3A_94] : memref<2x10240x128xf32, #tpu.memory_space<hbm>> -> memref<1x10240x128xf32, #tpu.memory_space<hbm>>
      %dma_start3A_96 = tpu.memref_squeeze %dma_start3A_95 : memref<1x10240x128xf32, #tpu.memory_space<hbm>> -> memref<10240x128xf32, #tpu.memory_space<hbm>>
      %dma_start3A_97 = arith.constant 0 : i32
      %dma_start3A_98 = tpu.memref_slice %dma_start3A_96[%mul3A_92, %dma_start3A_97] : memref<10240x128xf32, #tpu.memory_space<hbm>> -> memref<640x128xf32, #tpu.memory_space<hbm>>
      %dma_start3A_99 = arith.constant 0 : i32
      %dma_start3A_100 = tpu.memref_slice %arg7[%mul3A_90, %dma_start3A_99] : memref<10240x128xf32, #tpu.memory_space<vmem_shared>> -> memref<640x128xf32, #tpu.memory_space<vmem_shared>>
      tpu.enqueue_dma source(%dma_start3A_100 : memref<640x128xf32, #tpu.memory_space<vmem_shared>>) target(%dma_start3A_98 : memref<640x128xf32, #tpu.memory_space<hbm>>) target_semaphore(%run_scoped3A : memref<!tpu.dma_semaphore, #tpu.memory_space<semaphore_mem>>)
      %dma_wait3A_101 = arith.constant 0 : i32
      %dma_wait3A_102 = arith.constant 0 : i32
      %dma_wait3A_103 = tpu.memref_slice %arg6[%arg0, %dma_wait3A_101, %dma_wait3A_102] : memref<2x10240x128xf32, #tpu.memory_space<hbm>> -> memref<1x10240x128xf32, #tpu.memory_space<hbm>>
      %dma_wait3A_104 = tpu.memref_squeeze %dma_wait3A_103 : memref<1x10240x128xf32, #tpu.memory_space<hbm>> -> memref<10240x128xf32, #tpu.memory_space<hbm>>
      %dma_wait3A_105 = arith.constant 0 : i32
      %dma_wait3A_106 = tpu.memref_slice %dma_wait3A_104[%mul3A_92, %dma_wait3A_105] : memref<10240x128xf32, #tpu.memory_space<hbm>> -> memref<640x128xf32, #tpu.memory_space<hbm>>
      %dma_wait3A_107 = arith.constant 0 : i32
      %dma_wait3A_108 = tpu.memref_slice %arg7[%mul3A_90, %dma_wait3A_107] : memref<10240x128xf32, #tpu.memory_space<vmem_shared>> -> memref<640x128xf32, #tpu.memory_space<vmem_shared>>
      tpu.wait_dma2 semaphore(%run_scoped3A : memref<!tpu.dma_semaphore, #tpu.memory_space<semaphore_mem>>) src(%dma_wait3A_108 : memref<640x128xf32, #tpu.memory_space<vmem_shared>>) dst(%dma_wait3A_106 : memref<640x128xf32, #tpu.memory_space<hbm>>)
      tpu.yield
    }) : () -> ()
    return
  }
}

module attributes {stable_mosaic.version = 14 : i64} {
  func.func @_nf_body(%arg0: i32, %arg1: memref<1000x256xf32, #tpu.memory_space<vmem>>, %arg2: memref<256x256xf32, #tpu.memory_space<vmem>>, %arg3: memref<1x256xf32, #tpu.memory_space<vmem>>, %arg4: memref<2x1000x128xf32, #tpu.memory_space<vmem>>) attributes {dimension_semantics = [#tpu.dimension_semantics<arbitrary>], iteration_bounds = array<i64: 10>, scalar_prefetch = 0 : i64, scratch_operands = 0 : i64, tpu.core_type = #tpu.core_type<tc>, window_params = [{transform_indices = @transform_0, window_bounds = array<i64: 1000, 256>}, {pipeline_mode = #tpu.pipeline_mode<synchronous>, transform_indices = @transform_1, window_bounds = array<i64: 256, 256>}, {pipeline_mode = #tpu.pipeline_mode<synchronous>, transform_indices = @transform_2, window_bounds = array<i64: 1, 256>}, {transform_indices = @transform_3, window_bounds = array<i64: 2, 1000, 128>}]} {
    %get3A = arith.constant 0 : index
    %get3A_0 = arith.constant 0 : index
    %get3A_1 = vector.load %arg1[%get3A, %get3A_0] : memref<1000x256xf32, #tpu.memory_space<vmem>>, vector<1000x256xf32>
    %get3A_2 = arith.constant 0 : index
    %get3A_3 = arith.constant 0 : index
    %get3A_4 = vector.load %arg2[%get3A_2, %get3A_3] : memref<256x256xf32, #tpu.memory_space<vmem>>, vector<256x256xf32>
    %dot_general3A = arith.constant dense<0.000000e+00> : vector<1000x256xf32>
    %dot_general3A_5 = tpu.matmul %get3A_1, %get3A_4, %dot_general3A {dimension_numbers = #tpu.dot_dimension_numbers<[1], [1], [0], [0], [0, 0, 1, 0], [], []>, transpose_lhs_hint = false} : vector<1000x256xf32>, vector<256x256xf32>, vector<1000x256xf32> -> vector<1000x256xf32>
    %get3A_6 = arith.constant 0 : index
    %get3A_7 = arith.constant 0 : index
    %get3A_8 = vector.load %arg3[%get3A_6, %get3A_7] : memref<1x256xf32, #tpu.memory_space<vmem>>, vector<1x256xf32>
    %add3A = vector.broadcast %get3A_8 : vector<1x256xf32> to vector<1000x256xf32>
    %add3A_9 = arith.addf %dot_general3A_5, %add3A : vector<1000x256xf32>
    %slice3A = vector.extract_strided_slice %add3A_9 {offsets = [0, 0], sizes = [1000, 128], strides = [1, 1]} : vector<1000x256xf32> to vector<1000x128xf32>
    %swap3A = arith.constant 0 : index
    %swap3A_10 = arith.constant 0 : index
    %swap3A_11 = arith.constant 0 : index
    %swap3A_12 = vector.load %arg4[%swap3A, %swap3A_10, %swap3A_11] : memref<2x1000x128xf32, #tpu.memory_space<vmem>>, vector<1x1000x128xf32>
    %swap3A_13 = vector.shape_cast %swap3A_12 : vector<1x1000x128xf32> to vector<1000x128xf32>
    %swap3A_14 = vector.shape_cast %slice3A : vector<1000x128xf32> to vector<1x1000x128xf32>
    tpu.vector_store %arg4[%swap3A, %swap3A_10, %swap3A_11], %swap3A_14 {strides = array<i32>} : memref<2x1000x128xf32, #tpu.memory_space<vmem>>, vector<1x1000x128xf32>,
    %slice3A_15 = vector.extract_strided_slice %add3A_9 {offsets = [0, 128], sizes = [1000, 128], strides = [1, 1]} : vector<1000x256xf32> to vector<1000x128xf32>
    %swap3A_16 = arith.constant 1 : index
    %swap3A_17 = arith.constant 0 : index
    %swap3A_18 = arith.constant 0 : index
    %swap3A_19 = vector.load %arg4[%swap3A_16, %swap3A_17, %swap3A_18] : memref<2x1000x128xf32, #tpu.memory_space<vmem>>, vector<1x1000x128xf32>
    %swap3A_20 = vector.shape_cast %swap3A_19 : vector<1x1000x128xf32> to vector<1000x128xf32>
    %swap3A_21 = vector.shape_cast %slice3A_15 : vector<1000x128xf32> to vector<1x1000x128xf32>
    tpu.vector_store %arg4[%swap3A_16, %swap3A_17, %swap3A_18], %swap3A_21 {strides = array<i32>} : memref<2x1000x128xf32, #tpu.memory_space<vmem>>, vector<1x1000x128xf32>,
    return
  }
  func.func @transform_0(%arg0: i32) -> (i32, i32) {
    %c0_i32 = arith.constant 0 : i32
    %c0_i32_0 = arith.constant 0 : i32
    return %arg0, %c0_i32 : i32, i32
  }
  func.func @transform_1(%arg0: i32) -> (i32, i32) {
    %c0_i32 = arith.constant 0 : i32
    %c0_i32_0 = arith.constant 0 : i32
    %c0_i32_1 = arith.constant 0 : i32
    return %c0_i32, %c0_i32_0 : i32, i32
  }
  func.func @transform_2(%arg0: i32) -> (i32, i32) {
    %c0_i32 = arith.constant 0 : i32
    %c0_i32_0 = arith.constant 0 : i32
    %c0_i32_1 = arith.constant 0 : i32
    return %c0_i32, %c0_i32_0 : i32, i32
  }
  func.func @transform_3(%arg0: i32) -> (i32, i32, i32) {
    %c0_i32 = arith.constant 0 : i32
    %c0_i32_0 = arith.constant 0 : i32
    %c0_i32_1 = arith.constant 0 : i32
    return %c0_i32, %arg0, %c0_i32_0 : i32, i32, i32
  }
}

module attributes {stable_mosaic.version = 14 : i64} {
  func.func @_mlp_body(%arg0: i32, %arg1: memref<1000x256xf32, #tpu.memory_space<vmem>>, %arg2: memref<2x1000x128xf32, #tpu.memory_space<vmem>>, %arg3: memref<256x256xf32, #tpu.memory_space<vmem>>, %arg4: memref<256x512xf32, #tpu.memory_space<vmem>>, %arg5: memref<256x256xf32, #tpu.memory_space<vmem>>, %arg6: memref<1x256xf32, #tpu.memory_space<vmem>>, %arg7: memref<1x256xf32, #tpu.memory_space<vmem>>, %arg8: memref<1x256xf32, #tpu.memory_space<vmem>>, %arg9: memref<1000x256xf32, #tpu.memory_space<vmem>>) attributes {dimension_semantics = [#tpu.dimension_semantics<arbitrary>], iteration_bounds = array<i64: 10>, scalar_prefetch = 0 : i64, scratch_operands = 0 : i64, tpu.core_type = #tpu.core_type<tc>, window_params = [{transform_indices = @transform_0, window_bounds = array<i64: 1000, 256>}, {transform_indices = @transform_1, window_bounds = array<i64: 2, 1000, 128>}, {pipeline_mode = #tpu.pipeline_mode<synchronous>, transform_indices = @transform_2, window_bounds = array<i64: 256, 256>}, {pipeline_mode = #tpu.pipeline_mode<synchronous>, transform_indices = @transform_3, window_bounds = array<i64: 256, 512>}, {pipeline_mode = #tpu.pipeline_mode<synchronous>, transform_indices = @transform_4, window_bounds = array<i64: 256, 256>}, {pipeline_mode = #tpu.pipeline_mode<synchronous>, transform_indices = @transform_5, window_bounds = array<i64: 1, 256>}, {pipeline_mode = #tpu.pipeline_mode<synchronous>, transform_indices = @transform_6, window_bounds = array<i64: 1, 256>}, {pipeline_mode = #tpu.pipeline_mode<synchronous>, transform_indices = @transform_7, window_bounds = array<i64: 1, 256>}, {transform_indices = @transform_8, window_bounds = array<i64: 1000, 256>}]} {
    %get3A = arith.constant 0 : index
    %get3A_0 = arith.constant 0 : index
    %get3A_1 = vector.load %arg1[%get3A, %get3A_0] : memref<1000x256xf32, #tpu.memory_space<vmem>>, vector<1000x256xf32>
    %get3A_2 = arith.constant 0 : index
    %get3A_3 = arith.constant 0 : index
    %get3A_4 = vector.load %arg3[%get3A_2, %get3A_3] : memref<256x256xf32, #tpu.memory_space<vmem>>, vector<256x256xf32>
    %dot_general3A = arith.constant dense<0.000000e+00> : vector<1000x256xf32>
    %dot_general3A_5 = tpu.matmul %get3A_1, %get3A_4, %dot_general3A {dimension_numbers = #tpu.dot_dimension_numbers<[1], [1], [0], [0], [0, 0, 1, 0], [], []>, transpose_lhs_hint = false} : vector<1000x256xf32>, vector<256x256xf32>, vector<1000x256xf32> -> vector<1000x256xf32>
    %get3A_6 = arith.constant 0 : index
    %get3A_7 = arith.constant 0 : index
    %get3A_8 = vector.load %arg6[%get3A_6, %get3A_7] : memref<1x256xf32, #tpu.memory_space<vmem>>, vector<1x256xf32>
    %add3A = vector.broadcast %get3A_8 : vector<1x256xf32> to vector<1000x256xf32>
    %add3A_9 = arith.addf %dot_general3A_5, %add3A : vector<1000x256xf32>
    %get3A_10 = arith.constant 0 : index
    %get3A_11 = arith.constant 0 : index
    %get3A_12 = arith.constant 0 : index
    %get3A_13 = vector.load %arg2[%get3A_10, %get3A_11, %get3A_12] : memref<2x1000x128xf32, #tpu.memory_space<vmem>>, vector<1x1000x128xf32>
    %get3A_14 = vector.shape_cast %get3A_13 : vector<1x1000x128xf32> to vector<1000x128xf32>
    %get3A_15 = arith.constant 1 : index
    %get3A_16 = arith.constant 0 : index
    %get3A_17 = arith.constant 0 : index
    %get3A_18 = vector.load %arg2[%get3A_15, %get3A_16, %get3A_17] : memref<2x1000x128xf32, #tpu.memory_space<vmem>>, vector<1x1000x128xf32>
    %get3A_19 = vector.shape_cast %get3A_18 : vector<1x1000x128xf32> to vector<1000x128xf32>
    %concatenate3A = tpu.concatenate %get3A_14, %get3A_19 in 1 : vector<1000x128xf32>, vector<1000x128xf32> -> vector<1000x256xf32>
    %concatenate3A_20 = tpu.concatenate %add3A_9, %concatenate3A in 1 : vector<1000x256xf32>, vector<1000x256xf32> -> vector<1000x512xf32>
    %get3A_21 = arith.constant 0 : index
    %get3A_22 = arith.constant 0 : index
    %get3A_23 = vector.load %arg4[%get3A_21, %get3A_22] : memref<256x512xf32, #tpu.memory_space<vmem>>, vector<256x512xf32>
    %dot_general3A_24 = arith.constant dense<0.000000e+00> : vector<1000x256xf32>
    %dot_general3A_25 = tpu.matmul %concatenate3A_20, %get3A_23, %dot_general3A_24 {dimension_numbers = #tpu.dot_dimension_numbers<[1], [1], [0], [0], [0, 0, 1, 0], [], []>, transpose_lhs_hint = false} : vector<1000x512xf32>, vector<256x512xf32>, vector<1000x256xf32> -> vector<1000x256xf32>
    %get3A_26 = arith.constant 0 : index
    %get3A_27 = arith.constant 0 : index
    %get3A_28 = vector.load %arg7[%get3A_26, %get3A_27] : memref<1x256xf32, #tpu.memory_space<vmem>>, vector<1x256xf32>
    %add3A_29 = vector.broadcast %get3A_28 : vector<1x256xf32> to vector<1000x256xf32>
    %add3A_30 = arith.addf %dot_general3A_25, %add3A_29 : vector<1000x256xf32>
    %mul3A = arith.constant 5.000000e-01 : f32
    %mul3A_31 = vector.broadcast %mul3A : f32 to vector<1000x256xf32>
    %mul3A_32 = arith.mulf %mul3A_31, %add3A_30 : vector<1000x256xf32>
    %mul3A_33 = arith.constant 0.707106769 : f32
    %mul3A_34 = vector.broadcast %mul3A_33 : f32 to vector<1000x256xf32>
    %mul3A_35 = arith.mulf %add3A_30, %mul3A_34 : vector<1000x256xf32>
    %erf3A = math.erf %mul3A_35 : vector<1000x256xf32>
    %add3A_36 = arith.constant 1.000000e+00 : f32
    %add3A_37 = vector.broadcast %add3A_36 : f32 to vector<1000x256xf32>
    %add3A_38 = arith.addf %add3A_37, %erf3A : vector<1000x256xf32>
    %mul3A_39 = arith.mulf %mul3A_32, %add3A_38 : vector<1000x256xf32>
    %get3A_40 = arith.constant 0 : index
    %get3A_41 = arith.constant 0 : index
    %get3A_42 = vector.load %arg5[%get3A_40, %get3A_41] : memref<256x256xf32, #tpu.memory_space<vmem>>, vector<256x256xf32>
    %dot_general3A_43 = arith.constant dense<0.000000e+00> : vector<1000x256xf32>
    %dot_general3A_44 = tpu.matmul %mul3A_39, %get3A_42, %dot_general3A_43 {dimension_numbers = #tpu.dot_dimension_numbers<[1], [1], [0], [0], [0, 0, 1, 0], [], []>, transpose_lhs_hint = false} : vector<1000x256xf32>, vector<256x256xf32>, vector<1000x256xf32> -> vector<1000x256xf32>
    %get3A_45 = arith.constant 0 : index
    %get3A_46 = arith.constant 0 : index
    %get3A_47 = vector.load %arg8[%get3A_45, %get3A_46] : memref<1x256xf32, #tpu.memory_space<vmem>>, vector<1x256xf32>
    %add3A_48 = vector.broadcast %get3A_47 : vector<1x256xf32> to vector<1000x256xf32>
    %add3A_49 = arith.addf %dot_general3A_44, %add3A_48 : vector<1000x256xf32>
    %add3A_50 = arith.addf %get3A_1, %add3A_49 : vector<1000x256xf32>
    %swap3A = arith.constant 0 : index
    %swap3A_51 = arith.constant 0 : index
    %swap3A_52 = vector.load %arg9[%swap3A, %swap3A_51] : memref<1000x256xf32, #tpu.memory_space<vmem>>, vector<1000x256xf32>
    tpu.vector_store %arg9[%swap3A, %swap3A_51], %add3A_50 {strides = array<i32>} : memref<1000x256xf32, #tpu.memory_space<vmem>>, vector<1000x256xf32>,
    return
  }
  func.func @transform_0(%arg0: i32) -> (i32, i32) {
    %c0_i32 = arith.constant 0 : i32
    %c0_i32_0 = arith.constant 0 : i32
    return %arg0, %c0_i32 : i32, i32
  }
  func.func @transform_1(%arg0: i32) -> (i32, i32, i32) {
    %c0_i32 = arith.constant 0 : i32
    %c0_i32_0 = arith.constant 0 : i32
    %c0_i32_1 = arith.constant 0 : i32
    return %c0_i32, %arg0, %c0_i32_0 : i32, i32, i32
  }
  func.func @transform_2(%arg0: i32) -> (i32, i32) {
    %c0_i32 = arith.constant 0 : i32
    %c0_i32_0 = arith.constant 0 : i32
    %c0_i32_1 = arith.constant 0 : i32
    return %c0_i32, %c0_i32_0 : i32, i32
  }
  func.func @transform_3(%arg0: i32) -> (i32, i32) {
    %c0_i32 = arith.constant 0 : i32
    %c0_i32_0 = arith.constant 0 : i32
    %c0_i32_1 = arith.constant 0 : i32
    return %c0_i32, %c0_i32_0 : i32, i32
  }
  func.func @transform_4(%arg0: i32) -> (i32, i32) {
    %c0_i32 = arith.constant 0 : i32
    %c0_i32_0 = arith.constant 0 : i32
    %c0_i32_1 = arith.constant 0 : i32
    return %c0_i32, %c0_i32_0 : i32, i32
  }
  func.func @transform_5(%arg0: i32) -> (i32, i32) {
    %c0_i32 = arith.constant 0 : i32
    %c0_i32_0 = arith.constant 0 : i32
    %c0_i32_1 = arith.constant 0 : i32
    return %c0_i32, %c0_i32_0 : i32, i32
  }
  func.func @transform_6(%arg0: i32) -> (i32, i32) {
    %c0_i32 = arith.constant 0 : i32
    %c0_i32_0 = arith.constant 0 : i32
    %c0_i32_1 = arith.constant 0 : i32
    return %c0_i32, %c0_i32_0 : i32, i32
  }
  func.func @transform_7(%arg0: i32) -> (i32, i32) {
    %c0_i32 = arith.constant 0 : i32
    %c0_i32_0 = arith.constant 0 : i32
    %c0_i32_1 = arith.constant 0 : i32
    return %c0_i32, %c0_i32_0 : i32, i32
  }
  func.func @transform_8(%arg0: i32) -> (i32, i32) {
    %c0_i32 = arith.constant 0 : i32
    %c0_i32_0 = arith.constant 0 : i32
    return %arg0, %c0_i32 : i32, i32
  }
}

</mosaic_0001>

<sc_bundles>
// kernel: kernel.5.cloned.1.call-start
scs
__scs_entry_jumppad:
0x0: {  	(pc) =	sbr.rel $0x88, $3  }
0x1: {  	(tag) =	ssettag $0x0;
	lr =	simm.s32 $0x1  }
0x2: {  	[smem:$0x3F96] =	sst lr;
	_ =	strace $0xD0000000  }
0x3: {  	_ = 	snop  }
0x4: {  	_ = 	snop  }
0x5: {  	_ = 	snop  }
0x6: {  	_ = 	snop  }
0x7: {  	_ = 	snop  }
__scs_overlays_trampoline_lowered:
0x8: {  	[smem:$0x3FA5] =	sst s0  }
0x9: {  	[smem:$0x3FA6] =	sst s1  }
0xa: {  	[smem:$0x3FA7] =	sst s2  }
0xb: {  	[smem:$0x3FA8] =	sst s3  }
0xc: {  	[smem:$0x3FA9] =	sst s4  }
0xd: {  	[smem:$0x3FAA] =	sst s5  }
0xe: {  	[smem:$0x3FAB] =	sst s6  }
0xf: {  	[smem:$0x3FAC] =	sst s7  }
0x10: {  	[smem:$0x3FAD] =	sst s8  }
0x11: {  	[smem:$0x3FAE] =	sst s9;
	s0 =	simm.s32 @!p0 $0x0  }
0x12: {  	s1 =	sld [smem:$0x3F94];
	s0 =	simm.s32 @p0 $0x1  }
0x13: {  	[smem:$0x3FAF] =	sst s0;
	s0 =	simm.s32 @!p1 $0x0  }
0x14: {  	s2 =	sld [smem:$0x3F93];
	s0 =	simm.s32 @p1 $0x1  }
0x15: {  	[smem:$0x3FB0] =	sst s0;
	s0 =	simm.s32 @!p2 $0x0  }
0x16: {  	s3 =	sld [smem:$0x3FDB];
	s0 =	simm.s32 @p2 $0x1  }
0x17: {  	s4 =	simm.s32 $0x1BF5;
	[smem:$0x3FB2] =	sst s0  }
0x18: {  	s0 =	sld [smem:$0x3F95];
	_ =	swait.ge [sflag:s4], $0x0  }
0x19: {  	s7 =	sld [smem:$0x3F96]  }
0x1a: {  	s8 =	sadd.s32 $0xFFFFE003, lr  }
0x1b: {  	s9 =	sadd.s32 $0xFFFFFEF7, lr;
	s5 =	simm.s32 $0xFFFFFFFF;
	p2 =	slt.u32 s8, $0xFFFFF086  }
0x1c: {  	p1 =	slt.u32 s9, $0xF7A;
	s5 =	simm.s32 @!p2 $0x0  }
0x1d: {  	s5 =	simm.s32 @p1 $0x1;
	p0 =	seq.s32 s7, s2  }
0x1e: {  	s7 =	smul.u32 @!p0 $0xF7A, s2;
	p2 =	seq.s32 @!p0 s5, $0x0  }
0x1f: {  	s9 =	smul.u32 $0xF7A, s1;
	s8 =	simm.s32 @!p0 $0x1BF5;
	p2 =	por !p2, p0  }
0x20: {  	[sflag:s8] =	ssyncset.s32 @!p0 $0xFFFFF086;
	s6 =	sadd.s32 @!p0 s3, s7;
	s7 =	simm.s32 @!p0 $0x108  }
0x21: {  	s3 =	sadd.s32 s3, s9;
	s6 =	sadd.s32 @!p0 $0x88, s6;
	s7 =	simm.s32 @p2 $0x1082  }
0x22: {  	[simem:s7], [sflag:s8] =	dma.local @!p0 [hbm:s6], $0xF7A  }
0x23: {  	s9 =	sor.u32 $0xD0000000, s2;
	s6 =	simm.s32 $0x108;
	_ =	swait.ge @!p0 [sflag:s8], $0x0  }
0x24: {  	s3 =	sadd.s32 $0x88, s3;
	s6 =	simm.s32 @!p1 $0x1082;
	[sflag:s4] =	ssyncset.s32 $0xFFFFF086  }
0x25: {  	[simem:s6], [sflag:s4] =	dma.local [hbm:s3], $0xF7A  }
0x26: {  	[smem:$0x3F96] =	sst s1;
	(tag) =	ssettag s2;
	_ =	strace s9  }
0x27: {  	s1 =	sld [smem:$0x3FA6]  }
0x28: {  	s2 =	sld [smem:$0x3FA7]  }
0x29: {  	s4 =	sld [smem:$0x3FA9]  }
0x2a: {  	p0 =	seq.s32 s5, $0x0;
	s5 =	sld [smem:$0x3FAA]  }
0x2b: {  	s6 =	sld [smem:$0x3FAB]  }
0x2c: {  	s7 =	sld [smem:$0x3FAC]  }
0x2d: {  	s3 =	simm.s32 $0x108;
	s8 =	sld [smem:$0x3FAD]  }
0x2e: {  	s3 =	simm.s32 @!p0 $0x1082;
	s9 =	sld [smem:$0x3FAE]  }
0x2f: {  	lr =	sadd.s32 s0, s3;
	s0 =	sld [smem:$0x3FA5]  }
0x30: {  	s3 =	sld [smem:$0x3FA8]  }
0x31: {  	[smem:$0x3FB1] =	sst s10  }
0x32: {  	s10 =	sld [smem:$0x3FAF];
	_ =	sdelay $0x3  }
0x33: {  	p0 =	seq.s32 s10, $0x1;
	s10 =	sld [smem:$0x3FB1];
	_ =	sdelay $0x3  }
0x34: {  	[smem:$0x3FB1] =	sst s10  }
0x35: {  	s10 =	sld [smem:$0x3FB0];
	_ =	sdelay $0x3  }
0x36: {  	p1 =	seq.s32 s10, $0x1;
	s10 =	sld [smem:$0x3FB1];
	_ =	sdelay $0x3  }
0x37: {  	[smem:$0x3FB1] =	sst s10  }
0x38: {  	s10 =	sld [smem:$0x3FB2]  }
0x39: {  	_ = 	snop;
	(pc) =	sbr.ind lr, $3  }
0x3a: {  	_ = 	snop  }
0x3b: {  	_ = 	snop  }
0x3c: {  	p2 =	seq.s32 s10, $0x1;
	s10 =	sld [smem:$0x3FB1]  }
0x3d: {  	_ =	shalt  }
0x3e: {  	_ =	shalt  }
0x3f: {  	_ =	shalt  }
0x40: {  	_ =	shalt  }
0x41: {  	_ =	shalt  }
0x42: {  	_ =	shalt  }
0x43: {  	_ =	shalt  }
0x44: {  	_ =	shalt  }
0x45: {  	_ =	shalt  }
0x46: {  	_ =	shalt  }
0x47: {  	_ =	shalt  }
0x48: {  	_ =	shalt  }
0x49: {  	_ =	shalt  }
0x4a: {  	_ =	shalt  }
0x4b: {  	_ =	shalt  }
0x4c: {  	_ =	shalt  }
0x4d: {  	_ =	shalt  }
0x4e: {  	_ =	shalt  }
0x4f: {  	_ =	shalt  }
0x50: {  	_ =	shalt  }
0x51: {  	_ =	shalt  }
0x52: {  	_ =	shalt  }
0x53: {  	_ =	shalt  }
0x54: {  	_ =	shalt  }
0x55: {  	_ =	shalt  }
0x56: {  	_ =	shalt  }
0x57: {  	_ =	shalt  }
0x58: {  	_ =	shalt  }
0x59: {  	_ =	shalt  }
0x5a: {  	_ =	shalt  }
0x5b: {  	_ =	shalt  }
0x5c: {  	_ =	shalt  }
0x5d: {  	_ =	shalt  }
0x5e: {  	_ =	shalt  }
0x5f: {  	_ =	shalt  }
0x60: {  	_ =	shalt  }
0x61: {  	_ =	shalt  }
0x62: {  	_ =	shalt  }
0x63: {  	_ =	shalt  }
0x64: {  	_ =	shalt  }
0x65: {  	_ =	shalt  }
0x66: {  	_ =	shalt  }
0x67: {  	_ =	shalt  }
0x68: {  	_ =	shalt  }
0x69: {  	_ =	shalt  }
0x6a: {  	_ =	shalt  }
0x6b: {  	_ =	shalt  }
0x6c: {  	_ =	shalt  }
0x6d: {  	_ =	shalt  }
0x6e: {  	_ =	shalt  }
0x6f: {  	_ =	shalt  }
0x70: {  	_ =	shalt  }
0x71: {  	_ =	shalt  }
0x72: {  	_ =	shalt  }
0x73: {  	_ =	shalt  }
0x74: {  	_ =	shalt  }
0x75: {  	_ =	shalt  }
0x76: {  	_ =	shalt  }
0x77: {  	_ =	shalt  }
0x78: {  	_ =	shalt  }
0x79: {  	_ =	shalt  }
0x7a: {  	_ =	shalt  }
0x7b: {  	_ =	shalt  }
0x7c: {  	_ =	shalt  }
0x7d: {  	_ =	shalt  }
0x7e: {  	_ =	shalt  }
0x7f: {  	_ =	shalt  }
0x80: {  	_ =	shalt  }
0x81: {  	_ =	shalt  }
0x82: {  	_ =	shalt  }
0x83: {  	_ =	shalt  }
0x84: {  	_ =	shalt  }
0x85: {  	_ =	shalt  }
0x86: {  	_ =	shalt  }
0x87: {  	_ =	shalt  }
.Lfunc_end0:
.L_simem_size_0:
called_computation_lowered:
.L_overlay_start_0:
0x88: {  	s2 =	sld [smem:$0x3FD9]  }
0x89: {  	s3 =	sld [smem:$0x3FFE];
	_ =	sdelay $0x1  }
0x8a: {  	s1 =	srdreg.scid  }
0x8b: {  	s0 =	sand.u32 $0x1, s1  }
0x8c: {  	s17 =	sshll.u32 s0, $0xA;
	s2 =	sadd.s32 s3, s2  }
0x8d: {  	s2 =	sadd.s32 s2, s17  }
0x8e: {  	[smem:$0x3FBD] =	sst s2  }
0x8f: {  	_ = 	snop  }
0x90: {  	s2 =	sld [smem:$0x3FD0];
	(tm) =	ssettm $0x1  }
0x91: {  	s18 =	sld [smem:$0x3FFB];
	_ =	sdelay $0x3  }
0x92: {  	_ =	strace s18  }
0x93: {  	s3 =	sld [smem:$0x3FFC];
	_ =	sdelay $0x3  }
0x94: {  	_ =	strace s3  }
0x95: {  	s3 =	sld [smem:$0x3FFD];
	_ =	sdelay $0x3  }
0x96: {  	_ =	strace s3  }
0x97: {  	_ =	strace $0x8FFFFFFF  }
0x98: {  	s19 =	sld [smem:$0x3FDB];
	_ =	sdelay $0x1  }
0x99: {  	s4 =	simm.s32 $_scs_section_size  }
0x9a: {  	s5 =	simm.s32 $_size__tile_overlayer_lowered;
	s6 =	simm.s32 $_tile_overlayer_lowered  }
0x9b: {  	s22 =	simm.s32 $0x1BFF;
	s21 =	sshll.u32 s6, $0x1;
	s3 =	sadd.s32 s4, s19  }
0x9c: {  	s7 =	simm.s32 $0x0;
	s20 =	sshll.u32 s5, $0x1;
	s5 =	sadd.s32 s21, s3  }
0x9d: {  	[timem:s7], [sflag:s22] =	dma.local [hbm:s5], s20  }
0x9e: {  	_ =	swait.ge [sflag:s22], s20  }
0x9f: {  	s4 =	ssub.s32 $0x0, s20;
	[sflag:s22] =	ssyncset.done $0x0  }
0xa0: {  	[sflag:s22] =	ssyncadd.s32 s4;
	_ =	sdelay $0x1  }
0xa1: {  	s23 =	simm.s32 $0x1B8B  }
0xa2: {  	_ =	swait.ge [sflag:s23], $0x1  }
0xa3: {  	[sflag:s23] =	ssyncset.done $0x0  }
0xa4: {  	s25 =	simm.s32 $0x1B8E;
	s24 =	sld [smem:$0x3FFE];
	[sflag:s23] =	ssyncadd.s32 $0xFFFFFFFF  }
0xa5: {  	s26 =	simm.s32 $execute0_lowered;
	[smem:$0x3FD2] =	sst s25  }
0xa6: {  	s5 =	sshll.u32 s26, $0x1;
	_ =	strace $0x80000046;
	[dreg:$0x1] =	wrdreg $0xFFFFFFFF  }
0xa7: {  	s28 =	simm.s32 $_size_execute0_lowered;
	s3 =	sadd.s32 s3, s5;
	[dreg:$0x0] =	wrdreg $0x0  }
0xa8: {  	s5 =	sshll.u32 s28, $0x1;
	[dreg:$0x2] =	wrdreg s3  }
0xa9: {  	[dreg:$0x3] =	wrdreg s5  }
0xaa: {  	[dreg:$0x4] =	wrdreg $0xC0  }
0xab: {  	_ =	task [dreg:s7], $0x5FFFF  }
0xac: {  	[dreg:$0x1] =	wrdreg $0xFFFFFFFF  }
0xad: {  	[dreg:$0x0] =	wrdreg $0x60  }
0xae: {  	[dreg:$0x2] =	wrdreg s2  }
0xaf: {  	[dreg:$0x3] =	wrdreg s24  }
0xb0: {  	[dreg:$0x4] =	wrdreg $0x0  }
0xb1: {  	[dreg:$0x5] =	wrdreg $0x9  }
0xb2: {  	_ =	task.clear_ibuf [dreg:s7], $0x6FFFF;
	_ =	strace $0x90000046  }
0xb3: {  	s29 =	simm.s32 $0x9;
	_ =	strace $0x80000048  }
0xb4: {  	_ =	swait.ge [sflag:s29], $0x1  }
0xb5: {  	[sflag:s29] =	ssyncadd.s32 $0xFFFFFFFF  }
0xb6: {  	_ =	strace $0x90000048  }
0xb7: {  	_ =	sfence  }
0xb8: {  	s30 =	sld [smem:$0x0];
	_ =	sdelay $0x2  }
0xb9: {  	s31 =	sshll.u32 s1, $0xD;
	s1 =	sshrl.u32 s1, $0x2  }
0xba: {  	s3 =	sand.u32 $0x4000, s31;
	s1 =	sadd.s32 s1, s30  }
0xbb: {  	s0 =	sor.u32 s3, s0;
	s1 =	sshll.u32 s1, $0x11  }
0xbc: {  	s0 =	sor.u32 s1, s0  }
0xbd: {  	s0 =	sadd.s32 $0x8F2B, s0  }
0xbe: {  	[sflag:s0] =	ssyncadd.remote.s32 $0x1  }
0xbf: {  	_ =	sfence.sel $0xFFFF  }
0xc0: {  	[dreg:$0x0] =	wrdreg $0xFFFFFFFF;
	(pc) =	sbr.abs _section_cstart, $3  }
0xc1: {  	[dreg:$0x1] =	wrdreg $0xFFFFFFFF  }
0xc2: {  	_ =	task.clear_ibuf [dreg:s7], $0x2FFFF;
	_ =	strace $0x9FFFFFFF  }
0xc3: {  	(tm) =	ssettm $0x7FFFFFFF  }
tec
execute0_lowered:
.L_overlay_start_1:
0x0: {  	(tag) =	ssettag $0x1  }
0x1: {  	s12 =	rddreg [dreg:$0x0]  }
0x2: {  	s4 =	rddreg [dreg:$0x1]  }
0x3: {  	s2 =	rddreg [dreg:$0x2]  }
0x4: {  	s0 =	rddreg [dreg:$0x3];
	s1 =	stileid.u32  }
0x5: {  	s5 =	srdreg.scid;
	s3 =	simm.s32 $0x0;
	s16 =	simm.s32 $0x16800  }
0x6: {  	s17 =	simm.s32 $0x19000;
	s18 =	simm.s32 $0x1B800;
	s6 =	smul.u32 $0x500, s1  }
0x7: {  	s19 =	simm.s32 $0x1;
	s20 =	simm.s32 $0x80;
	s9 =	smul.u32 $0x50000, s1  }
0x8: {  	s24 =	simm.s32 $0x0;
	s7 =	sand.u32 $0x1, s5;
	s22 =	smul.u32 $0x2800, s1  }
0x9: {  	[smem:$0x7FF] =	sst s3;
	s31 =	sshll.u32 s1, $0x6;
	s5 =	smul.u32 $0x28000, s7  }
0xa: {  	_ =	strace $0x80000047;
	s8 =	ssub.s32 $0x2, s7;
	s15 =	smul.u32 $0x27100, s7  }
0xb: {  	s10 =	sadd.s32 s6, s4;
	s29 =	sshrl.u32 s8, $0x1;
	s30 =	sshrl.u32 s9, $0x2  }
0xc: {  	s13 =	sadd.s32 s5, s4;
	s14 =	ssub.s32 s8, s29;
	s4 =	sadd.s32 $0x6200, s10  }
0xd: {  	s5 =	sadd.s32 $0xB200, s10;
	s6 =	sadd.s32 s30, s2;
	s7 =	sadd.s32 $0x1200, s10  }
0xe: {  	s12 =	sadd.s32 s12, s15;
	s15 =	simm.s32 $0x2;
	s8 =	sadd.s32 $0x4000, s6  }
0xf: {  	s9 =	sadd.s32 $0x8000, s6;
	s10 =	sadd.s32 $0xC000, s6;
	s11 =	sadd.s32 $0x10000, s6  }
0x10: {  	s21 =	sadd.s32 $0x10200, s13;
	s13 =	smax.u32 s14, $0x1;
	s14 =	simm.s32 $0x14000  }
0x11: {  	v0 =	vimm.f32 $0.0e+00;
	s23 =	sshrl.u32 s6, $0x3;
	s21 =	sadd.s32 s22, s21;
	s22 =	sor.u32 $0x1C02, s31  }
.LBB2_1:
0x12: {  	[tilespmem:s14], [sflag:$0x2] =	stream.linear.gather [hbm4b:s4+s3], $0x2780, $0x38;
	[tilespmem:$0x1F800] =	vst v63  }
0x13: {  	_ =	swait.ge [sflag:s15], $0x2780  }
0x14: {  	[sflag:s15] =	ssyncset.done $0x0  }
0x15: {  	[sflag:s15] =	ssyncadd.s32 $0xFFFFD880  }
0x16: {  	[tilespmem:s16], [sflag:$0x2] =	stream.linear.gather [hbm4b:s5+s3], $0x2780, $0x38;
	[tilespmem:$0x1F800] =	vst v63  }
0x17: {  	_ =	swait.ge [sflag:s15], $0x2780  }
0x18: {  	[sflag:s15] =	ssyncset.done $0x0  }
0x19: {  	[sflag:s15] =	ssyncadd.s32 $0xFFFFD880  }
0x1a: {  	[tilespmem:s17], [sflag:$0x2] =	stream.linear.gather [hbm4b:s7+s3], $0x2780, $0x38;
	[tilespmem:$0x1F800] =	vst v63  }
0x1b: {  	_ =	swait.ge [sflag:s15], $0x2780  }
0x1c: {  	[sflag:s15] =	ssyncset.done $0x0  }
0x1d: {  	s25 =	simm.s32 $0x0;
	s26 =	simm.s32 $0x200;
	[sflag:s15] =	ssyncadd.s32 $0xFFFFD880  }
.LBB2_2:
0x1e: {  	p0 =	sne.s32 s26, $0xFE00;
	[tilespmem:s25+$0x1B870] =	vst v0  }
0x1f: {  	[tilespmem:s25+$0x1B800] =	vst v0  }
0x20: {  	[tilespmem:s25+$0x1B810] =	vst v0  }
.Ltmp0:
0x21: {  	[tilespmem:s25+$0x1B820] =	vst v0;
	(pc) =	sbr.rel @p0 .LBB2_2-.Ltmp0, $4  }
0x22: {  	[tilespmem:s25+$0x1B830] =	vst v0  }
0x23: {  	[tilespmem:s25+$0x1B840] =	vst v0  }
0x24: {  	[tilespmem:s25+$0x1B850] =	vst v0  }
0x25: {  	[tilespmem:s25+$0x1B860] =	vst v0;
	s25 =	sshra.s32 s26, $0x2;
	s26 =	sadd.s32 $0x200, s26  }
0x26: {  	[tilespmem:s25+$0x1B870] =	vst v0  }
0x27: {  	[tilespmem:s25+$0x1B800] =	vst v0  }
0x28: {  	[tilespmem:s25+$0x1B810] =	vst v0  }
0x29: {  	[tilespmem:s25+$0x1B820] =	vst v0  }
0x2a: {  	[tilespmem:s25+$0x1B830] =	vst v0  }
0x2b: {  	[tilespmem:s25+$0x1B840] =	vst v0  }
0x2c: {  	[tilespmem:s25+$0x1B850] =	vst v0  }
0x2d: {  	[tilespmem:s25+$0x1B860] =	vst v0  }
0x2e: {  	[spmem:s6] =	stream.linear.scatter [tilespmem:s18], [sflag:$0x1], $0x4000, $0x38;
	[tilespmem:$0x1F800] =	vst v63  }
0x2f: {  	_ = 	snop  }
0x30: {  	[spmem:s8] =	stream.linear.scatter [tilespmem:s18], [sflag:$0x1], $0x4000, $0x38;
	[tilespmem:$0x1F800] =	vst v63  }
0x31: {  	_ = 	snop  }
0x32: {  	[spmem:s9] =	stream.linear.scatter [tilespmem:s18], [sflag:$0x1], $0x4000, $0x38;
	[tilespmem:$0x1F800] =	vst v63  }
0x33: {  	_ = 	snop  }
0x34: {  	[spmem:s10] =	stream.linear.scatter [tilespmem:s18], [sflag:$0x1], $0x4000, $0x38;
	[tilespmem:$0x1F800] =	vst v63  }
0x35: {  	_ = 	snop  }
0x36: {  	[spmem:s11] =	stream.linear.scatter [tilespmem:s18], [sflag:$0x1], $0x4000, $0x38;
	[tilespmem:$0x1F800] =	vst v63  }
0x37: {  	_ =	swait.ge [sflag:s19], $0x4000  }
0x38: {  	[sflag:s19] =	ssyncset.done $0x0  }
0x39: {  	[sflag:s19] =	ssyncadd.s32 $0xFFFFC000  }
0x3a: {  	_ =	swait.ge [sflag:s19], $0x4000  }
0x3b: {  	[sflag:s19] =	ssyncset.done $0x0  }
0x3c: {  	[sflag:s19] =	ssyncadd.s32 $0xFFFFC000  }
0x3d: {  	_ =	swait.ge [sflag:s19], $0x4000  }
0x3e: {  	[sflag:s19] =	ssyncset.done $0x0  }
0x3f: {  	[sflag:s19] =	ssyncadd.s32 $0xFFFFC000  }
0x40: {  	_ =	swait.ge [sflag:s19], $0x4000  }
0x41: {  	[sflag:s19] =	ssyncset.done $0x0  }
0x42: {  	[sflag:s19] =	ssyncadd.s32 $0xFFFFC000  }
0x43: {  	_ =	swait.ge [sflag:s19], $0x4000  }
0x44: {  	[sflag:s19] =	ssyncset.done $0x0  }
0x45: {  	[sflag:s19] =	ssyncadd.s32 $0xFFFFC000  }
0x46: {  	s25 =	simm.s32 $0x0;
	[bflag:$0x0] =	sbarrier.arrive $0xFFFF  }
.LBB2_4:
0x47: {  	s26 =	sshll.u32 s25, $0x7  }
0x48: {  	s28 =	sadd.s32 $0x19000, s26  }
0x49: {  	s29 =	sadd.s32 $0x14000, s26;
	v1 =	vmov s28  }
0x4a: {  	[tilespmem:s18], [sflag:$0x1] =	stream.indirect.gather [hbm4b:s12+s20], $0x80, s29, s20, $0xb8;
	[tilespmem:$0x1F800] =	vst v63  }
0x4b: {  	_ =	swait.ge [sflag:s19], $0x4000  }
0x4c: {  	s28 =	simm.s32 $0x0;
	[sflag:s19] =	ssyncset.done $0x0  }
0x4d: {  	s29 =	simm.s32 $0x0;
	s28 =	sand.u32 $0x3FFFFFF0, s28;
	[sflag:s19] =	ssyncadd.s32 $0xFFFFC000  }
0x4e: {  	v2 =	vld.idx.msk [tilespmem:v1+s28+$0x0 ss:$0x1], $0xffff;
	s28 =	sand.u32 $0x3FFFF800, s29  }
0x4f: {  	v8 =	vld [tilespmem:s28+$0x1B8C0]  }
0x50: {  	v4 =	vld [tilespmem:s28+$0x1B820]  }
0x51: {  	v5 =	vld [tilespmem:s28+$0x1B830]  }
0x52: {  	v11 =	vld [tilespmem:s28+$0x1B860]  }
0x53: {  	v12 =	vld [tilespmem:s28+$0x1B870];
	v3 =	vbroadcast v2, $0x0  }
0x54: {  	v13 =	vld [tilespmem:s28+$0x1B880]  }
0x55: {  	v14 =	vld [tilespmem:s28+$0x1B890];
	v4 =	vmul.f32 v4, v3  }
0x56: {  	v15 =	vld [tilespmem:s28+$0x1B8A0];
	v5 =	vmul.f32 v5, v3  }
0x57: {  	v10 =	vld [tilespmem:s28+$0x1B8B0];
	v21 =	vbroadcast v2, $0x1;
	v20 =	vmul.f32 v11, v3;
	[tilespmem:s28+$0x1B820] =	vst v4  }
0x58: {  	v9 =	vld [tilespmem:s28+$0x1B8D0];
	v12 =	vmul.f32 v12, v3;
	[tilespmem:s28+$0x1B830] =	vst v5  }
0x59: {  	v7 =	vld [tilespmem:s28+$0x1BD70];
	v13 =	vmul.f32 v13, v21;
	[tilespmem:s28+$0x1B860] =	vst v20  }
0x5a: {  	v23 =	vld [tilespmem:s28+$0x1B8F0];
	v14 =	vmul.f32 v14, v21;
	[tilespmem:s28+$0x1B870] =	vst v12  }
0x5b: {  	v24 =	vld [tilespmem:s28+$0x1B900];
	v15 =	vmul.f32 v15, v21;
	[tilespmem:s28+$0x1B880] =	vst v13  }
0x5c: {  	v25 =	vld [tilespmem:s28+$0x1B910];
	v10 =	vmul.f32 v10, v21;
	[tilespmem:s28+$0x1B890] =	vst v14  }
0x5d: {  	v22 =	vld [tilespmem:s28+$0x1B8E0];
	v8 =	vmul.f32 v8, v21;
	[tilespmem:s28+$0x1B8A0] =	vst v15  }
0x5e: {  	v26 =	vld [tilespmem:s28+$0x1B920];
	v16 =	vbroadcast v2, $0x2;
	v9 =	vmul.f32 v9, v21;
	[tilespmem:s28+$0x1B8B0] =	vst v10  }
0x5f: {  	v27 =	vld [tilespmem:s28+$0x1B930];
	v11 =	vmul.f32 v23, v21;
	[tilespmem:s28+$0x1B8C0] =	vst v8  }
0x60: {  	v28 =	vld [tilespmem:s28+$0x1B940];
	v6 =	vbroadcast v2, $0xA;
	v30 =	vmul.f32 v24, v16;
	[tilespmem:s28+$0x1B8D0] =	vst v9  }
0x61: {  	v29 =	vld [tilespmem:s28+$0x1B950];
	v32 =	vmul.f32 v25, v16;
	[tilespmem:s28+$0x1B8F0] =	vst v11  }
0x62: {  	v31 =	vld [tilespmem:s28+$0x1B960];
	v4 =	vmul.f32 v7, v6;
	[tilespmem:s28+$0x1B900] =	vst v30  }
0x63: {  	v33 =	vld [tilespmem:s28+$0x1B970];
	v12 =	vmul.f32 v22, v21;
	[tilespmem:s28+$0x1B910] =	vst v32  }
0x64: {  	v34 =	vld [tilespmem:s28+$0x1B980];
	v10 =	vmul.f32 v26, v16;
	[tilespmem:s28+$0x1BD70] =	vst v4  }
0x65: {  	v35 =	vld [tilespmem:s28+$0x1B990];
	v8 =	vmul.f32 v27, v16;
	[tilespmem:s28+$0x1B8E0] =	vst v12  }
0x66: {  	v36 =	vld [tilespmem:s28+$0x1B9A0];
	v9 =	vmul.f32 v28, v16;
	[tilespmem:s28+$0x1B920] =	vst v10  }
0x67: {  	v37 =	vld [tilespmem:s28+$0x1B9B0];
	v39 =	vbroadcast v2, $0x3;
	v11 =	vmul.f32 v31, v16;
	[tilespmem:s28+$0x1B930] =	vst v8  }
0x68: {  	v38 =	vld [tilespmem:s28+$0x1B9C0];
	v13 =	vmul.f32 v33, v16;
	[tilespmem:s28+$0x1B940] =	vst v9  }
0x69: {  	v40 =	vld [tilespmem:s28+$0x1B9D0];
	v14 =	vmul.f32 v34, v39;
	[tilespmem:s28+$0x1B960] =	vst v11  }
0x6a: {  	v41 =	vld [tilespmem:s28+$0x1B9E0];
	v12 =	vmul.f32 v29, v16;
	[tilespmem:s28+$0x1B970] =	vst v13  }
0x6b: {  	v42 =	vld [tilespmem:s28+$0x1B9F0];
	v10 =	vmul.f32 v35, v39;
	[tilespmem:s28+$0x1B980] =	vst v14  }
0x6c: {  	v43 =	vld [tilespmem:s28+$0x1BA00];
	v8 =	vmul.f32 v36, v39;
	[tilespmem:s28+$0x1B950] =	vst v12  }
0x6d: {  	v44 =	vld [tilespmem:s28+$0x1BA10];
	v9 =	vmul.f32 v37, v39;
	[tilespmem:s28+$0x1B990] =	vst v10  }
0x6e: {  	v45 =	vld [tilespmem:s28+$0x1BA20];
	v11 =	vmul.f32 v40, v39;
	[tilespmem:s28+$0x1B9A0] =	vst v8  }
0x6f: {  	v46 =	vld [tilespmem:s28+$0x1BA30];
	v13 =	vmul.f32 v41, v39;
	[tilespmem:s28+$0x1B9B0] =	vst v9  }
0x70: {  	v47 =	vld [tilespmem:s28+$0x1BA40];
	v48 =	vbroadcast v2, $0x4;
	v14 =	vmul.f32 v42, v39;
	[tilespmem:s28+$0x1B9D0] =	vst v11  }
0x71: {  	v49 =	vld [tilespmem:s28+$0x1BA50];
	v12 =	vmul.f32 v38, v39;
	[tilespmem:s28+$0x1B9E0] =	vst v13  }
0x72: {  	v50 =	vld [tilespmem:s28+$0x1BA60];
	v10 =	vmul.f32 v43, v48;
	[tilespmem:s28+$0x1B9F0] =	vst v14  }
0x73: {  	v51 =	vld [tilespmem:s28+$0x1BA70];
	v8 =	vmul.f32 v44, v48;
	[tilespmem:s28+$0x1B9C0] =	vst v12  }
0x74: {  	v52 =	vld [tilespmem:s28+$0x1BA80];
	v9 =	vmul.f32 v45, v48;
	[tilespmem:s28+$0x1BA00] =	vst v10  }
0x75: {  	v53 =	vld [tilespmem:s28+$0x1BA90];
	v11 =	vmul.f32 v47, v48;
	[tilespmem:s28+$0x1BA10] =	vst v8  }
0x76: {  	v54 =	vld [tilespmem:s28+$0x1BAA0];
	v13 =	vmul.f32 v49, v48;
	[tilespmem:s28+$0x1BA20] =	vst v9  }
0x77: {  	v55 =	vld [tilespmem:s28+$0x1BAB0];
	v14 =	vmul.f32 v50, v48;
	[tilespmem:s28+$0x1BA40] =	vst v11  }
0x78: {  	v56 =	vld [tilespmem:s28+$0x1BAC0];
	v57 =	vbroadcast v2, $0x5;
	v12 =	vmul.f32 v46, v48;
	[tilespmem:s28+$0x1BA50] =	vst v13  }
0x79: {  	v58 =	vld [tilespmem:s28+$0x1BAD0];
	v10 =	vmul.f32 v51, v48;
	[tilespmem:s28+$0x1BA60] =	vst v14  }
0x7a: {  	v59 =	vld [tilespmem:s28+$0x1BAE0];
	v8 =	vmul.f32 v52, v57;
	[tilespmem:s28+$0x1BA30] =	vst v12  }
0x7b: {  	v60 =	vld [tilespmem:s28+$0x1BAF0];
	v9 =	vmul.f32 v53, v57;
	[tilespmem:s28+$0x1BA70] =	vst v10  }
0x7c: {  	v61 =	vld [tilespmem:s28+$0x1BB00];
	v11 =	vmul.f32 v55, v57;
	[tilespmem:s28+$0x1BA80] =	vst v8  }
0x7d: {  	v62 =	vld [tilespmem:s28+$0x1BB10];
	v13 =	vmul.f32 v56, v57;
	[tilespmem:s28+$0x1BA90] =	vst v9  }
0x7e: {  	v63 =	vld [tilespmem:s28+$0x1BB20];
	v14 =	vmul.f32 v58, v57;
	[tilespmem:s28+$0x1BAB0] =	vst v11  }
0x7f: {  	v20 =	vld [tilespmem:s28+$0x1BB30];
	v12 =	vmul.f32 v54, v57;
	[tilespmem:s28+$0x1BAC0] =	vst v13  }
0x80: {  	v21 =	vld [tilespmem:s28+$0x1BB40];
	v22 =	vbroadcast v2, $0x6;
	v10 =	vmul.f32 v59, v57;
	[tilespmem:s28+$0x1BAD0] =	vst v14  }
0x81: {  	v23 =	vld [tilespmem:s28+$0x1BB50];
	v8 =	vmul.f32 v60, v57;
	[tilespmem:s28+$0x1BAA0] =	vst v12  }
0x82: {  	v24 =	vld [tilespmem:s28+$0x1BB60];
	v9 =	vmul.f32 v61, v22;
	[tilespmem:s28+$0x1BAE0] =	vst v10  }
0x83: {  	v25 =	vld [tilespmem:s28+$0x1BB70];
	v11 =	vmul.f32 v63, v22;
	[tilespmem:s28+$0x1BAF0] =	vst v8  }
0x84: {  	v5 =	vld [tilespmem:s28+$0x1BD80];
	v13 =	vmul.f32 v20, v22;
	[tilespmem:s28+$0x1BB00] =	vst v9  }
0x85: {  	v27 =	vld [tilespmem:s28+$0x1BB90];
	v14 =	vmul.f32 v21, v22;
	[tilespmem:s28+$0x1BB20] =	vst v11  }
0x86: {  	v28 =	vld [tilespmem:s28+$0x1BBA0];
	v12 =	vmul.f32 v62, v22;
	[tilespmem:s28+$0x1BB30] =	vst v13  }
0x87: {  	v29 =	vld [tilespmem:s28+$0x1BBB0];
	v10 =	vmul.f32 v23, v22;
	[tilespmem:s28+$0x1BB40] =	vst v14  }
0x88: {  	v31 =	vbroadcast v2, $0x7;
	v53 =	vld [tilespmem:s28+$0x1BD00];
	v8 =	vmul.f32 v24, v22;
	[tilespmem:s28+$0x1BB10] =	vst v12  }
0x89: {  	v58 =	vld [tilespmem:s28+$0x1BD50];
	v9 =	vmul.f32 v25, v22;
	[tilespmem:s28+$0x1BB50] =	vst v10  }
0x8a: {  	v26 =	vld [tilespmem:s28+$0x1BB80];
	v11 =	vmul.f32 v27, v31;
	[tilespmem:s28+$0x1BB60] =	vst v8  }
0x8b: {  	v30 =	vld [tilespmem:s28+$0x1BBC0];
	v13 =	vmul.f32 v28, v31;
	[tilespmem:s28+$0x1BB70] =	vst v9  }
0x8c: {  	v32 =	vld [tilespmem:s28+$0x1BBD0];
	v14 =	vmul.f32 v29, v31;
	[tilespmem:s28+$0x1BB90] =	vst v11  }
0x8d: {  	v33 =	vld [tilespmem:s28+$0x1BBE0];
	v59 =	vmul.f32 v53, v6;
	[tilespmem:s28+$0x1BBA0] =	vst v13  }
0x8e: {  	v35 =	vld [tilespmem:s28+$0x1BC00];
	v21 =	vmul.f32 v58, v6;
	[tilespmem:s28+$0x1BBB0] =	vst v14  }
0x8f: {  	v36 =	vld [tilespmem:s28+$0x1BC10];
	v12 =	vmul.f32 v26, v31;
	[tilespmem:s28+$0x1BD00] =	vst v59  }
0x90: {  	v37 =	vld [tilespmem:s28+$0x1BC20];
	v10 =	vmul.f32 v30, v31;
	[tilespmem:s28+$0x1BD50] =	vst v21  }
0x91: {  	v7 =	vld [tilespmem:s28+$0x1BD90];
	v40 =	vbroadcast v2, $0x8;
	v8 =	vmul.f32 v32, v31;
	[tilespmem:s28+$0x1BB80] =	vst v12  }
0x92: {  	v34 =	vld [tilespmem:s28+$0x1BBF0];
	v9 =	vmul.f32 v33, v31;
	[tilespmem:s28+$0x1BBC0] =	vst v10  }
0x93: {  	v57 =	vld [tilespmem:s28+$0x1BD40];
	v11 =	vmul.f32 v35, v40;
	[tilespmem:s28+$0x1BBD0] =	vst v8  }
0x94: {  	v61 =	vld [tilespmem:s28+$0x1B800];
	v24 =	vbroadcast v2, $0xB;
	v13 =	vmul.f32 v36, v40;
	[tilespmem:s28+$0x1BBE0] =	vst v9  }
0x95: {  	v4 =	vld [tilespmem:s28+$0x1BFD0];
	v14 =	vmul.f32 v37, v40;
	[tilespmem:s28+$0x1BC00] =	vst v11  }
0x96: {  	v38 =	vld [tilespmem:s28+$0x1BC30];
	v5 =	vmul.f32 v5, v24;
	[tilespmem:s28+$0x1BC10] =	vst v13  }
0x97: {  	v39 =	vld [tilespmem:s28+$0x1BC40];
	v7 =	vmul.f32 v7, v24;
	[tilespmem:s28+$0x1BC20] =	vst v14  }
0x98: {  	v41 =	vld [tilespmem:s28+$0x1BC50];
	v19 =	vmul.f32 v57, v6;
	[tilespmem:s28+$0x1BD80] =	vst v5  }
0x99: {  	v43 =	vld [tilespmem:s28+$0x1BC70];
	v25 =	vmul.f32 v3, v61;
	[tilespmem:s28+$0x1BD90] =	vst v7  }
0x9a: {  	v44 =	vld [tilespmem:s28+$0x1BC80];
	v12 =	vmul.f32 v34, v31;
	[tilespmem:s28+$0x1BD40] =	vst v19  }
0x9b: {  	v45 =	vld [tilespmem:s28+$0x1BC90];
	v10 =	vmul.f32 v38, v40;
	[tilespmem:s28+$0x1B800] =	vst v25  }
0x9c: {  	v27 =	vld [tilespmem:s28+$0x1BDD0];
	v8 =	vmul.f32 v39, v40;
	[tilespmem:s28+$0x1BBF0] =	vst v12  }
0x9d: {  	v49 =	vbroadcast v2, $0x9;
	v29 =	vld [tilespmem:s28+$0x1BDF0];
	v9 =	vmul.f32 v41, v40;
	[tilespmem:s28+$0x1BC30] =	vst v10  }
0x9e: {  	v42 =	vld [tilespmem:s28+$0x1BC60];
	v11 =	vmul.f32 v43, v40;
	[tilespmem:s28+$0x1BC40] =	vst v8  }
0x9f: {  	v46 =	vld [tilespmem:s28+$0x1BCA0];
	v13 =	vmul.f32 v44, v49;
	[tilespmem:s28+$0x1BC50] =	vst v9  }
0xa0: {  	v47 =	vld [tilespmem:s28+$0x1BCB0];
	v14 =	vmul.f32 v45, v49;
	[tilespmem:s28+$0x1BC70] =	vst v11  }
0xa1: {  	v48 =	vld [tilespmem:s28+$0x1BCC0];
	v32 =	vmul.f32 v27, v24;
	[tilespmem:s28+$0x1BC80] =	vst v13  }
0xa2: {  	v51 =	vld [tilespmem:s28+$0x1BCE0];
	v7 =	vmul.f32 v29, v24;
	[tilespmem:s28+$0x1BC90] =	vst v14  }
0xa3: {  	v52 =	vld [tilespmem:s28+$0x1BCF0];
	v12 =	vmul.f32 v42, v40;
	[tilespmem:s28+$0x1BDD0] =	vst v32  }
0xa4: {  	v10 =	vmul.f32 v46, v49;
	[tilespmem:s28+$0x1BDF0] =	vst v7  }
0xa5: {  	v28 =	vld [tilespmem:s28+$0x1BDE0];
	v8 =	vmul.f32 v47, v49;
	[tilespmem:s28+$0x1BC60] =	vst v12  }
0xa6: {  	v30 =	vld [tilespmem:s28+$0x1BE00];
	v9 =	vmul.f32 v48, v49;
	[tilespmem:s28+$0x1BCA0] =	vst v10  }
0xa7: {  	v50 =	vld [tilespmem:s28+$0x1BCD0];
	v5 =	vbroadcast v2, $0xF;
	v11 =	vmul.f32 v51, v49;
	[tilespmem:s28+$0x1BCB0] =	vst v8  }
0xa8: {  	v54 =	vld [tilespmem:s28+$0x1BD10];
	v13 =	vmul.f32 v52, v49;
	[tilespmem:s28+$0x1BCC0] =	vst v9  }
0xa9: {  	v55 =	vld [tilespmem:s28+$0x1BD20];
	v35 =	vbroadcast v2, $0xC;
	v4 =	vmul.f32 v4, v5;
	[tilespmem:s28+$0x1BCE0] =	vst v11  }
0xaa: {  	v56 =	vld [tilespmem:s28+$0x1BD30];
	v40 =	vmul.f32 v28, v24;
	[tilespmem:s28+$0x1BCF0] =	vst v13  }
0xab: {  	v60 =	vld [tilespmem:s28+$0x1BD60];
	v16 =	vmul.f32 v30, v35;
	[tilespmem:s28+$0x1BFD0] =	vst v4  }
0xac: {  	v62 =	vld [tilespmem:s28+$0x1B810];
	v12 =	vmul.f32 v50, v49;
	[tilespmem:s28+$0x1BDE0] =	vst v40  }
0xad: {  	v63 =	vld [tilespmem:s28+$0x1B840];
	v10 =	vmul.f32 v54, v6;
	[tilespmem:s28+$0x1BE00] =	vst v16  }
0xae: {  	v20 =	vld [tilespmem:s28+$0x1B850];
	v8 =	vmul.f32 v55, v6;
	[tilespmem:s28+$0x1BCD0] =	vst v12  }
0xaf: {  	v33 =	vld [tilespmem:s28+$0x1BE30];
	v9 =	vmul.f32 v56, v6;
	[tilespmem:s28+$0x1BD10] =	vst v10  }
0xb0: {  	v61 =	vld [tilespmem:s28+$0x1BFF0];
	v6 =	vmul.f32 v60, v6;
	[tilespmem:s28+$0x1BD20] =	vst v8  }
0xb1: {  	v38 =	vld [tilespmem:s28+$0x1BE70];
	v13 =	vmul.f32 v62, v3;
	[tilespmem:s28+$0x1BD30] =	vst v9  }
0xb2: {  	v22 =	vld [tilespmem:s28+$0x1BDA0];
	v4 =	vmul.f32 v63, v3;
	[tilespmem:s28+$0x1BD60] =	vst v6  }
0xb3: {  	v23 =	vld [tilespmem:s28+$0x1BDB0];
	v3 =	vmul.f32 v20, v3;
	[tilespmem:s28+$0x1B810] =	vst v13  }
0xb4: {  	v26 =	vld [tilespmem:s28+$0x1BDC0];
	v62 =	vmul.f32 v33, v35;
	[tilespmem:s28+$0x1B840] =	vst v4  }
0xb5: {  	v31 =	vld [tilespmem:s28+$0x1BE10];
	v63 =	vmul.f32 v61, v5;
	[tilespmem:s28+$0x1B850] =	vst v3  }
0xb6: {  	v34 =	vld [tilespmem:s28+$0x1BE40];
	v16 =	vmul.f32 v38, v35;
	[tilespmem:s28+$0x1BE30] =	vst v62  }
0xb7: {  	v41 =	vld [tilespmem:s28+$0x1BEA0];
	v8 =	vmul.f32 v22, v24;
	[tilespmem:s28+$0x1BFF0] =	vst v63  }
0xb8: {  	v46 =	vld [tilespmem:s28+$0x1BEE0];
	v9 =	vmul.f32 v23, v24;
	[tilespmem:s28+$0x1BE70] =	vst v16  }
0xb9: {  	v6 =	vmul.f32 v26, v24;
	v3 =	vld [tilespmem:s28+$0x1BE90];
	[tilespmem:s28+$0x1BDA0] =	vst v8  }
0xba: {  	v36 =	vld [tilespmem:s28+$0x1BE50];
	v44 =	vbroadcast v2, $0xD;
	v10 =	vmul.f32 v31, v35;
	[tilespmem:s28+$0x1BDB0] =	vst v9  }
0xbb: {  	v37 =	vld [tilespmem:s28+$0x1BE60];
	v13 =	vmul.f32 v34, v35;
	[tilespmem:s28+$0x1BDC0] =	vst v6  }
0xbc: {  	v39 =	vld [tilespmem:s28+$0x1BE80];
	v12 =	vmul.f32 v41, v44;
	[tilespmem:s28+$0x1BE10] =	vst v10  }
0xbd: {  	v42 =	vld [tilespmem:s28+$0x1BEB0];
	v51 =	vmul.f32 v46, v44;
	[tilespmem:s28+$0x1BE40] =	vst v13  }
0xbe: {  	v48 =	vld [tilespmem:s28+$0x1BF10];
	[tilespmem:s28+$0x1BEA0] =	vst v12;
	v3 =	vmul.f32 v3, v44  }
0xbf: {  	v49 =	vld [tilespmem:s28+$0x1BF20];
	v9 =	vmul.f32 v36, v35;
	[tilespmem:s28+$0x1BEE0] =	vst v51  }
0xc0: {  	v6 =	vmul.f32 v37, v35;
	[tilespmem:s28+$0x1BE90] =	vst v3;
	v3 =	vld [tilespmem:s28+$0x1BF00]  }
0xc1: {  	v2 =	vbroadcast v2, $0xE;
	v50 =	vld [tilespmem:s28+$0x1BF30];
	v10 =	vmul.f32 v39, v44;
	[tilespmem:s28+$0x1BE50] =	vst v9  }
0xc2: {  	v45 =	vld [tilespmem:s28+$0x1BED0];
	v13 =	vmul.f32 v42, v44;
	[tilespmem:s28+$0x1BE60] =	vst v6  }
0xc3: {  	v47 =	vld [tilespmem:s28+$0x1BEF0];
	v12 =	vmul.f32 v48, v2;
	[tilespmem:s28+$0x1BE80] =	vst v10  }
0xc4: {  	v43 =	vld [tilespmem:s28+$0x1BEC0];
	v11 =	vmul.f32 v49, v2;
	[tilespmem:s28+$0x1BEB0] =	vst v13  }
0xc5: {  	v55 =	vld [tilespmem:s28+$0x1BF80];
	[tilespmem:s28+$0x1BF10] =	vst v12;
	v3 =	vmul.f32 v3, v2  }
0xc6: {  	v57 =	vld [tilespmem:s28+$0x1BFA0];
	v7 =	vmul.f32 v50, v2;
	[tilespmem:s28+$0x1BF20] =	vst v11  }
0xc7: {  	v6 =	vmul.f32 v45, v44;
	[tilespmem:s28+$0x1BF00] =	vst v3;
	v3 =	vld [tilespmem:s28+$0x1BF70]  }
0xc8: {  	v52 =	vld [tilespmem:s28+$0x1BF40];
	v10 =	vmul.f32 v47, v44;
	[tilespmem:s28+$0x1BF30] =	vst v7  }
0xc9: {  	v56 =	vld [tilespmem:s28+$0x1BF90];
	v9 =	vmul.f32 v43, v44;
	[tilespmem:s28+$0x1BED0] =	vst v6  }
0xca: {  	v54 =	vld [tilespmem:s28+$0x1BF60];
	v12 =	vmul.f32 v55, v5;
	[tilespmem:s28+$0x1BEF0] =	vst v10  }
0xcb: {  	v58 =	vld [tilespmem:s28+$0x1BFB0];
	v7 =	vmul.f32 v57, v5;
	[tilespmem:s28+$0x1BEC0] =	vst v9  }
0xcc: {  	v53 =	vld [tilespmem:s28+$0x1BF50];
	[tilespmem:s28+$0x1BF80] =	vst v12;
	v3 =	vmul.f32 v3, v2  }
0xcd: {  	v59 =	vld [tilespmem:s28+$0x1BFC0];
	v6 =	vmul.f32 v52, v2;
	[tilespmem:s28+$0x1BFA0] =	vst v7  }
0xce: {  	v60 =	vld [tilespmem:s28+$0x1BFE0];
	[tilespmem:s28+$0x1BF70] =	vst v3;
	v3 =	vmul.f32 v56, v5  }
0xcf: {  	v10 =	vmul.f32 v54, v2;
	[tilespmem:s28+$0x1BF40] =	vst v6  }
0xd0: {  	v4 =	vld [tilespmem:s28+$0x1BE20];
	[tilespmem:s28+$0x1BF90] =	vst v3;
	v3 =	vmul.f32 v58, v5  }
0xd1: {  	[tilespmem:s28+$0x1BF60] =	vst v10;
	v2 =	vmul.f32 v53, v2  }
0xd2: {  	[tilespmem:s28+$0x1BFB0] =	vst v3;
	v3 =	vmul.f32 v59, v5  }
0xd3: {  	[tilespmem:s28+$0x1BF50] =	vst v2;
	v5 =	vmul.f32 v60, v5  }
0xd4: {  	[tilespmem:s28+$0x1BFC0] =	vst v3  }
0xd5: {  	s29 =	simm.s32 $0x1;
	v3 =	vmul.f32 v4, v35;
	[tilespmem:s28+$0x1BFE0] =	vst v5  }
.LBB2_5:
0xd6: {  	s30 =	sshll.u32 s29, $0x4  }
0xd7: {  	p0 =	sne.s32 s29, $0x7;
	[tilespmem:s28+$0x1BE20] =	vst v3;
	s28 =	smov.u32 s29;
	s29 =	sadd.s32 $0x1, s29  }
0xd8: {  	s30 =	sand.u32 $0x3FFFFFF0, s30  }
0xd9: {  	v2 =	vld.idx.msk [tilespmem:v1+s30+$0x0 ss:$0x1], $0xffff  }
0xda: {  	s28 =	sshll.u32 s28, $0xB  }
0xdb: {  	s28 =	sand.u32 $0x3FFFF800, s28  }
0xdc: {  	v9 =	vld [tilespmem:s28+$0x1B8C0]  }
0xdd: {  	v10 =	vld [tilespmem:s28+$0x1B8D0]  }
0xde: {  	v11 =	vld [tilespmem:s28+$0x1B8B0]  }
0xdf: {  	v3 =	vbroadcast v2, $0x0;
	v8 =	vbroadcast v2, $0x4;
	v4 =	vld [tilespmem:s28+$0x1B820]  }
0xe0: {  	v6 =	vld [tilespmem:s28+$0x1B830]  }
0xe1: {  	v7 =	vld [tilespmem:s28+$0x1BD70]  }
0xe2: {  	v12 =	vld [tilespmem:s28+$0x1B860]  }
0xe3: {  	v13 =	vld [tilespmem:s28+$0x1B870]  }
0xe4: {  	v5 =	vbroadcast v2, $0xA;
	v4 =	vmul.f32 v4, v3;
	v14 =	vld [tilespmem:s28+$0x1B880]  }
0xe5: {  	v6 =	vmul.f32 v6, v3;
	v15 =	vld [tilespmem:s28+$0x1B890]  }
0xe6: {  	[tilespmem:s28+$0x1B820] =	vst v4;
	v16 =	vld [tilespmem:s28+$0x1B8A0];
	v4 =	vmul.f32 v7, v5  }
0xe7: {  	[tilespmem:s28+$0x1B830] =	vst v6;
	v7 =	vmul.f32 v12, v3;
	v12 =	vbroadcast v2, $0x1;
	v6 =	vld [tilespmem:s28+$0x1BD80]  }
0xe8: {  	v13 =	vmul.f32 v13, v3;
	[tilespmem:s28+$0x1BD70] =	vst v4;
	v4 =	vld [tilespmem:s28+$0x1BFD0]  }
0xe9: {  	[tilespmem:s28+$0x1B860] =	vst v7;
	v14 =	vmul.f32 v14, v12;
	v7 =	vld [tilespmem:s28+$0x1BD90]  }
0xea: {  	[tilespmem:s28+$0x1B870] =	vst v13;
	v13 =	vmul.f32 v15, v12;
	v15 =	vld [tilespmem:s28+$0x1B8E0]  }
0xeb: {  	[tilespmem:s28+$0x1B880] =	vst v14;
	v14 =	vmul.f32 v16, v12;
	v16 =	vld [tilespmem:s28+$0x1B8F0]  }
0xec: {  	v11 =	vmul.f32 v11, v12;
	[tilespmem:s28+$0x1B890] =	vst v13;
	v13 =	vld [tilespmem:s28+$0x1B900]  }
0xed: {  	v9 =	vmul.f32 v9, v12;
	[tilespmem:s28+$0x1B8A0] =	vst v14;
	v14 =	vld [tilespmem:s28+$0x1B910]  }
0xee: {  	v10 =	vmul.f32 v10, v12;
	[tilespmem:s28+$0x1B8B0] =	vst v11;
	v11 =	vld [tilespmem:s28+$0x1B920]  }
0xef: {  	[tilespmem:s28+$0x1B8C0] =	vst v9;
	v9 =	vmul.f32 v15, v12;
	v15 =	vbroadcast v2, $0x2;
	v17 =	vld [tilespmem:s28+$0x1B930]  }
0xf0: {  	[tilespmem:s28+$0x1B8D0] =	vst v10;
	v10 =	vmul.f32 v16, v12;
	v12 =	vld [tilespmem:s28+$0x1B940]  }
0xf1: {  	[tilespmem:s28+$0x1B8E0] =	vst v9;
	v9 =	vmul.f32 v13, v15;
	v13 =	vld [tilespmem:s28+$0x1B950]  }
0xf2: {  	[tilespmem:s28+$0x1B8F0] =	vst v10;
	v10 =	vmul.f32 v14, v15;
	v14 =	vld [tilespmem:s28+$0x1B960]  }
0xf3: {  	[tilespmem:s28+$0x1B900] =	vst v9;
	v9 =	vmul.f32 v11, v15;
	v11 =	vld [tilespmem:s28+$0x1B970]  }
0xf4: {  	[tilespmem:s28+$0x1B910] =	vst v10;
	v10 =	vmul.f32 v17, v15;
	v16 =	vld [tilespmem:s28+$0x1B980]  }
0xf5: {  	[tilespmem:s28+$0x1B920] =	vst v9;
	v9 =	vmul.f32 v12, v15;
	v12 =	vld [tilespmem:s28+$0x1B990]  }
0xf6: {  	[tilespmem:s28+$0x1B930] =	vst v10;
	v10 =	vmul.f32 v13, v15;
	v13 =	vld [tilespmem:s28+$0x1B9A0]  }
0xf7: {  	[tilespmem:s28+$0x1B940] =	vst v9;
	v9 =	vmul.f32 v14, v15;
	v14 =	vbroadcast v2, $0x3;
	v17 =	vld [tilespmem:s28+$0x1B9B0]  }
0xf8: {  	[tilespmem:s28+$0x1B950] =	vst v10;
	v10 =	vmul.f32 v11, v15;
	v11 =	vld [tilespmem:s28+$0x1B9C0]  }
0xf9: {  	[tilespmem:s28+$0x1B960] =	vst v9;
	v9 =	vmul.f32 v16, v14;
	v15 =	vld [tilespmem:s28+$0x1B9D0]  }
0xfa: {  	[tilespmem:s28+$0x1B970] =	vst v10;
	v10 =	vmul.f32 v12, v14;
	v12 =	vld [tilespmem:s28+$0x1B9E0]  }
0xfb: {  	[tilespmem:s28+$0x1B980] =	vst v9;
	v9 =	vmul.f32 v13, v14;
	v13 =	vld [tilespmem:s28+$0x1B9F0]  }
0xfc: {  	[tilespmem:s28+$0x1B990] =	vst v10;
	v10 =	vmul.f32 v17, v14;
	v16 =	vld [tilespmem:s28+$0x1BA00]  }
0xfd: {  	[tilespmem:s28+$0x1B9A0] =	vst v9;
	v9 =	vmul.f32 v11, v14;
	v11 =	vld [tilespmem:s28+$0x1BA10]  }
0xfe: {  	[tilespmem:s28+$0x1B9B0] =	vst v10;
	v10 =	vmul.f32 v15, v14;
	v15 =	vld [tilespmem:s28+$0x1BA20]  }
0xff: {  	[tilespmem:s28+$0x1B9C0] =	vst v9;
	v9 =	vmul.f32 v12, v14;
	v12 =	vld [tilespmem:s28+$0x1BA30]  }
0x100: {  	[tilespmem:s28+$0x1B9D0] =	vst v10;
	v10 =	vmul.f32 v13, v14;
	v13 =	vld [tilespmem:s28+$0x1BA40]  }
0x101: {  	[tilespmem:s28+$0x1B9E0] =	vst v9;
	v9 =	vmul.f32 v16, v8;
	v14 =	vld [tilespmem:s28+$0x1BA50]  }
0x102: {  	[tilespmem:s28+$0x1B9F0] =	vst v10;
	v10 =	vmul.f32 v11, v8;
	v11 =	vld [tilespmem:s28+$0x1BA60]  }
0x103: {  	[tilespmem:s28+$0x1BA00] =	vst v9;
	v9 =	vmul.f32 v15, v8;
	v15 =	vld [tilespmem:s28+$0x1BA70]  }
0x104: {  	[tilespmem:s28+$0x1BA10] =	vst v10;
	v10 =	vmul.f32 v12, v8;
	v12 =	vld [tilespmem:s28+$0x1BA80]  }
0x105: {  	[tilespmem:s28+$0x1BA20] =	vst v9;
	v9 =	vmul.f32 v13, v8;
	v13 =	vld [tilespmem:s28+$0x1BA90]  }
0x106: {  	[tilespmem:s28+$0x1BA30] =	vst v10;
	v10 =	vmul.f32 v14, v8;
	v14 =	vld [tilespmem:s28+$0x1BAA0]  }
0x107: {  	[tilespmem:s28+$0x1BA40] =	vst v9;
	v9 =	vmul.f32 v11, v8;
	v11 =	vbroadcast v2, $0x5;
	v16 =	vld [tilespmem:s28+$0x1BAB0]  }
0x108: {  	[tilespmem:s28+$0x1BA50] =	vst v10;
	v8 =	vmul.f32 v15, v8;
	v10 =	vld [tilespmem:s28+$0x1BAC0]  }
0x109: {  	[tilespmem:s28+$0x1BA60] =	vst v9;
	v9 =	vmul.f32 v12, v11;
	v12 =	vld [tilespmem:s28+$0x1BAD0]  }
0x10a: {  	[tilespmem:s28+$0x1BA70] =	vst v8;
	v8 =	vmul.f32 v13, v11;
	v13 =	vld [tilespmem:s28+$0x1BAE0]  }
0x10b: {  	[tilespmem:s28+$0x1BA80] =	vst v9;
	v9 =	vmul.f32 v14, v11;
	v14 =	vld [tilespmem:s28+$0x1BAF0]  }
0x10c: {  	[tilespmem:s28+$0x1BA90] =	vst v8;
	v8 =	vmul.f32 v16, v11;
	v15 =	vld [tilespmem:s28+$0x1BB00]  }
0x10d: {  	[tilespmem:s28+$0x1BAA0] =	vst v9;
	v9 =	vmul.f32 v10, v11;
	v10 =	vld [tilespmem:s28+$0x1BB10]  }
0x10e: {  	[tilespmem:s28+$0x1BAB0] =	vst v8;
	v8 =	vmul.f32 v12, v11;
	v12 =	vld [tilespmem:s28+$0x1BB20]  }
0x10f: {  	[tilespmem:s28+$0x1BAC0] =	vst v9;
	v9 =	vmul.f32 v13, v11;
	v13 =	vbroadcast v2, $0x6;
	v16 =	vld [tilespmem:s28+$0x1BB30]  }
0x110: {  	[tilespmem:s28+$0x1BAD0] =	vst v8;
	v8 =	vmul.f32 v14, v11;
	v11 =	vld [tilespmem:s28+$0x1BB40]  }
0x111: {  	[tilespmem:s28+$0x1BAE0] =	vst v9;
	v9 =	vmul.f32 v15, v13;
	v14 =	vld [tilespmem:s28+$0x1BB50]  }
0x112: {  	[tilespmem:s28+$0x1BAF0] =	vst v8;
	v8 =	vmul.f32 v10, v13;
	v10 =	vld [tilespmem:s28+$0x1BB60]  }
0x113: {  	[tilespmem:s28+$0x1BB00] =	vst v9;
	v9 =	vmul.f32 v12, v13;
	v12 =	vld [tilespmem:s28+$0x1BB70]  }
0x114: {  	[tilespmem:s28+$0x1BB10] =	vst v8;
	v8 =	vmul.f32 v16, v13;
	v15 =	vld [tilespmem:s28+$0x1BB80]  }
0x115: {  	[tilespmem:s28+$0x1BB20] =	vst v9;
	v9 =	vmul.f32 v11, v13;
	v11 =	vld [tilespmem:s28+$0x1BB90]  }
0x116: {  	[tilespmem:s28+$0x1BB30] =	vst v8;
	v8 =	vmul.f32 v14, v13;
	v14 =	vld [tilespmem:s28+$0x1BBA0]  }
0x117: {  	[tilespmem:s28+$0x1BB40] =	vst v9;
	v9 =	vmul.f32 v10, v13;
	v10 =	vbroadcast v2, $0x7;
	v16 =	vld [tilespmem:s28+$0x1BBB0]  }
0x118: {  	[tilespmem:s28+$0x1BB50] =	vst v8;
	v8 =	vmul.f32 v12, v13;
	v12 =	vld [tilespmem:s28+$0x1BBC0]  }
0x119: {  	[tilespmem:s28+$0x1BB60] =	vst v9;
	v9 =	vmul.f32 v15, v10;
	v13 =	vld [tilespmem:s28+$0x1BBD0]  }
0x11a: {  	[tilespmem:s28+$0x1BB70] =	vst v8;
	v8 =	vmul.f32 v11, v10;
	v11 =	vld [tilespmem:s28+$0x1BBE0]  }
0x11b: {  	[tilespmem:s28+$0x1BB80] =	vst v9;
	v9 =	vmul.f32 v14, v10;
	v14 =	vld [tilespmem:s28+$0x1BBF0]  }
0x11c: {  	[tilespmem:s28+$0x1BB90] =	vst v8;
	v8 =	vmul.f32 v16, v10;
	v15 =	vld [tilespmem:s28+$0x1BC00]  }
0x11d: {  	[tilespmem:s28+$0x1BBA0] =	vst v9;
	v9 =	vmul.f32 v12, v10;
	v12 =	vld [tilespmem:s28+$0x1BC10]  }
0x11e: {  	[tilespmem:s28+$0x1BBB0] =	vst v8;
	v8 =	vmul.f32 v13, v10;
	v13 =	vld [tilespmem:s28+$0x1BC20]  }
0x11f: {  	[tilespmem:s28+$0x1BBC0] =	vst v9;
	v9 =	vmul.f32 v11, v10;
	v11 =	vbroadcast v2, $0x8;
	v16 =	vld [tilespmem:s28+$0x1BC30]  }
0x120: {  	[tilespmem:s28+$0x1BBD0] =	vst v8;
	v8 =	vmul.f32 v14, v10;
	v10 =	vld [tilespmem:s28+$0x1BC40]  }
0x121: {  	[tilespmem:s28+$0x1BBE0] =	vst v9;
	v9 =	vmul.f32 v15, v11;
	v14 =	vld [tilespmem:s28+$0x1BC50]  }
0x122: {  	[tilespmem:s28+$0x1BBF0] =	vst v8;
	v8 =	vmul.f32 v12, v11;
	v12 =	vld [tilespmem:s28+$0x1BC60]  }
0x123: {  	[tilespmem:s28+$0x1BC00] =	vst v9;
	v9 =	vmul.f32 v13, v11;
	v13 =	vld [tilespmem:s28+$0x1BC70]  }
0x124: {  	[tilespmem:s28+$0x1BC10] =	vst v8;
	v8 =	vmul.f32 v16, v11;
	v15 =	vld [tilespmem:s28+$0x1BC80]  }
0x125: {  	[tilespmem:s28+$0x1BC20] =	vst v9;
	v9 =	vmul.f32 v10, v11;
	v10 =	vld [tilespmem:s28+$0x1BC90]  }
0x126: {  	[tilespmem:s28+$0x1BC30] =	vst v8;
	v8 =	vmul.f32 v14, v11;
	v14 =	vld [tilespmem:s28+$0x1BCA0]  }
0x127: {  	[tilespmem:s28+$0x1BC40] =	vst v9;
	v9 =	vmul.f32 v12, v11;
	v12 =	vbroadcast v2, $0x9;
	v16 =	vld [tilespmem:s28+$0x1BCB0]  }
0x128: {  	[tilespmem:s28+$0x1BC50] =	vst v8;
	v8 =	vmul.f32 v13, v11;
	v11 =	vld [tilespmem:s28+$0x1BCC0]  }
0x129: {  	[tilespmem:s28+$0x1BC60] =	vst v9;
	v9 =	vmul.f32 v15, v12;
	v13 =	vld [tilespmem:s28+$0x1BCD0]  }
0x12a: {  	[tilespmem:s28+$0x1BC70] =	vst v8;
	v8 =	vmul.f32 v10, v12;
	v10 =	vld [tilespmem:s28+$0x1BCE0]  }
0x12b: {  	[tilespmem:s28+$0x1BC80] =	vst v9;
	v9 =	vmul.f32 v14, v12;
	v14 =	vld [tilespmem:s28+$0x1BCF0]  }
0x12c: {  	[tilespmem:s28+$0x1BC90] =	vst v8;
	v8 =	vmul.f32 v16, v12;
	v15 =	vld [tilespmem:s28+$0x1BD00]  }
0x12d: {  	[tilespmem:s28+$0x1BCA0] =	vst v9;
	v9 =	vmul.f32 v11, v12;
	v11 =	vld [tilespmem:s28+$0x1BD10]  }
0x12e: {  	[tilespmem:s28+$0x1BCB0] =	vst v8;
	v8 =	vmul.f32 v13, v12;
	v13 =	vld [tilespmem:s28+$0x1BD20]  }
0x12f: {  	[tilespmem:s28+$0x1BCC0] =	vst v9;
	v9 =	vmul.f32 v10, v12;
	v10 =	vld [tilespmem:s28+$0x1BD30]  }
0x130: {  	[tilespmem:s28+$0x1BCD0] =	vst v8;
	v8 =	vmul.f32 v14, v12;
	v12 =	vld [tilespmem:s28+$0x1BD40]  }
0x131: {  	[tilespmem:s28+$0x1BCE0] =	vst v9;
	v9 =	vmul.f32 v15, v5;
	v14 =	vld [tilespmem:s28+$0x1BD50]  }
0x132: {  	[tilespmem:s28+$0x1BCF0] =	vst v8;
	v8 =	vmul.f32 v11, v5;
	v11 =	vld [tilespmem:s28+$0x1BD60]  }
0x133: {  	v15 =	vld [tilespmem:s28+$0x1B800];
	[tilespmem:s28+$0x1BD00] =	vst v9;
	v9 =	vmul.f32 v13, v5  }
0x134: {  	v13 =	vld [tilespmem:s28+$0x1B810];
	[tilespmem:s28+$0x1BD10] =	vst v8;
	v8 =	vmul.f32 v10, v5  }
0x135: {  	v10 =	vld [tilespmem:s28+$0x1B840];
	[tilespmem:s28+$0x1BD20] =	vst v9;
	v9 =	vmul.f32 v12, v5  }
0x136: {  	v12 =	vld [tilespmem:s28+$0x1B850];
	[tilespmem:s28+$0x1BD30] =	vst v8;
	v8 =	vmul.f32 v14, v5  }
0x137: {  	[tilespmem:s28+$0x1BD40] =	vst v9;
	v9 =	vmul.f32 v11, v5;
	v11 =	vbroadcast v2, $0xB;
	v14 =	vld [tilespmem:s28+$0x1BDA0]  }
0x138: {  	v5 =	vbroadcast v2, $0xF;
	v15 =	vmul.f32 v3, v15;
	[tilespmem:s28+$0x1BD50] =	vst v8;
	v8 =	vld [tilespmem:s28+$0x1BDB0]  }
0x139: {  	v13 =	vmul.f32 v13, v3;
	[tilespmem:s28+$0x1BD60] =	vst v9;
	v6 =	vmul.f32 v6, v11;
	v9 =	vld [tilespmem:s28+$0x1BDC0]  }
0x13a: {  	v7 =	vmul.f32 v7, v11;
	[tilespmem:s28+$0x1B800] =	vst v15;
	v10 =	vmul.f32 v10, v3;
	v15 =	vld [tilespmem:s28+$0x1BDD0]  }
0x13b: {  	v4 =	vmul.f32 v4, v5;
	v12 =	vmul.f32 v12, v3;
	[tilespmem:s28+$0x1BD80] =	vst v6;
	v3 =	vld [tilespmem:s28+$0x1BDE0]  }
0x13c: {  	[tilespmem:s28+$0x1BD90] =	vst v7;
	v6 =	vmul.f32 v14, v11;
	v7 =	vld [tilespmem:s28+$0x1BDF0]  }
0x13d: {  	v8 =	vmul.f32 v8, v11;
	v14 =	vld [tilespmem:s28+$0x1BE00];
	[tilespmem:s28+$0x1BFD0] =	vst v4  }
0x13e: {  	[tilespmem:s28+$0x1B810] =	vst v13;
	v4 =	vmul.f32 v9, v11;
	v9 =	vld [tilespmem:s28+$0x1BE10]  }
0x13f: {  	[tilespmem:s28+$0x1B840] =	vst v10;
	v10 =	vmul.f32 v15, v11;
	v13 =	vld [tilespmem:s28+$0x1BE20]  }
0x140: {  	v15 =	vbroadcast v2, $0xC;
	[tilespmem:s28+$0x1BDA0] =	vst v6;
	v6 =	vmul.f32 v3, v11;
	v16 =	vld [tilespmem:s28+$0x1BE30]  }
0x141: {  	[tilespmem:s28+$0x1BDD0] =	vst v10;
	v7 =	vmul.f32 v7, v11;
	v10 =	vld [tilespmem:s28+$0x1BE40]  }
0x142: {  	[tilespmem:s28+$0x1BDB0] =	vst v8;
	v3 =	vmul.f32 v14, v15;
	v8 =	vld [tilespmem:s28+$0x1BE50]  }
0x143: {  	[tilespmem:s28+$0x1BDC0] =	vst v4;
	v4 =	vmul.f32 v9, v15;
	v9 =	vld [tilespmem:s28+$0x1BE60]  }
0x144: {  	[tilespmem:s28+$0x1BE00] =	vst v3;
	v3 =	vmul.f32 v13, v15;
	v11 =	vld [tilespmem:s28+$0x1BE70]  }
0x145: {  	[tilespmem:s28+$0x1BE10] =	vst v4;
	v4 =	vld [tilespmem:s28+$0x1BE80]  }
0x146: {  	[tilespmem:s28+$0x1B850] =	vst v12;
	v10 =	vmul.f32 v10, v15;
	v12 =	vld [tilespmem:s28+$0x1BE90]  }
0x147: {  	[tilespmem:s28+$0x1BDE0] =	vst v6;
	v6 =	vmul.f32 v8, v15;
	v8 =	vld [tilespmem:s28+$0x1BEA0]  }
0x148: {  	[tilespmem:s28+$0x1BE40] =	vst v10;
	v9 =	vmul.f32 v9, v15;
	v10 =	vbroadcast v2, $0xD;
	v13 =	vld [tilespmem:s28+$0x1BEB0]  }
0x149: {  	[tilespmem:s28+$0x1BE50] =	vst v6;
	v6 =	vmul.f32 v11, v15;
	v11 =	vld [tilespmem:s28+$0x1BEC0]  }
0x14a: {  	[tilespmem:s28+$0x1BE60] =	vst v9;
	v4 =	vmul.f32 v4, v10;
	v9 =	vld [tilespmem:s28+$0x1BED0]  }
0x14b: {  	[tilespmem:s28+$0x1BE70] =	vst v6;
	v6 =	vmul.f32 v12, v10;
	v12 =	vld [tilespmem:s28+$0x1BEE0]  }
0x14c: {  	[tilespmem:s28+$0x1BE80] =	vst v4;
	v4 =	vmul.f32 v8, v10;
	v8 =	vld [tilespmem:s28+$0x1BEF0]  }
0x14d: {  	[tilespmem:s28+$0x1BE90] =	vst v6;
	v6 =	vmul.f32 v13, v10;
	v13 =	vld [tilespmem:s28+$0x1BF00]  }
0x14e: {  	[tilespmem:s28+$0x1BEA0] =	vst v4;
	v4 =	vmul.f32 v11, v10;
	v11 =	vld [tilespmem:s28+$0x1BF10]  }
0x14f: {  	[tilespmem:s28+$0x1BEB0] =	vst v6;
	v6 =	vmul.f32 v9, v10;
	v9 =	vld [tilespmem:s28+$0x1BF20]  }
0x150: {  	v2 =	vbroadcast v2, $0xE;
	[tilespmem:s28+$0x1BDF0] =	vst v7;
	v7 =	vmul.f32 v12, v10;
	v12 =	vld [tilespmem:s28+$0x1BF30]  }
0x151: {  	[tilespmem:s28+$0x1BED0] =	vst v6;
	v6 =	vmul.f32 v8, v10;
	v8 =	vld [tilespmem:s28+$0x1BF40]  }
0x152: {  	[tilespmem:s28+$0x1BEE0] =	vst v7;
	v7 =	vmul.f32 v13, v2;
	v10 =	vld [tilespmem:s28+$0x1BF50]  }
0x153: {  	[tilespmem:s28+$0x1BEF0] =	vst v6;
	v6 =	vmul.f32 v11, v2;
	v11 =	vld [tilespmem:s28+$0x1BF60]  }
0x154: {  	[tilespmem:s28+$0x1BF00] =	vst v7;
	v7 =	vmul.f32 v9, v2;
	v9 =	vld [tilespmem:s28+$0x1BF70]  }
0x155: {  	[tilespmem:s28+$0x1BF10] =	vst v6;
	v6 =	vmul.f32 v12, v2;
	v12 =	vld [tilespmem:s28+$0x1BF80]  }
0x156: {  	[tilespmem:s28+$0x1BF20] =	vst v7;
	v7 =	vmul.f32 v8, v2;
	v8 =	vld [tilespmem:s28+$0x1BF90]  }
0x157: {  	[tilespmem:s28+$0x1BF30] =	vst v6;
	v6 =	vmul.f32 v10, v2;
	v10 =	vld [tilespmem:s28+$0x1BFA0]  }
0x158: {  	[tilespmem:s28+$0x1BF40] =	vst v7;
	v7 =	vmul.f32 v11, v2;
	v11 =	vld [tilespmem:s28+$0x1BFB0]  }
0x159: {  	[tilespmem:s28+$0x1BEC0] =	vst v4;
	v2 =	vmul.f32 v9, v2;
	v4 =	vld [tilespmem:s28+$0x1BFC0]  }
0x15a: {  	[tilespmem:s28+$0x1BF60] =	vst v7;
	v7 =	vmul.f32 v12, v5;
	v9 =	vld [tilespmem:s28+$0x1BFE0]  }
0x15b: {  	[tilespmem:s28+$0x1BF70] =	vst v2;
	v2 =	vmul.f32 v8, v5;
	v8 =	vld [tilespmem:s28+$0x1BFF0]  }
0x15c: {  	[tilespmem:s28+$0x1BF80] =	vst v7;
	v7 =	vmul.f32 v10, v5  }
0x15d: {  	[tilespmem:s28+$0x1BF90] =	vst v2;
	v2 =	vmul.f32 v11, v5  }
0x15e: {  	v10 =	vmul.f32 v16, v15;
	[tilespmem:s28+$0x1BFA0] =	vst v7  }
0x15f: {  	[tilespmem:s28+$0x1BFB0] =	vst v2;
	v2 =	vmul.f32 v4, v5  }
.Ltmp1:
0x160: {  	[tilespmem:s28+$0x1BE30] =	vst v10;
	v4 =	vmul.f32 v8, v5;
	(pc) =	sbr.rel @p0 .LBB2_5-.Ltmp1, $4  }
0x161: {  	[tilespmem:s28+$0x1BFC0] =	vst v2  }
0x162: {  	v2 =	vmul.f32 v9, v5;
	[tilespmem:s28+$0x1BFF0] =	vst v4  }
0x163: {  	[tilespmem:s28+$0x1BF50] =	vst v6  }
0x164: {  	[tilespmem:s28+$0x1BFE0] =	vst v2  }
0x165: {  	s25 =	sadd.s32 $0x1, s25  }
0x166: {  	p0 =	sne.s32 s25, $0x4F  }
.Ltmp2:
0x167: {  	[tilespmem:s28+$0x1BE20] =	vst v3;
	s26 =	sadd.s32 $0x16800, s26;
	(pc) =	sbr.rel @p0 .LBB2_4-.Ltmp2, $4  }
0x168: {  	[spmem:s2] =	stream.indirect.scatter.add.f32 [tilespmem:s18], [sflag:$0x2], $0x80, s26, s20, $0xb8;
	[tilespmem:$0x1F800] =	vst v63  }
0x169: {  	_ =	swait.ge [sflag:s15], $0x4000  }
0x16a: {  	[sflag:s15] =	ssyncset.done $0x0  }
0x16b: {  	[sflag:s15] =	ssyncadd.s32 $0xFFFFC000  }
0x16c: {  	s24 =	sadd.s32 $0x1, s24  }
0x16d: {  	p0 =	sne.s32 s24, s13  }
.Ltmp3:
0x16e: {  	[bflag:$0x0] =	sbarrier.arrive $0xFFFF;
	(pc) =	sbr.rel @p0 .LBB2_1-.Ltmp3, $4  }
0x16f: {  	[hbm:s21], [sflag:s22] =	dma.local [spmem:s23], $0x2800  }
0x170: {  	_ =	swait.ge [sflag:s15], $0x2800  }
0x171: {  	[sflag:s15] =	ssyncset.done $0x0  }
0x172: {  	[sflag:s15] =	ssyncadd.s32 $0xFFFFD800  }
0x173: {  	_ =	sfence.sel $0x180000  }
0x174: {  	[bflag:$0x0] =	sbarrier.arrive $0xFFFF  }
0x175: {  	p0 =	sne.s32 s1, $0x0;
	_ =	strace $0x90000047  }
0x176: {  	s0 =	sadd.s32 @!p0 $0x100000, s0;
	[bflag:$0x2] =	sbarrier.arrive $0xFFFF  }
0x177: {  	[sflag:s0] =	ssyncadd.tile.s32 @!p0 $0x1;
	_ =	shalt  }
.Lfunc_end2:
_tile_overlayer_lowered:
.L_overlay_start_2:
0x178: {  	(tag) =	ssettag $0x2  }
0x179: {  	s0 =	rddreg [dreg:$0x0];
	s2 =	stileid.u32  }
0x17a: {  	s1 =	rddreg [dreg:$0x1];
	p0 =	sne.s32 s2, $0x0  }
0x17b: {  	s3 =	rddreg [dreg:$0x2];
	[bflag:$0x3] =	sbarrier.arrive $0xFFFF;
	s2 =	simm.s32 @!p0 $0x1C02  }
0x17c: {  	[timem:s3], [sflag:s2] =	dma.local @!p0 [hbm:s0], s1  }
0x17d: {  	s0 =	simm.s32 @!p0 $0x2  }
0x17e: {  	_ =	swait.ge @!p0 [sflag:s0], s1  }
0x17f: {  	s1 =	ssub.s32 @!p0 $0x0, s1;
	[sflag:s0] =	ssyncset.done @!p0 $0x0  }
0x180: {  	[sflag:s0] =	ssyncadd.s32 @!p0 s1  }
0x181: {  	[bflag:$0x3] =	sbarrier.arrive $0xFFFF  }
0x182: {  	_ =	shalt  }

</sc_bundles>
